<compile_context>
chip_gen: v7x
topology: tpu7x:2x2x1
jax: 0.10.2.dev20260603
libtpu: 0.0.44.dev20260713+nightly
codegen_flags: <defaults>
</compile_context>

<pallas_src>
import functools
import math

import jax
import jax.numpy as jnp
import numpy as np
from jax import lax
from jax.experimental import pallas as pl
from jax.experimental.pallas import tpu as pltpu
from jax.experimental.pallas import tpu_sc as plsc

T, R, N, E, D, H = 4, 2, 10000, 160000, 256, 256
G = T * R
BTOT = G * E
NC, NS = 2, 16
NW = NC * NS
EW = E // NW
CB = 40
CH = EW // CB
GK = 160
GSTEPS = BTOT // NW // GK
NB = 25
NBS = N // NB


def _make_pe():
    pe = np.zeros((T, H), dtype=np.float32)
    for i in range(T):
        for k in range(0, H, 2):
            div_term = math.exp(k * -math.log(100000.0) / H)
            pe[i][k] = math.sin((i + 1) * div_term)
            if k + 1 < H:
                pe[i][k + 1] = math.cos((i + 1) * div_term)
    return pe


_PE = _make_pe()



def _pre_body(x_ref, wg_ref, ar_ref, h_ref, er1_ref):
    h = jnp.dot(x_ref[0], wg_ref[0, 0], preferred_element_type=jnp.float32)
    h_ref[0] = h
    er = jnp.dot(h, ar_ref[pl.program_id(0)][:, None],
                 preferred_element_type=jnp.float32)
    er1_ref[0] = h[:, :128] * 0.0 + er


def _pre_call(x, Wg, ar8):
    return pl.pallas_call(
        _pre_body,
        grid=(G, NB),
        in_specs=[
            pl.BlockSpec((1, NBS, D), lambda g, i: (g // R, i, 0)),
            pl.BlockSpec((1, 1, D, H), lambda g, i: (g // R, g % R, 0, 0)),
            pl.BlockSpec((G, H), lambda g, i: (0, 0)),
        ],
        out_specs=[
            pl.BlockSpec((1, NBS, H), lambda g, i: (g, i, 0)),
            pl.BlockSpec((1, NBS, 128), lambda g, i: (g, i, 0)),
        ],
        out_shape=[
            jax.ShapeDtypeStruct((G, N, H), jnp.float32),
            jax.ShapeDtypeStruct((G, N, 128), jnp.float32),
        ],
    )(x, Wg, ar8)



def _idx_body(ei_ref, src_ref, dst_ref):
    g = pl.program_id(0)
    base = g * N
    ei = ei_ref[0, 0]
    src_ref[0, 0] = ei[0] + base
    dst_ref[0, 0] = ei[1] + base


def _idx_call(edge_index):
    return pl.pallas_call(
        _idx_body,
        grid=(G,),
        in_specs=[pl.BlockSpec((1, 1, 2, E), lambda g: (g // R, g % R, 0, 0))],
        out_specs=[
            pl.BlockSpec((1, 1, E), lambda g: (g, 0, 0)),
            pl.BlockSpec((1, 1, E), lambda g: (g, 0, 0)),
        ],
        out_shape=[
            jax.ShapeDtypeStruct((G, 1, E), jnp.int32),
            jax.ShapeDtypeStruct((G, 1, E), jnp.int32),
        ],
    )(edge_index)



def _make_gather(dt):
    mesh = plsc.VectorSubcoreMesh(core_axis_name="c", subcore_axis_name="s")
    b_per_w = BTOT // NW

    @functools.partial(
        pl.kernel,
        mesh=mesh,
        out_type=jax.ShapeDtypeStruct((BTOT, dt), jnp.float32),
        scratch_types=[
            pltpu.VMEM((GK,), jnp.int32),
            pltpu.VMEM((GK, dt), jnp.float32),
            pltpu.SemaphoreType.DMA,
        ],
    )
    def gath(table_hbm, idx_hbm, out_hbm, idx_v, rows_v, sem):
        wid = lax.axis_index("s") * NC + lax.axis_index("c")
        base = wid * b_per_w

        def body(j, carry):
            off = base + j * GK
            pltpu.sync_copy(idx_hbm.at[pl.ds(off, GK)], idx_v)
            pltpu.async_copy(table_hbm.at[idx_v], rows_v, sem).wait()
            pltpu.sync_copy(rows_v, out_hbm.at[pl.ds(off, GK)])
            return carry

        lax.fori_loop(0, GSTEPS, body, 0)

    return gath


_gather_h = _make_gather(H)
_gather_e = _make_gather(128)



EB = 640
EBLKS = E // EB


def _edge_body(hs_ref, erd_ref, al_ref, wh0_ref, wh1_ref, whz_ref):
    hs = hs_ref[...]
    el = jnp.dot(hs, al_ref[pl.program_id(0)][:, None],
                 preferred_element_type=jnp.float32)
    e = el + erd_ref[:, 0:1]
    e = jnp.where(e > 0, e, 0.2 * e)
    w = jnp.exp(e)
    wh = hs * w
    wh0_ref[...] = wh[:, :128]
    wh1_ref[...] = wh[:, 128:]
    whz_ref[...] = hs[:, :128] * 0.0 + w


def _edge_call(hs, erd, al8):
    return pl.pallas_call(
        _edge_body,
        grid=(G, EBLKS),
        in_specs=[
            pl.BlockSpec((EB, H), lambda g, i: (g * EBLKS + i, 0)),
            pl.BlockSpec((EB, 128), lambda g, i: (g * EBLKS + i, 0)),
            pl.BlockSpec((G, H), lambda g, i: (0, 0)),
        ],
        out_specs=[
            pl.BlockSpec((EB, 128), lambda g, i: (g * EBLKS + i, 0)),
            pl.BlockSpec((EB, 128), lambda g, i: (g * EBLKS + i, 0)),
            pl.BlockSpec((EB, 128), lambda g, i: (g * EBLKS + i, 0)),
        ],
        out_shape=[
            jax.ShapeDtypeStruct((BTOT, 128), jnp.float32),
            jax.ShapeDtypeStruct((BTOT, 128), jnp.float32),
            jax.ShapeDtypeStruct((BTOT, 128), jnp.float32),
        ],
    )(hs, erd, al8)



_scatter_mesh = plsc.VectorSubcoreMesh(core_axis_name="c", subcore_axis_name="s")


@functools.partial(
    pl.kernel,
    mesh=_scatter_mesh,
    out_type=jax.ShapeDtypeStruct((G, NC, N, 128), jnp.float32),
    scratch_types=[
        pltpu.VMEM((CH, CB), jnp.int32),
        pltpu.VMEM((CB, 128), jnp.float32),
        pltpu.VMEM_SHARED((N, 128), jnp.float32),
    ],
)
def _scatter(wh_hbm, dst_hbm, z128_hbm, num_hbm, dst_v, rows_v, shn):
    cid = lax.axis_index("c")
    sid = lax.axis_index("s")
    wid = sid * NC + cid

    def graph_body(g, carry):
        @pl.when(sid == 0)
        def _():
            pltpu.sync_copy(z128_hbm, shn)

        plsc.subcore_barrier()
        pltpu.sync_copy(dst_hbm.at[g, wid], dst_v)
        ebase = g * E + wid * EW

        def chunk(ch, c2):
            off = ebase + ch * CB
            pltpu.sync_copy(wh_hbm.at[pl.ds(off, CB)], rows_v)
            pltpu.sync_copy(rows_v, shn.at[dst_v.at[ch]], add=True)
            return c2

        lax.fori_loop(0, CH, chunk, 0)
        plsc.subcore_barrier()

        @pl.when(sid == 0)
        def _():
            pltpu.sync_copy(shn, num_hbm.at[g, cid])

        plsc.subcore_barrier()
        return carry

    lax.fori_loop(0, G, graph_body, 0)



def _hrel_block(n0, n1, z, t, r):
    g = t * R + r
    num = jnp.concatenate([n0[g, 0] + n0[g, 1], n1[g, 0] + n1[g, 1]], axis=-1)
    zz = z[g, 0, :, 0:1] + z[g, 1, :, 0:1]
    return num / (zz + 1e-9)


def _e1_body(n0_ref, n1_ref, z_ref, w1_ref, b1_ref, w2b_ref, part_ref):
    n0 = n0_ref[...]
    n1 = n1_ref[...]
    z = z_ref[...]
    rows = []
    for t in range(T):
        vals = []
        for r in range(R):
            hr = _hrel_block(n0, n1, z, t, r)
            s = jnp.dot(jnp.tanh(jnp.dot(hr, w1_ref[t], preferred_element_type=jnp.float32)
                                 + b1_ref[t][None, :]),
                        w2b_ref[t], preferred_element_type=jnp.float32)
            vals.append(jnp.sum(s, axis=0, keepdims=True))
        rows.append(jnp.concatenate(vals, axis=0)[None])
    part_ref[0] = jnp.concatenate(rows, axis=0)


def _e1_call(num0, num1, z, W1, b1, W2b):
    return pl.pallas_call(
        _e1_body,
        grid=(NB,),
        in_specs=[
            pl.BlockSpec((G, NC, NBS, 128), lambda i: (0, 0, i, 0)),
            pl.BlockSpec((G, NC, NBS, 128), lambda i: (0, 0, i, 0)),
            pl.BlockSpec((G, NC, NBS, 128), lambda i: (0, 0, i, 0)),
            pl.BlockSpec((T, H, H), lambda i: (0, 0, 0)),
            pl.BlockSpec((T, H), lambda i: (0, 0)),
            pl.BlockSpec((T, H, 128), lambda i: (0, 0, 0)),
        ],
        out_specs=pl.BlockSpec((1, T, R, 128), lambda i: (i, 0, 0, 0)),
        out_shape=jax.ShapeDtypeStruct((NB, T, R, 128), jnp.float32),
    )(num0, num1, z, W1, b1, W2b)



def _e2_body(n0_ref, n1_ref, z_ref, part_ref, x_ref,
             wp_ref, bp_ref, wq_ref, wk_ref, wv_ref, wfc_ref, bfc_ref,
             wres_ref, bres_ref, resb_ref, lng_ref, lnb_ref, pe_ref, out_ref):
    n0 = n0_ref[...]
    n1 = n1_ref[...]
    z = z_ref[...]
    w2 = jnp.sum(part_ref[...], axis=0) / N
    m = jnp.max(w2, axis=1, keepdims=True)
    bexp = jnp.exp(w2 - m)
    beta = bexp / jnp.sum(bexp, axis=1, keepdims=True)

    qs, ks, vs = [], [], []
    for t in range(T):
        b0 = jnp.concatenate([beta[t, 0:1], beta[t, 0:1]], axis=1)
        b1 = jnp.concatenate([beta[t, 1:2], beta[t, 1:2]], axis=1)
        te = b0 * _hrel_block(n0, n1, z, t, 0) \
            + b1 * _hrel_block(n0, n1, z, t, 1)
        h2 = jnp.dot(te, wp_ref[...], preferred_element_type=jnp.float32) \
            + bp_ref[0][None, :] + pe_ref[t][None, :]
        qs.append(jnp.dot(h2, wq_ref[...], preferred_element_type=jnp.float32))
        ks.append(jnp.dot(h2, wk_ref[...], preferred_element_type=jnp.float32))
        vs.append(jnp.dot(h2, wv_ref[...], preferred_element_type=jnp.float32))

    alpha = 1.0 / (1.0 + jnp.exp(-resb_ref[0, 0]))
    for t in range(T):
        qk = jnp.concatenate(
            [jnp.sum(qs[t] * ks[s], axis=1, keepdims=True) for s in range(T)],
            axis=1)
        mm = jnp.max(qk, axis=1, keepdims=True)
        ee = jnp.exp(qk - mm)
        a = ee / jnp.sum(ee, axis=1, keepdims=True)
        o = sum(a[:, s:s + 1] * vs[s] for s in range(T))
        f = jnp.maximum(
            jnp.dot(o, wfc_ref[...], preferred_element_type=jnp.float32)
            + bfc_ref[0][None, :], 0.0)
        res = jnp.dot(x_ref[t], wres_ref[...], preferred_element_type=jnp.float32) \
            + bres_ref[0][None, :]
        ot = f * alpha + res * (1.0 - alpha)
        mu = jnp.mean(ot, axis=1, keepdims=True)
        var = jnp.mean((ot - mu) * (ot - mu), axis=1, keepdims=True)
        out_ref[t] = (ot - mu) / jnp.sqrt(var + 1e-5) * lng_ref[0][None, :] \
            + lnb_ref[0][None, :]


def _e2_call(num0, num1, z, part, x, Wp, bp_r, Wq, Wk, Wv, Wfc, bfc_r,
             Wres, bres_r, res_b, lng_r, lnb_r, pe):
    full2 = lambda i: (0, 0)
    return pl.pallas_call(
        _e2_body,
        grid=(NB,),
        in_specs=[
            pl.BlockSpec((G, NC, NBS, 128), lambda i: (0, 0, i, 0)),
            pl.BlockSpec((G, NC, NBS, 128), lambda i: (0, 0, i, 0)),
            pl.BlockSpec((G, NC, NBS, 128), lambda i: (0, 0, i, 0)),
            pl.BlockSpec((NB, T, R, 128), lambda i: (0, 0, 0, 0)),
            pl.BlockSpec((T, NBS, D), lambda i: (0, i, 0)),
            pl.BlockSpec((H, H), full2),
            pl.BlockSpec((1, H), full2),
            pl.BlockSpec((H, H), full2),
            pl.BlockSpec((H, H), full2),
            pl.BlockSpec((H, H), full2),
            pl.BlockSpec((H, H), full2),
            pl.BlockSpec((1, H), full2),
            pl.BlockSpec((D, H), full2),
            pl.BlockSpec((1, H), full2),
            pl.BlockSpec((1, 128), full2),
            pl.BlockSpec((1, H), full2),
            pl.BlockSpec((1, H), full2),
            pl.BlockSpec((T, H), full2),
        ],
        out_specs=pl.BlockSpec((T, NBS, H), lambda i: (0, i, 0)),
        out_shape=jax.ShapeDtypeStruct((T, N, H), jnp.float32),
    )(num0, num1, z, part, x, Wp, bp_r, Wq, Wk, Wv, Wfc, bfc_r,
      Wres, bres_r, res_b, lng_r, lnb_r, pe)



def kernel(x, edge_index, Wg, al, ar, W1, b1, W2, Wp, bp, Wq, Wk, Wv,
           Wfc, bfc, Wres, bres, res_w, ln_g, ln_b):
    h8, er1 = _pre_call(x, Wg, ar.reshape(G, H))
    srcg, dstg = _idx_call(edge_index)
    hs = _gather_h(h8.reshape(G * N, H), srcg.reshape(BTOT))
    erd = _gather_e(er1.reshape(G * N, 128), dstg.reshape(BTOT))
    wh0, wh1, whz = _edge_call(hs, erd, al.reshape(G, H))
    dst2d = edge_index[:, :, 1].reshape(G, NW, CH, CB)
    z128 = jnp.zeros((N, 128), jnp.float32)
    num0 = _scatter(wh0, dst2d, z128)
    num1 = _scatter(wh1, dst2d, z128)
    numz = _scatter(whz, dst2d, z128)
    part = _e1_call(num0, num1, numz, W1, b1,
                    jnp.broadcast_to(W2[..., None], (T, H, 128)))
    return _e2_call(num0, num1, numz, part, x,
                    Wp, bp.reshape(1, H), Wq, Wk, Wv, Wfc, bfc.reshape(1, H),
                    Wres, bres.reshape(1, H),
                    jnp.broadcast_to(res_w.reshape(1, 1), (1, 128)),
                    ln_g.reshape(1, H), ln_b.reshape(1, H), jnp.asarray(_PE))

# --- scband reference (transcript-rebuilt; emitter-appended) ---
"""Pipeline reference for scband-htgnnlayer-42992622633747 (READ-ONLY COPY).

The authoritative reference and input builder live on the scoring server;
editing this copy changes nothing except your own understanding.
"""

import jax, jax.numpy as jnp
import numpy as np
import math

T, R, N, E, D, H = 4, 2, 10000, 160000, 256, 256


def generate_pe(d_model, max_len):
    pe = np.zeros((max_len, d_model))
    for i in range(max_len):
        for k in range(0, d_model, 2):
            div_term = math.exp(k * -math.log(100000.0) / d_model)
            pe[i][k] = math.sin((i + 1) * div_term)
            if k + 1 < d_model:
                pe[i][k + 1] = math.cos((i + 1) * div_term)
    return jnp.asarray(pe, dtype=jnp.float32)


def setup_inputs(seed: int = 0):
    key = jax.random.key(seed)
    ks = jax.random.split(key, 24)
    s = 0.05
    return {
        "x": jax.random.normal(ks[0], (T, N, D), dtype=jnp.float32),
        "edge_index": jax.random.randint(ks[1], (T, R, 2, E), 0, N, dtype=jnp.int32),
        "Wg": jax.random.normal(ks[2], (T, R, D, H), dtype=jnp.float32) * s,
        "al": jax.random.normal(ks[3], (T, R, H), dtype=jnp.float32) * s,
        "ar": jax.random.normal(ks[4], (T, R, H), dtype=jnp.float32) * s,
        "W1": jax.random.normal(ks[5], (T, H, H), dtype=jnp.float32) * s,
        "b1": jnp.zeros((T, H), dtype=jnp.float32),
        "W2": jax.random.normal(ks[6], (T, H), dtype=jnp.float32) * s,
        "Wp": jax.random.normal(ks[7], (H, H), dtype=jnp.float32) * s,
        "bp": jnp.zeros((H,), dtype=jnp.float32),
        "Wq": jax.random.normal(ks[8], (H, H), dtype=jnp.float32) * s,
        "Wk": jax.random.normal(ks[9], (H, H), dtype=jnp.float32) * s,
        "Wv": jax.random.normal(ks[10], (H, H), dtype=jnp.float32) * s,
        "Wfc": jax.random.normal(ks[11], (H, H), dtype=jnp.float32) * s,
        "bfc": jnp.zeros((H,), dtype=jnp.float32),
        "Wres": jax.random.normal(ks[12], (D, H), dtype=jnp.float32) * s,
        "bres": jnp.zeros((H,), dtype=jnp.float32),
        "res_w": jax.random.normal(ks[13], (1,), dtype=jnp.float32),
        "ln_g": jnp.ones((H,), dtype=jnp.float32),
        "ln_b": jnp.zeros((H,), dtype=jnp.float32),
    }


def gat(xs, ei, W, al_, ar_):
    # DGL GATConv (single head): shared weight for src/dst since homogeneous feats
    h = xs @ W
    el = (h * al_).sum(-1)
    er = (h * ar_).sum(-1)
    src, dst = ei[0], ei[1]
    e = jax.nn.leaky_relu(el[src] + er[dst], 0.2)
    m = jax.ops.segment_max(e, dst, num_segments=N)
    w = jnp.exp(e - m[dst])
    z = jax.ops.segment_sum(w, dst, num_segments=N)
    a = w / (z[dst] + 1e-9)
    return jax.ops.segment_sum(a[:, None] * h[src], dst, num_segments=N)


def rel_agg(h, W1_, b1_, W2_):
    # h: [N, R, H]
    w = (jnp.tanh(h @ W1_ + b1_) @ W2_[:, None]).mean(0)  # [R, 1]
    beta = jax.nn.softmax(w, axis=0)  # [R, 1]
    return (beta[None] * h).sum(1)  # [N, H]


def temporal_agg(x_, Wp_, bp_, Wq_, Wk_, Wv_, Wfc_, bfc_, pe):
    # x_: [T, N, H] -> permute -> [N, T, H]
    h = jnp.transpose(x_, (1, 0, 2)) @ Wp_ + bp_
    h = h + pe
    q = h @ Wq_
    k = h @ Wk_
    v = h @ Wv_
    qk = jnp.einsum('nth,nsh->nts', q, k)
    score = jax.nn.softmax(qk, axis=-1)
    h_ = jnp.einsum('nts,nsh->nth', score, v)
    return jax.nn.relu(h_ @ Wfc_ + bfc_)  # [N, T, H]


def reference(x, edge_index, Wg, al, ar, W1, b1, W2, Wp, bp, Wq, Wk, Wv, Wfc, bfc, Wres, bres, res_w, ln_g, ln_b):
    pe = generate_pe(H, T)
    # intra (per-relation GAT) + inter (cross-relation attention) per timestep
    inter = []
    for t in range(T):
        rels = [gat(x[t], edge_index[t, r], Wg[t, r], al[t, r], ar[t, r]) for r in range(R)]
        hrel = jnp.stack(rels, axis=1)  # [N, R, H]
        inter.append(rel_agg(hrel, W1[t], b1[t], W2[t]))
    time_emb = jnp.stack(inter, axis=0)  # [T, N, H]
    h = temporal_agg(time_emb, Wp, bp, Wq, Wk, Wv, Wfc, bfc, pe)  # [N, T, H]
    h = jnp.transpose(h, (1, 0, 2))  # [T, N, H]
    alpha = jax.nn.sigmoid(res_w)[0]
    outs = []
    for t in range(T):
        o = h[t] * alpha + (x[t] @ Wres + bres) * (1.0 - alpha)
        mu = o.mean(-1, keepdims=True)
        var = o.var(-1, keepdims=True)
        o = (o - mu) / jnp.sqrt(var + 1e-5) * ln_g + ln_b
        outs.append(o)
    return jnp.stack(outs, axis=0)  # [T, N, H]

if __name__ == "__main__":
    import jax
    _d = setup_inputs()
    print(jax.jit(kernel)(*tuple(_d.values())))

</pallas_src>

<mosaic_0001>
#map = affine_map<(d0, d1) -> (0, 0)>
#map1 = affine_map<(d0, d1) -> (0)>
module attributes {stable_mosaic.version = 14 : i64} {
  func.func @gath(%arg0: i32, %arg1: i32, %arg2: memref<80000x128xf32, #tpu.memory_space<hbm>>, %arg3: memref<1280000xi32, #tpu.memory_space<hbm>>, %arg4: memref<1280000x128xf32, #tpu.memory_space<hbm>>, %arg5: memref<160xi32, #tpu.memory_space<vmem>>, %arg6: memref<160x128xf32, #tpu.memory_space<vmem>>, %arg7: memref<!tpu.dma_semaphore, #tpu.memory_space<semaphore_mem>>) attributes {dimension_semantics = [#tpu.dimension_semantics<core_parallel>, #tpu.dimension_semantics<subcore_parallel>], iteration_bounds = array<i64: 2, 16>, scalar_prefetch = 0 : i64, scratch_operands = 3 : i64, tpu.core_type = #tpu.core_type<sc_vector_subcore>, window_params = [{transform_indices = #map}, {transform_indices = #map1}, {transform_indices = #map}]} {
    %mul3A = arith.constant 2 : i32
    %mul3A_0 = arith.muli %arg1, %mul3A : i32
    %add3A = arith.addi %mul3A_0, %arg0 : i32
    %mul3A_1 = arith.constant 40000 : i32
    %mul3A_2 = arith.muli %add3A, %mul3A_1 : i32
    %scan3A = arith.constant 0 : i32
    %scan3A_3 = arith.constant 0 : i32
    %scan3A_4 = arith.constant 250 : i32
    %scan3A_5 = arith.addi %scan3A_3, %scan3A_4 : i32
    %scan3A_6 = arith.constant 1 : i32
    scf.for %scan3A_8 = %scan3A_3 to %scan3A_5 step %scan3A_6  : i32 {
      %mul3A_9 = arith.constant 160 : i32
      %mul3A_10 = arith.muli %scan3A_8, %mul3A_9 : i32
      %add3A_11 = arith.addi %mul3A_2, %mul3A_10 : i32
      "tpu.region"() ({
        %run_scoped3A = tpu.sem_alloc : memref<!tpu.dma_semaphore, #tpu.memory_space<semaphore_mem>>
        %dma_start3A_16 = tpu.memref_slice %arg3[%add3A_11] : memref<1280000xi32, #tpu.memory_space<hbm>> -> memref<160xi32, #tpu.memory_space<hbm>>
        %dma_start3A_17 = tpu.memref_slice %arg3[%add3A_11] : memref<1280000xi32, #tpu.memory_space<hbm>> -> memref<160xi32, #tpu.memory_space<hbm>>
        tpu.enqueue_dma source(%dma_start3A_17 : memref<160xi32, #tpu.memory_space<hbm>>) target(%arg5 : memref<160xi32, #tpu.memory_space<vmem>>) target_semaphore(%run_scoped3A : memref<!tpu.dma_semaphore, #tpu.memory_space<semaphore_mem>>)
        %dma_wait3A_18 = tpu.memref_slice %arg3[%add3A_11] : memref<1280000xi32, #tpu.memory_space<hbm>> -> memref<160xi32, #tpu.memory_space<hbm>>
        %dma_wait3A_19 = tpu.memref_slice %arg3[%add3A_11] : memref<1280000xi32, #tpu.memory_space<hbm>> -> memref<160xi32, #tpu.memory_space<hbm>>
        tpu.wait_dma2 semaphore(%run_scoped3A : memref<!tpu.dma_semaphore, #tpu.memory_space<semaphore_mem>>) src(%dma_wait3A_19 : memref<160xi32, #tpu.memory_space<hbm>>) dst(%arg5 : memref<160xi32, #tpu.memory_space<vmem>>)
        tpu.yield
      }) : () -> ()
      %dma_start3A = arith.constant 0 : i32
      %dma_start3A_12 = arith.constant 0 : i32
      %dma_start3A_13 = tpu.memref_slice %arg2[%dma_start3A, %dma_start3A_12] : memref<80000x128xf32, #tpu.memory_space<hbm>> -> memref<80000x128xf32, #tpu.memory_space<hbm>>
      tpu.enqueue_indirect_dma source(%dma_start3A_13 : memref<80000x128xf32, #tpu.memory_space<hbm>>) target(%arg6 : memref<160x128xf32, #tpu.memory_space<vmem>>) offsets(%arg5 : memref<160xi32, #tpu.memory_space<vmem>>) semaphore(%arg7 : memref<!tpu.dma_semaphore, #tpu.memory_space<semaphore_mem>>)
      %dma_wait3A = arith.constant 0 : i32
      %dma_wait3A_14 = arith.constant 0 : i32
      %dma_wait3A_15 = tpu.memref_slice %arg2[%dma_wait3A, %dma_wait3A_14] : memref<80000x128xf32, #tpu.memory_space<hbm>> -> memref<80000x128xf32, #tpu.memory_space<hbm>>
      tpu.wait_indirect_dma semaphore(%arg7 : memref<!tpu.dma_semaphore, #tpu.memory_space<semaphore_mem>>) src(%dma_wait3A_15 : memref<80000x128xf32, #tpu.memory_space<hbm>>) dst(%arg6 : memref<160x128xf32, #tpu.memory_space<vmem>>)
      "tpu.region"() ({
        %run_scoped3A = tpu.sem_alloc : memref<!tpu.dma_semaphore, #tpu.memory_space<semaphore_mem>>
        %dma_start3A_16 = arith.constant 0 : i32
        %dma_start3A_17 = tpu.memref_slice %arg4[%add3A_11, %dma_start3A_16] : memref<1280000x128xf32, #tpu.memory_space<hbm>> -> memref<160x128xf32, #tpu.memory_space<hbm>>
        %dma_start3A_18 = arith.constant 0 : i32
        %dma_start3A_19 = tpu.memref_slice %arg4[%add3A_11, %dma_start3A_18] : memref<1280000x128xf32, #tpu.memory_space<hbm>> -> memref<160x128xf32, #tpu.memory_space<hbm>>
        tpu.enqueue_dma source(%arg6 : memref<160x128xf32, #tpu.memory_space<vmem>>) target(%dma_start3A_19 : memref<160x128xf32, #tpu.memory_space<hbm>>) target_semaphore(%run_scoped3A : memref<!tpu.dma_semaphore, #tpu.memory_space<semaphore_mem>>)
        %dma_wait3A_20 = arith.constant 0 : i32
        %dma_wait3A_21 = tpu.memref_slice %arg4[%add3A_11, %dma_wait3A_20] : memref<1280000x128xf32, #tpu.memory_space<hbm>> -> memref<160x128xf32, #tpu.memory_space<hbm>>
        %dma_wait3A_22 = arith.constant 0 : i32
        %dma_wait3A_23 = tpu.memref_slice %arg4[%add3A_11, %dma_wait3A_22] : memref<1280000x128xf32, #tpu.memory_space<hbm>> -> memref<160x128xf32, #tpu.memory_space<hbm>>
        tpu.wait_dma2 semaphore(%run_scoped3A : memref<!tpu.dma_semaphore, #tpu.memory_space<semaphore_mem>>) src(%arg6 : memref<160x128xf32, #tpu.memory_space<vmem>>) dst(%dma_wait3A_23 : memref<160x128xf32, #tpu.memory_space<hbm>>)
        tpu.yield
      }) : () -> ()
    }
    %scan3A_7 = arith.constant 250 : i32
    return
  }
}

#map = affine_map<(d0, d1) -> (0, 0)>
#map1 = affine_map<(d0, d1) -> (0)>
module attributes {stable_mosaic.version = 14 : i64} {
  func.func @gath(%arg0: i32, %arg1: i32, %arg2: memref<80000x256xf32, #tpu.memory_space<hbm>>, %arg3: memref<1280000xi32, #tpu.memory_space<hbm>>, %arg4: memref<1280000x256xf32, #tpu.memory_space<hbm>>, %arg5: memref<160xi32, #tpu.memory_space<vmem>>, %arg6: memref<160x256xf32, #tpu.memory_space<vmem>>, %arg7: memref<!tpu.dma_semaphore, #tpu.memory_space<semaphore_mem>>) attributes {dimension_semantics = [#tpu.dimension_semantics<core_parallel>, #tpu.dimension_semantics<subcore_parallel>], iteration_bounds = array<i64: 2, 16>, scalar_prefetch = 0 : i64, scratch_operands = 3 : i64, tpu.core_type = #tpu.core_type<sc_vector_subcore>, window_params = [{transform_indices = #map}, {transform_indices = #map1}, {transform_indices = #map}]} {
    %mul3A = arith.constant 2 : i32
    %mul3A_0 = arith.muli %arg1, %mul3A : i32
    %add3A = arith.addi %mul3A_0, %arg0 : i32
    %mul3A_1 = arith.constant 40000 : i32
    %mul3A_2 = arith.muli %add3A, %mul3A_1 : i32
    %scan3A = arith.constant 0 : i32
    %scan3A_3 = arith.constant 0 : i32
    %scan3A_4 = arith.constant 250 : i32
    %scan3A_5 = arith.addi %scan3A_3, %scan3A_4 : i32
    %scan3A_6 = arith.constant 1 : i32
    scf.for %scan3A_8 = %scan3A_3 to %scan3A_5 step %scan3A_6  : i32 {
      %mul3A_9 = arith.constant 160 : i32
      %mul3A_10 = arith.muli %scan3A_8, %mul3A_9 : i32
      %add3A_11 = arith.addi %mul3A_2, %mul3A_10 : i32
      "tpu.region"() ({
        %run_scoped3A = tpu.sem_alloc : memref<!tpu.dma_semaphore, #tpu.memory_space<semaphore_mem>>
        %dma_start3A_16 = tpu.memref_slice %arg3[%add3A_11] : memref<1280000xi32, #tpu.memory_space<hbm>> -> memref<160xi32, #tpu.memory_space<hbm>>
        %dma_start3A_17 = tpu.memref_slice %arg3[%add3A_11] : memref<1280000xi32, #tpu.memory_space<hbm>> -> memref<160xi32, #tpu.memory_space<hbm>>
        tpu.enqueue_dma source(%dma_start3A_17 : memref<160xi32, #tpu.memory_space<hbm>>) target(%arg5 : memref<160xi32, #tpu.memory_space<vmem>>) target_semaphore(%run_scoped3A : memref<!tpu.dma_semaphore, #tpu.memory_space<semaphore_mem>>)
        %dma_wait3A_18 = tpu.memref_slice %arg3[%add3A_11] : memref<1280000xi32, #tpu.memory_space<hbm>> -> memref<160xi32, #tpu.memory_space<hbm>>
        %dma_wait3A_19 = tpu.memref_slice %arg3[%add3A_11] : memref<1280000xi32, #tpu.memory_space<hbm>> -> memref<160xi32, #tpu.memory_space<hbm>>
        tpu.wait_dma2 semaphore(%run_scoped3A : memref<!tpu.dma_semaphore, #tpu.memory_space<semaphore_mem>>) src(%dma_wait3A_19 : memref<160xi32, #tpu.memory_space<hbm>>) dst(%arg5 : memref<160xi32, #tpu.memory_space<vmem>>)
        tpu.yield
      }) : () -> ()
      %dma_start3A = arith.constant 0 : i32
      %dma_start3A_12 = arith.constant 0 : i32
      %dma_start3A_13 = tpu.memref_slice %arg2[%dma_start3A, %dma_start3A_12] : memref<80000x256xf32, #tpu.memory_space<hbm>> -> memref<80000x256xf32, #tpu.memory_space<hbm>>
      tpu.enqueue_indirect_dma source(%dma_start3A_13 : memref<80000x256xf32, #tpu.memory_space<hbm>>) target(%arg6 : memref<160x256xf32, #tpu.memory_space<vmem>>) offsets(%arg5 : memref<160xi32, #tpu.memory_space<vmem>>) semaphore(%arg7 : memref<!tpu.dma_semaphore, #tpu.memory_space<semaphore_mem>>)
      %dma_wait3A = arith.constant 0 : i32
      %dma_wait3A_14 = arith.constant 0 : i32
      %dma_wait3A_15 = tpu.memref_slice %arg2[%dma_wait3A, %dma_wait3A_14] : memref<80000x256xf32, #tpu.memory_space<hbm>> -> memref<80000x256xf32, #tpu.memory_space<hbm>>
      tpu.wait_indirect_dma semaphore(%arg7 : memref<!tpu.dma_semaphore, #tpu.memory_space<semaphore_mem>>) src(%dma_wait3A_15 : memref<80000x256xf32, #tpu.memory_space<hbm>>) dst(%arg6 : memref<160x256xf32, #tpu.memory_space<vmem>>)
      "tpu.region"() ({
        %run_scoped3A = tpu.sem_alloc : memref<!tpu.dma_semaphore, #tpu.memory_space<semaphore_mem>>
        %dma_start3A_16 = arith.constant 0 : i32
        %dma_start3A_17 = tpu.memref_slice %arg4[%add3A_11, %dma_start3A_16] : memref<1280000x256xf32, #tpu.memory_space<hbm>> -> memref<160x256xf32, #tpu.memory_space<hbm>>
        %dma_start3A_18 = arith.constant 0 : i32
        %dma_start3A_19 = tpu.memref_slice %arg4[%add3A_11, %dma_start3A_18] : memref<1280000x256xf32, #tpu.memory_space<hbm>> -> memref<160x256xf32, #tpu.memory_space<hbm>>
        tpu.enqueue_dma source(%arg6 : memref<160x256xf32, #tpu.memory_space<vmem>>) target(%dma_start3A_19 : memref<160x256xf32, #tpu.memory_space<hbm>>) target_semaphore(%run_scoped3A : memref<!tpu.dma_semaphore, #tpu.memory_space<semaphore_mem>>)
        %dma_wait3A_20 = arith.constant 0 : i32
        %dma_wait3A_21 = tpu.memref_slice %arg4[%add3A_11, %dma_wait3A_20] : memref<1280000x256xf32, #tpu.memory_space<hbm>> -> memref<160x256xf32, #tpu.memory_space<hbm>>
        %dma_wait3A_22 = arith.constant 0 : i32
        %dma_wait3A_23 = tpu.memref_slice %arg4[%add3A_11, %dma_wait3A_22] : memref<1280000x256xf32, #tpu.memory_space<hbm>> -> memref<160x256xf32, #tpu.memory_space<hbm>>
        tpu.wait_dma2 semaphore(%run_scoped3A : memref<!tpu.dma_semaphore, #tpu.memory_space<semaphore_mem>>) src(%arg6 : memref<160x256xf32, #tpu.memory_space<vmem>>) dst(%dma_wait3A_23 : memref<160x256xf32, #tpu.memory_space<hbm>>)
        tpu.yield
      }) : () -> ()
    }
    %scan3A_7 = arith.constant 250 : i32
    return
  }
}

#map = affine_map<(d0, d1) -> (0, 0)>
#map1 = affine_map<(d0, d1) -> (0, 0, 0, 0)>
module attributes {stable_mosaic.version = 14 : i64} {
  func.func @_scatter(%arg0: i32, %arg1: i32, %arg2: memref<1280000x128xf32, #tpu.memory_space<hbm>>, %arg3: memref<8x32x125x40xi32, #tpu.memory_space<hbm>>, %arg4: memref<10000x128xf32, #tpu.memory_space<hbm>>, %arg5: memref<8x2x10000x128xf32, #tpu.memory_space<hbm>>, %arg6: memref<125x40xi32, #tpu.memory_space<vmem>>, %arg7: memref<40x128xf32, #tpu.memory_space<vmem>>, %arg8: memref<10000x128xf32, #tpu.memory_space<vmem_shared>>) attributes {dimension_semantics = [#tpu.dimension_semantics<core_parallel>, #tpu.dimension_semantics<subcore_parallel>], iteration_bounds = array<i64: 2, 16>, scalar_prefetch = 0 : i64, scratch_operands = 3 : i64, tpu.core_type = #tpu.core_type<sc_vector_subcore>, window_params = [{transform_indices = #map}, {transform_indices = #map1}, {transform_indices = #map}, {transform_indices = #map1}]} {
    %mul3A = arith.constant 2 : i32
    %mul3A_0 = arith.muli %arg1, %mul3A : i32
    %add3A = arith.addi %mul3A_0, %arg0 : i32
    %scan3A = arith.constant 0 : i32
    %scan3A_1 = arith.constant 0 : i32
    %scan3A_2 = arith.constant 8 : i32
    %scan3A_3 = arith.addi %scan3A_1, %scan3A_2 : i32
    %scan3A_4 = arith.constant 1 : i32
    scf.for %scan3A_6 = %scan3A_1 to %scan3A_3 step %scan3A_4  : i32 {
      %eq3A = arith.constant 0 : i32
      %eq3A_7 = arith.cmpi eq, %arg1, %eq3A : i32
      %convert_element_type3A = arith.extui %eq3A_7 : i1 to i32
      %cond3A = arith.constant 0 : i32
      %cond3A_8 = arith.cmpi ne, %convert_element_type3A, %cond3A : i32
      scf.if %cond3A_8 {
        "tpu.region"() ({
          %run_scoped3A = tpu.sem_alloc : memref<!tpu.dma_semaphore, #tpu.memory_space<semaphore_mem>>
          tpu.enqueue_dma source(%arg4 : memref<10000x128xf32, #tpu.memory_space<hbm>>) target(%arg8 : memref<10000x128xf32, #tpu.memory_space<vmem_shared>>) target_semaphore(%run_scoped3A : memref<!tpu.dma_semaphore, #tpu.memory_space<semaphore_mem>>)
          tpu.wait_dma2 semaphore(%run_scoped3A : memref<!tpu.dma_semaphore, #tpu.memory_space<semaphore_mem>>) src(%arg4 : memref<10000x128xf32, #tpu.memory_space<hbm>>) dst(%arg8 : memref<10000x128xf32, #tpu.memory_space<vmem_shared>>)
          tpu.yield
        }) : () -> ()
      } else {
      }
      %barrier3A = arith.constant 0 : index
      tpu.barrier barrier_id(%barrier3A)
      "tpu.region"() ({
        %run_scoped3A = tpu.sem_alloc : memref<!tpu.dma_semaphore, #tpu.memory_space<semaphore_mem>>
        %dma_start3A = arith.constant 0 : i32
        %dma_start3A_27 = arith.constant 0 : i32
        %dma_start3A_28 = tpu.memref_slice %arg3[%scan3A_6, %add3A, %dma_start3A, %dma_start3A_27] : memref<8x32x125x40xi32, #tpu.memory_space<hbm>> -> memref<1x1x125x40xi32, #tpu.memory_space<hbm>>
        %dma_start3A_29 = tpu.memref_squeeze %dma_start3A_28 : memref<1x1x125x40xi32, #tpu.memory_space<hbm>> -> memref<125x40xi32, #tpu.memory_space<hbm>>
        %dma_start3A_30 = arith.constant 0 : i32
        %dma_start3A_31 = arith.constant 0 : i32
        %dma_start3A_32 = tpu.memref_slice %arg3[%scan3A_6, %add3A, %dma_start3A_30, %dma_start3A_31] : memref<8x32x125x40xi32, #tpu.memory_space<hbm>> -> memref<1x1x125x40xi32, #tpu.memory_space<hbm>>
        %dma_start3A_33 = tpu.memref_squeeze %dma_start3A_32 : memref<1x1x125x40xi32, #tpu.memory_space<hbm>> -> memref<125x40xi32, #tpu.memory_space<hbm>>
        tpu.enqueue_dma source(%dma_start3A_33 : memref<125x40xi32, #tpu.memory_space<hbm>>) target(%arg6 : memref<125x40xi32, #tpu.memory_space<vmem>>) target_semaphore(%run_scoped3A : memref<!tpu.dma_semaphore, #tpu.memory_space<semaphore_mem>>)
        %dma_wait3A = arith.constant 0 : i32
        %dma_wait3A_34 = arith.constant 0 : i32
        %dma_wait3A_35 = tpu.memref_slice %arg3[%scan3A_6, %add3A, %dma_wait3A, %dma_wait3A_34] : memref<8x32x125x40xi32, #tpu.memory_space<hbm>> -> memref<1x1x125x40xi32, #tpu.memory_space<hbm>>
        %dma_wait3A_36 = tpu.memref_squeeze %dma_wait3A_35 : memref<1x1x125x40xi32, #tpu.memory_space<hbm>> -> memref<125x40xi32, #tpu.memory_space<hbm>>
        %dma_wait3A_37 = arith.constant 0 : i32
        %dma_wait3A_38 = arith.constant 0 : i32
        %dma_wait3A_39 = tpu.memref_slice %arg3[%scan3A_6, %add3A, %dma_wait3A_37, %dma_wait3A_38] : memref<8x32x125x40xi32, #tpu.memory_space<hbm>> -> memref<1x1x125x40xi32, #tpu.memory_space<hbm>>
        %dma_wait3A_40 = tpu.memref_squeeze %dma_wait3A_39 : memref<1x1x125x40xi32, #tpu.memory_space<hbm>> -> memref<125x40xi32, #tpu.memory_space<hbm>>
        tpu.wait_dma2 semaphore(%run_scoped3A : memref<!tpu.dma_semaphore, #tpu.memory_space<semaphore_mem>>) src(%dma_wait3A_40 : memref<125x40xi32, #tpu.memory_space<hbm>>) dst(%arg6 : memref<125x40xi32, #tpu.memory_space<vmem>>)
        tpu.yield
      }) : () -> ()
      %mul3A_9 = arith.constant 160000 : i32
      %mul3A_10 = arith.muli %scan3A_6, %mul3A_9 : i32
      %mul3A_11 = arith.constant 5000 : i32
      %mul3A_12 = arith.muli %add3A, %mul3A_11 : i32
      %add3A_13 = arith.addi %mul3A_10, %mul3A_12 : i32
      %scan3A_14 = arith.constant 0 : i32
      %scan3A_15 = arith.constant 0 : i32
      %scan3A_16 = arith.constant 125 : i32
      %scan3A_17 = arith.addi %scan3A_15, %scan3A_16 : i32
      %scan3A_18 = arith.constant 1 : i32
      scf.for %scan3A_27 = %scan3A_15 to %scan3A_17 step %scan3A_18  : i32 {
        %mul3A_28 = arith.constant 40 : i32
        %mul3A_29 = arith.muli %scan3A_27, %mul3A_28 : i32
        %add3A_30 = arith.addi %add3A_13, %mul3A_29 : i32
        "tpu.region"() ({
          %run_scoped3A = tpu.sem_alloc : memref<!tpu.dma_semaphore, #tpu.memory_space<semaphore_mem>>
          %dma_start3A = arith.constant 0 : i32
          %dma_start3A_31 = tpu.memref_slice %arg2[%add3A_30, %dma_start3A] : memref<1280000x128xf32, #tpu.memory_space<hbm>> -> memref<40x128xf32, #tpu.memory_space<hbm>>
          %dma_start3A_32 = arith.constant 0 : i32
          %dma_start3A_33 = tpu.memref_slice %arg2[%add3A_30, %dma_start3A_32] : memref<1280000x128xf32, #tpu.memory_space<hbm>> -> memref<40x128xf32, #tpu.memory_space<hbm>>
          tpu.enqueue_dma source(%dma_start3A_33 : memref<40x128xf32, #tpu.memory_space<hbm>>) target(%arg7 : memref<40x128xf32, #tpu.memory_space<vmem>>) target_semaphore(%run_scoped3A : memref<!tpu.dma_semaphore, #tpu.memory_space<semaphore_mem>>)
          %dma_wait3A = arith.constant 0 : i32
          %dma_wait3A_34 = tpu.memref_slice %arg2[%add3A_30, %dma_wait3A] : memref<1280000x128xf32, #tpu.memory_space<hbm>> -> memref<40x128xf32, #tpu.memory_space<hbm>>
          %dma_wait3A_35 = arith.constant 0 : i32
          %dma_wait3A_36 = tpu.memref_slice %arg2[%add3A_30, %dma_wait3A_35] : memref<1280000x128xf32, #tpu.memory_space<hbm>> -> memref<40x128xf32, #tpu.memory_space<hbm>>
          tpu.wait_dma2 semaphore(%run_scoped3A : memref<!tpu.dma_semaphore, #tpu.memory_space<semaphore_mem>>) src(%dma_wait3A_36 : memref<40x128xf32, #tpu.memory_space<hbm>>) dst(%arg7 : memref<40x128xf32, #tpu.memory_space<vmem>>)
          tpu.yield
        }) : () -> ()
        "tpu.region"() ({
          %run_scoped3A = tpu.sem_alloc : memref<!tpu.dma_semaphore, #tpu.memory_space<semaphore_mem>>
          %dma_start3A = arith.constant 0 : i32
          %dma_start3A_31 = tpu.memref_slice %arg6[%scan3A_27, %dma_start3A] : memref<125x40xi32, #tpu.memory_space<vmem>> -> memref<1x40xi32, #tpu.memory_space<vmem>>
          %dma_start3A_32 = tpu.memref_squeeze %dma_start3A_31 : memref<1x40xi32, #tpu.memory_space<vmem>> -> memref<40xi32, #tpu.memory_space<vmem>>
          %dma_start3A_33 = arith.constant 0 : i32
          %dma_start3A_34 = arith.constant 0 : i32
          %dma_start3A_35 = tpu.memref_slice %arg8[%dma_start3A_33, %dma_start3A_34] : memref<10000x128xf32, #tpu.memory_space<vmem_shared>> -> memref<10000x128xf32, #tpu.memory_space<vmem_shared>>
          tpu.enqueue_indirect_dma source(%arg7 : memref<40x128xf32, #tpu.memory_space<vmem>>) target(%dma_start3A_35 : memref<10000x128xf32, #tpu.memory_space<vmem_shared>>) offsets(%dma_start3A_32 : memref<40xi32, #tpu.memory_space<vmem>>) semaphore(%run_scoped3A : memref<!tpu.dma_semaphore, #tpu.memory_space<semaphore_mem>>) {add = true}
          %dma_wait3A = arith.constant 0 : i32
          %dma_wait3A_36 = tpu.memref_slice %arg6[%scan3A_27, %dma_wait3A] : memref<125x40xi32, #tpu.memory_space<vmem>> -> memref<1x40xi32, #tpu.memory_space<vmem>>
          %dma_wait3A_37 = tpu.memref_squeeze %dma_wait3A_36 : memref<1x40xi32, #tpu.memory_space<vmem>> -> memref<40xi32, #tpu.memory_space<vmem>>
          %dma_wait3A_38 = arith.constant 0 : i32
          %dma_wait3A_39 = arith.constant 0 : i32
          %dma_wait3A_40 = tpu.memref_slice %arg8[%dma_wait3A_38, %dma_wait3A_39] : memref<10000x128xf32, #tpu.memory_space<vmem_shared>> -> memref<10000x128xf32, #tpu.memory_space<vmem_shared>>
          tpu.wait_indirect_dma semaphore(%run_scoped3A : memref<!tpu.dma_semaphore, #tpu.memory_space<semaphore_mem>>) src(%arg7 : memref<40x128xf32, #tpu.memory_space<vmem>>) dst(%dma_wait3A_40 : memref<10000x128xf32, #tpu.memory_space<vmem_shared>>)
          tpu.yield
        }) : () -> ()
      }
      %scan3A_19 = arith.constant 125 : i32
      %barrier3A_20 = arith.constant 0 : index
      tpu.barrier barrier_id(%barrier3A_20)
      %eq3A_21 = arith.constant 0 : i32
      %eq3A_22 = arith.cmpi eq, %arg1, %eq3A_21 : i32
      %convert_element_type3A_23 = arith.extui %eq3A_22 : i1 to i32
      %cond3A_24 = arith.constant 0 : i32
      %cond3A_25 = arith.cmpi ne, %convert_element_type3A_23, %cond3A_24 : i32
      scf.if %cond3A_25 {
        "tpu.region"() ({
          %run_scoped3A = tpu.sem_alloc : memref<!tpu.dma_semaphore, #tpu.memory_space<semaphore_mem>>
          %dma_start3A = arith.constant 0 : i32
          %dma_start3A_27 = arith.constant 0 : i32
          %dma_start3A_28 = tpu.memref_slice %arg5[%scan3A_6, %arg0, %dma_start3A, %dma_start3A_27] : memref<8x2x10000x128xf32, #tpu.memory_space<hbm>> -> memref<1x1x10000x128xf32, #tpu.memory_space<hbm>>
          %dma_start3A_29 = tpu.memref_squeeze %dma_start3A_28 : memref<1x1x10000x128xf32, #tpu.memory_space<hbm>> -> memref<10000x128xf32, #tpu.memory_space<hbm>>
          tpu.enqueue_dma source(%arg8 : memref<10000x128xf32, #tpu.memory_space<vmem_shared>>) target(%dma_start3A_29 : memref<10000x128xf32, #tpu.memory_space<hbm>>) target_semaphore(%run_scoped3A : memref<!tpu.dma_semaphore, #tpu.memory_space<semaphore_mem>>)
          %dma_wait3A = arith.constant 0 : i32
          %dma_wait3A_30 = arith.constant 0 : i32
          %dma_wait3A_31 = tpu.memref_slice %arg5[%scan3A_6, %arg0, %dma_wait3A, %dma_wait3A_30] : memref<8x2x10000x128xf32, #tpu.memory_space<hbm>> -> memref<1x1x10000x128xf32, #tpu.memory_space<hbm>>
          %dma_wait3A_32 = tpu.memref_squeeze %dma_wait3A_31 : memref<1x1x10000x128xf32, #tpu.memory_space<hbm>> -> memref<10000x128xf32, #tpu.memory_space<hbm>>
          tpu.wait_dma2 semaphore(%run_scoped3A : memref<!tpu.dma_semaphore, #tpu.memory_space<semaphore_mem>>) src(%arg8 : memref<10000x128xf32, #tpu.memory_space<vmem_shared>>) dst(%dma_wait3A_32 : memref<10000x128xf32, #tpu.memory_space<hbm>>)
          tpu.yield
        }) : () -> ()
      } else {
      }
      %barrier3A_26 = arith.constant 0 : index
      tpu.barrier barrier_id(%barrier3A_26)
    }
    %scan3A_5 = arith.constant 8 : i32
    return
  }
}

#map = affine_map<(d0, d1) -> (0, 0)>
#map1 = affine_map<(d0, d1) -> (0, 0, 0, 0)>
module attributes {stable_mosaic.version = 14 : i64} {
  func.func @_scatter(%arg0: i32, %arg1: i32, %arg2: memref<1280000x128xf32, #tpu.memory_space<hbm>>, %arg3: memref<8x32x125x40xi32, #tpu.memory_space<hbm>>, %arg4: memref<10000x128xf32, #tpu.memory_space<hbm>>, %arg5: memref<8x2x10000x128xf32, #tpu.memory_space<hbm>>, %arg6: memref<125x40xi32, #tpu.memory_space<vmem>>, %arg7: memref<40x128xf32, #tpu.memory_space<vmem>>, %arg8: memref<10000x128xf32, #tpu.memory_space<vmem_shared>>) attributes {dimension_semantics = [#tpu.dimension_semantics<core_parallel>, #tpu.dimension_semantics<subcore_parallel>], iteration_bounds = array<i64: 2, 16>, scalar_prefetch = 0 : i64, scratch_operands = 3 : i64, tpu.core_type = #tpu.core_type<sc_vector_subcore>, window_params = [{transform_indices = #map}, {transform_indices = #map1}, {transform_indices = #map}, {transform_indices = #map1}]} {
    %mul3A = arith.constant 2 : i32
    %mul3A_0 = arith.muli %arg1, %mul3A : i32
    %add3A = arith.addi %mul3A_0, %arg0 : i32
    %scan3A = arith.constant 0 : i32
    %scan3A_1 = arith.constant 0 : i32
    %scan3A_2 = arith.constant 8 : i32
    %scan3A_3 = arith.addi %scan3A_1, %scan3A_2 : i32
    %scan3A_4 = arith.constant 1 : i32
    scf.for %scan3A_6 = %scan3A_1 to %scan3A_3 step %scan3A_4  : i32 {
      %eq3A = arith.constant 0 : i32
      %eq3A_7 = arith.cmpi eq, %arg1, %eq3A : i32
      %convert_element_type3A = arith.extui %eq3A_7 : i1 to i32
      %cond3A = arith.constant 0 : i32
      %cond3A_8 = arith.cmpi ne, %convert_element_type3A, %cond3A : i32
      scf.if %cond3A_8 {
        "tpu.region"() ({
          %run_scoped3A = tpu.sem_alloc : memref<!tpu.dma_semaphore, #tpu.memory_space<semaphore_mem>>
          tpu.enqueue_dma source(%arg4 : memref<10000x128xf32, #tpu.memory_space<hbm>>) target(%arg8 : memref<10000x128xf32, #tpu.memory_space<vmem_shared>>) target_semaphore(%run_scoped3A : memref<!tpu.dma_semaphore, #tpu.memory_space<semaphore_mem>>)
          tpu.wait_dma2 semaphore(%run_scoped3A : memref<!tpu.dma_semaphore, #tpu.memory_space<semaphore_mem>>) src(%arg4 : memref<10000x128xf32, #tpu.memory_space<hbm>>) dst(%arg8 : memref<10000x128xf32, #tpu.memory_space<vmem_shared>>)
          tpu.yield
        }) : () -> ()
      } else {
      }
      %barrier3A = arith.constant 0 : index
      tpu.barrier barrier_id(%barrier3A)
      "tpu.region"() ({
        %run_scoped3A = tpu.sem_alloc : memref<!tpu.dma_semaphore, #tpu.memory_space<semaphore_mem>>
        %dma_start3A = arith.constant 0 : i32
        %dma_start3A_27 = arith.constant 0 : i32
        %dma_start3A_28 = tpu.memref_slice %arg3[%scan3A_6, %add3A, %dma_start3A, %dma_start3A_27] : memref<8x32x125x40xi32, #tpu.memory_space<hbm>> -> memref<1x1x125x40xi32, #tpu.memory_space<hbm>>
        %dma_start3A_29 = tpu.memref_squeeze %dma_start3A_28 : memref<1x1x125x40xi32, #tpu.memory_space<hbm>> -> memref<125x40xi32, #tpu.memory_space<hbm>>
        %dma_start3A_30 = arith.constant 0 : i32
        %dma_start3A_31 = arith.constant 0 : i32
        %dma_start3A_32 = tpu.memref_slice %arg3[%scan3A_6, %add3A, %dma_start3A_30, %dma_start3A_31] : memref<8x32x125x40xi32, #tpu.memory_space<hbm>> -> memref<1x1x125x40xi32, #tpu.memory_space<hbm>>
        %dma_start3A_33 = tpu.memref_squeeze %dma_start3A_32 : memref<1x1x125x40xi32, #tpu.memory_space<hbm>> -> memref<125x40xi32, #tpu.memory_space<hbm>>
        tpu.enqueue_dma source(%dma_start3A_33 : memref<125x40xi32, #tpu.memory_space<hbm>>) target(%arg6 : memref<125x40xi32, #tpu.memory_space<vmem>>) target_semaphore(%run_scoped3A : memref<!tpu.dma_semaphore, #tpu.memory_space<semaphore_mem>>)
        %dma_wait3A = arith.constant 0 : i32
        %dma_wait3A_34 = arith.constant 0 : i32
        %dma_wait3A_35 = tpu.memref_slice %arg3[%scan3A_6, %add3A, %dma_wait3A, %dma_wait3A_34] : memref<8x32x125x40xi32, #tpu.memory_space<hbm>> -> memref<1x1x125x40xi32, #tpu.memory_space<hbm>>
        %dma_wait3A_36 = tpu.memref_squeeze %dma_wait3A_35 : memref<1x1x125x40xi32, #tpu.memory_space<hbm>> -> memref<125x40xi32, #tpu.memory_space<hbm>>
        %dma_wait3A_37 = arith.constant 0 : i32
        %dma_wait3A_38 = arith.constant 0 : i32
        %dma_wait3A_39 = tpu.memref_slice %arg3[%scan3A_6, %add3A, %dma_wait3A_37, %dma_wait3A_38] : memref<8x32x125x40xi32, #tpu.memory_space<hbm>> -> memref<1x1x125x40xi32, #tpu.memory_space<hbm>>
        %dma_wait3A_40 = tpu.memref_squeeze %dma_wait3A_39 : memref<1x1x125x40xi32, #tpu.memory_space<hbm>> -> memref<125x40xi32, #tpu.memory_space<hbm>>
        tpu.wait_dma2 semaphore(%run_scoped3A : memref<!tpu.dma_semaphore, #tpu.memory_space<semaphore_mem>>) src(%dma_wait3A_40 : memref<125x40xi32, #tpu.memory_space<hbm>>) dst(%arg6 : memref<125x40xi32, #tpu.memory_space<vmem>>)
        tpu.yield
      }) : () -> ()
      %mul3A_9 = arith.constant 160000 : i32
      %mul3A_10 = arith.muli %scan3A_6, %mul3A_9 : i32
      %mul3A_11 = arith.constant 5000 : i32
      %mul3A_12 = arith.muli %add3A, %mul3A_11 : i32
      %add3A_13 = arith.addi %mul3A_10, %mul3A_12 : i32
      %scan3A_14 = arith.constant 0 : i32
      %scan3A_15 = arith.constant 0 : i32
      %scan3A_16 = arith.constant 125 : i32
      %scan3A_17 = arith.addi %scan3A_15, %scan3A_16 : i32
      %scan3A_18 = arith.constant 1 : i32
      scf.for %scan3A_27 = %scan3A_15 to %scan3A_17 step %scan3A_18  : i32 {
        %mul3A_28 = arith.constant 40 : i32
        %mul3A_29 = arith.muli %scan3A_27, %mul3A_28 : i32
        %add3A_30 = arith.addi %add3A_13, %mul3A_29 : i32
        "tpu.region"() ({
          %run_scoped3A = tpu.sem_alloc : memref<!tpu.dma_semaphore, #tpu.memory_space<semaphore_mem>>
          %dma_start3A = arith.constant 0 : i32
          %dma_start3A_31 = tpu.memref_slice %arg2[%add3A_30, %dma_start3A] : memref<1280000x128xf32, #tpu.memory_space<hbm>> -> memref<40x128xf32, #tpu.memory_space<hbm>>
          %dma_start3A_32 = arith.constant 0 : i32
          %dma_start3A_33 = tpu.memref_slice %arg2[%add3A_30, %dma_start3A_32] : memref<1280000x128xf32, #tpu.memory_space<hbm>> -> memref<40x128xf32, #tpu.memory_space<hbm>>
          tpu.enqueue_dma source(%dma_start3A_33 : memref<40x128xf32, #tpu.memory_space<hbm>>) target(%arg7 : memref<40x128xf32, #tpu.memory_space<vmem>>) target_semaphore(%run_scoped3A : memref<!tpu.dma_semaphore, #tpu.memory_space<semaphore_mem>>)
          %dma_wait3A = arith.constant 0 : i32
          %dma_wait3A_34 = tpu.memref_slice %arg2[%add3A_30, %dma_wait3A] : memref<1280000x128xf32, #tpu.memory_space<hbm>> -> memref<40x128xf32, #tpu.memory_space<hbm>>
          %dma_wait3A_35 = arith.constant 0 : i32
          %dma_wait3A_36 = tpu.memref_slice %arg2[%add3A_30, %dma_wait3A_35] : memref<1280000x128xf32, #tpu.memory_space<hbm>> -> memref<40x128xf32, #tpu.memory_space<hbm>>
          tpu.wait_dma2 semaphore(%run_scoped3A : memref<!tpu.dma_semaphore, #tpu.memory_space<semaphore_mem>>) src(%dma_wait3A_36 : memref<40x128xf32, #tpu.memory_space<hbm>>) dst(%arg7 : memref<40x128xf32, #tpu.memory_space<vmem>>)
          tpu.yield
        }) : () -> ()
        "tpu.region"() ({
          %run_scoped3A = tpu.sem_alloc : memref<!tpu.dma_semaphore, #tpu.memory_space<semaphore_mem>>
          %dma_start3A = arith.constant 0 : i32
          %dma_start3A_31 = tpu.memref_slice %arg6[%scan3A_27, %dma_start3A] : memref<125x40xi32, #tpu.memory_space<vmem>> -> memref<1x40xi32, #tpu.memory_space<vmem>>
          %dma_start3A_32 = tpu.memref_squeeze %dma_start3A_31 : memref<1x40xi32, #tpu.memory_space<vmem>> -> memref<40xi32, #tpu.memory_space<vmem>>
          %dma_start3A_33 = arith.constant 0 : i32
          %dma_start3A_34 = arith.constant 0 : i32
          %dma_start3A_35 = tpu.memref_slice %arg8[%dma_start3A_33, %dma_start3A_34] : memref<10000x128xf32, #tpu.memory_space<vmem_shared>> -> memref<10000x128xf32, #tpu.memory_space<vmem_shared>>
          tpu.enqueue_indirect_dma source(%arg7 : memref<40x128xf32, #tpu.memory_space<vmem>>) target(%dma_start3A_35 : memref<10000x128xf32, #tpu.memory_space<vmem_shared>>) offsets(%dma_start3A_32 : memref<40xi32, #tpu.memory_space<vmem>>) semaphore(%run_scoped3A : memref<!tpu.dma_semaphore, #tpu.memory_space<semaphore_mem>>) {add = true}
          %dma_wait3A = arith.constant 0 : i32
          %dma_wait3A_36 = tpu.memref_slice %arg6[%scan3A_27, %dma_wait3A] : memref<125x40xi32, #tpu.memory_space<vmem>> -> memref<1x40xi32, #tpu.memory_space<vmem>>
          %dma_wait3A_37 = tpu.memref_squeeze %dma_wait3A_36 : memref<1x40xi32, #tpu.memory_space<vmem>> -> memref<40xi32, #tpu.memory_space<vmem>>
          %dma_wait3A_38 = arith.constant 0 : i32
          %dma_wait3A_39 = arith.constant 0 : i32
          %dma_wait3A_40 = tpu.memref_slice %arg8[%dma_wait3A_38, %dma_wait3A_39] : memref<10000x128xf32, #tpu.memory_space<vmem_shared>> -> memref<10000x128xf32, #tpu.memory_space<vmem_shared>>
          tpu.wait_indirect_dma semaphore(%run_scoped3A : memref<!tpu.dma_semaphore, #tpu.memory_space<semaphore_mem>>) src(%arg7 : memref<40x128xf32, #tpu.memory_space<vmem>>) dst(%dma_wait3A_40 : memref<10000x128xf32, #tpu.memory_space<vmem_shared>>)
          tpu.yield
        }) : () -> ()
      }
      %scan3A_19 = arith.constant 125 : i32
      %barrier3A_20 = arith.constant 0 : index
      tpu.barrier barrier_id(%barrier3A_20)
      %eq3A_21 = arith.constant 0 : i32
      %eq3A_22 = arith.cmpi eq, %arg1, %eq3A_21 : i32
      %convert_element_type3A_23 = arith.extui %eq3A_22 : i1 to i32
      %cond3A_24 = arith.constant 0 : i32
      %cond3A_25 = arith.cmpi ne, %convert_element_type3A_23, %cond3A_24 : i32
      scf.if %cond3A_25 {
        "tpu.region"() ({
          %run_scoped3A = tpu.sem_alloc : memref<!tpu.dma_semaphore, #tpu.memory_space<semaphore_mem>>
          %dma_start3A = arith.constant 0 : i32
          %dma_start3A_27 = arith.constant 0 : i32
          %dma_start3A_28 = tpu.memref_slice %arg5[%scan3A_6, %arg0, %dma_start3A, %dma_start3A_27] : memref<8x2x10000x128xf32, #tpu.memory_space<hbm>> -> memref<1x1x10000x128xf32, #tpu.memory_space<hbm>>
          %dma_start3A_29 = tpu.memref_squeeze %dma_start3A_28 : memref<1x1x10000x128xf32, #tpu.memory_space<hbm>> -> memref<10000x128xf32, #tpu.memory_space<hbm>>
          tpu.enqueue_dma source(%arg8 : memref<10000x128xf32, #tpu.memory_space<vmem_shared>>) target(%dma_start3A_29 : memref<10000x128xf32, #tpu.memory_space<hbm>>) target_semaphore(%run_scoped3A : memref<!tpu.dma_semaphore, #tpu.memory_space<semaphore_mem>>)
          %dma_wait3A = arith.constant 0 : i32
          %dma_wait3A_30 = arith.constant 0 : i32
          %dma_wait3A_31 = tpu.memref_slice %arg5[%scan3A_6, %arg0, %dma_wait3A, %dma_wait3A_30] : memref<8x2x10000x128xf32, #tpu.memory_space<hbm>> -> memref<1x1x10000x128xf32, #tpu.memory_space<hbm>>
          %dma_wait3A_32 = tpu.memref_squeeze %dma_wait3A_31 : memref<1x1x10000x128xf32, #tpu.memory_space<hbm>> -> memref<10000x128xf32, #tpu.memory_space<hbm>>
          tpu.wait_dma2 semaphore(%run_scoped3A : memref<!tpu.dma_semaphore, #tpu.memory_space<semaphore_mem>>) src(%arg8 : memref<10000x128xf32, #tpu.memory_space<vmem_shared>>) dst(%dma_wait3A_32 : memref<10000x128xf32, #tpu.memory_space<hbm>>)
          tpu.yield
        }) : () -> ()
      } else {
      }
      %barrier3A_26 = arith.constant 0 : index
      tpu.barrier barrier_id(%barrier3A_26)
    }
    %scan3A_5 = arith.constant 8 : i32
    return
  }
}

#map = affine_map<(d0, d1) -> (0, 0)>
#map1 = affine_map<(d0, d1) -> (0, 0, 0, 0)>
module attributes {stable_mosaic.version = 14 : i64} {
  func.func @_scatter(%arg0: i32, %arg1: i32, %arg2: memref<1280000x128xf32, #tpu.memory_space<hbm>>, %arg3: memref<8x32x125x40xi32, #tpu.memory_space<hbm>>, %arg4: memref<10000x128xf32, #tpu.memory_space<hbm>>, %arg5: memref<8x2x10000x128xf32, #tpu.memory_space<hbm>>, %arg6: memref<125x40xi32, #tpu.memory_space<vmem>>, %arg7: memref<40x128xf32, #tpu.memory_space<vmem>>, %arg8: memref<10000x128xf32, #tpu.memory_space<vmem_shared>>) attributes {dimension_semantics = [#tpu.dimension_semantics<core_parallel>, #tpu.dimension_semantics<subcore_parallel>], iteration_bounds = array<i64: 2, 16>, scalar_prefetch = 0 : i64, scratch_operands = 3 : i64, tpu.core_type = #tpu.core_type<sc_vector_subcore>, window_params = [{transform_indices = #map}, {transform_indices = #map1}, {transform_indices = #map}, {transform_indices = #map1}]} {
    %mul3A = arith.constant 2 : i32
    %mul3A_0 = arith.muli %arg1, %mul3A : i32
    %add3A = arith.addi %mul3A_0, %arg0 : i32
    %scan3A = arith.constant 0 : i32
    %scan3A_1 = arith.constant 0 : i32
    %scan3A_2 = arith.constant 8 : i32
    %scan3A_3 = arith.addi %scan3A_1, %scan3A_2 : i32
    %scan3A_4 = arith.constant 1 : i32
    scf.for %scan3A_6 = %scan3A_1 to %scan3A_3 step %scan3A_4  : i32 {
      %eq3A = arith.constant 0 : i32
      %eq3A_7 = arith.cmpi eq, %arg1, %eq3A : i32
      %convert_element_type3A = arith.extui %eq3A_7 : i1 to i32
      %cond3A = arith.constant 0 : i32
      %cond3A_8 = arith.cmpi ne, %convert_element_type3A, %cond3A : i32
      scf.if %cond3A_8 {
        "tpu.region"() ({
          %run_scoped3A = tpu.sem_alloc : memref<!tpu.dma_semaphore, #tpu.memory_space<semaphore_mem>>
          tpu.enqueue_dma source(%arg4 : memref<10000x128xf32, #tpu.memory_space<hbm>>) target(%arg8 : memref<10000x128xf32, #tpu.memory_space<vmem_shared>>) target_semaphore(%run_scoped3A : memref<!tpu.dma_semaphore, #tpu.memory_space<semaphore_mem>>)
          tpu.wait_dma2 semaphore(%run_scoped3A : memref<!tpu.dma_semaphore, #tpu.memory_space<semaphore_mem>>) src(%arg4 : memref<10000x128xf32, #tpu.memory_space<hbm>>) dst(%arg8 : memref<10000x128xf32, #tpu.memory_space<vmem_shared>>)
          tpu.yield
        }) : () -> ()
      } else {
      }
      %barrier3A = arith.constant 0 : index
      tpu.barrier barrier_id(%barrier3A)
      "tpu.region"() ({
        %run_scoped3A = tpu.sem_alloc : memref<!tpu.dma_semaphore, #tpu.memory_space<semaphore_mem>>
        %dma_start3A = arith.constant 0 : i32
        %dma_start3A_27 = arith.constant 0 : i32
        %dma_start3A_28 = tpu.memref_slice %arg3[%scan3A_6, %add3A, %dma_start3A, %dma_start3A_27] : memref<8x32x125x40xi32, #tpu.memory_space<hbm>> -> memref<1x1x125x40xi32, #tpu.memory_space<hbm>>
        %dma_start3A_29 = tpu.memref_squeeze %dma_start3A_28 : memref<1x1x125x40xi32, #tpu.memory_space<hbm>> -> memref<125x40xi32, #tpu.memory_space<hbm>>
        %dma_start3A_30 = arith.constant 0 : i32
        %dma_start3A_31 = arith.constant 0 : i32
        %dma_start3A_32 = tpu.memref_slice %arg3[%scan3A_6, %add3A, %dma_start3A_30, %dma_start3A_31] : memref<8x32x125x40xi32, #tpu.memory_space<hbm>> -> memref<1x1x125x40xi32, #tpu.memory_space<hbm>>
        %dma_start3A_33 = tpu.memref_squeeze %dma_start3A_32 : memref<1x1x125x40xi32, #tpu.memory_space<hbm>> -> memref<125x40xi32, #tpu.memory_space<hbm>>
        tpu.enqueue_dma source(%dma_start3A_33 : memref<125x40xi32, #tpu.memory_space<hbm>>) target(%arg6 : memref<125x40xi32, #tpu.memory_space<vmem>>) target_semaphore(%run_scoped3A : memref<!tpu.dma_semaphore, #tpu.memory_space<semaphore_mem>>)
        %dma_wait3A = arith.constant 0 : i32
        %dma_wait3A_34 = arith.constant 0 : i32
        %dma_wait3A_35 = tpu.memref_slice %arg3[%scan3A_6, %add3A, %dma_wait3A, %dma_wait3A_34] : memref<8x32x125x40xi32, #tpu.memory_space<hbm>> -> memref<1x1x125x40xi32, #tpu.memory_space<hbm>>
        %dma_wait3A_36 = tpu.memref_squeeze %dma_wait3A_35 : memref<1x1x125x40xi32, #tpu.memory_space<hbm>> -> memref<125x40xi32, #tpu.memory_space<hbm>>
        %dma_wait3A_37 = arith.constant 0 : i32
        %dma_wait3A_38 = arith.constant 0 : i32
        %dma_wait3A_39 = tpu.memref_slice %arg3[%scan3A_6, %add3A, %dma_wait3A_37, %dma_wait3A_38] : memref<8x32x125x40xi32, #tpu.memory_space<hbm>> -> memref<1x1x125x40xi32, #tpu.memory_space<hbm>>
        %dma_wait3A_40 = tpu.memref_squeeze %dma_wait3A_39 : memref<1x1x125x40xi32, #tpu.memory_space<hbm>> -> memref<125x40xi32, #tpu.memory_space<hbm>>
        tpu.wait_dma2 semaphore(%run_scoped3A : memref<!tpu.dma_semaphore, #tpu.memory_space<semaphore_mem>>) src(%dma_wait3A_40 : memref<125x40xi32, #tpu.memory_space<hbm>>) dst(%arg6 : memref<125x40xi32, #tpu.memory_space<vmem>>)
        tpu.yield
      }) : () -> ()
      %mul3A_9 = arith.constant 160000 : i32
      %mul3A_10 = arith.muli %scan3A_6, %mul3A_9 : i32
      %mul3A_11 = arith.constant 5000 : i32
      %mul3A_12 = arith.muli %add3A, %mul3A_11 : i32
      %add3A_13 = arith.addi %mul3A_10, %mul3A_12 : i32
      %scan3A_14 = arith.constant 0 : i32
      %scan3A_15 = arith.constant 0 : i32
      %scan3A_16 = arith.constant 125 : i32
      %scan3A_17 = arith.addi %scan3A_15, %scan3A_16 : i32
      %scan3A_18 = arith.constant 1 : i32
      scf.for %scan3A_27 = %scan3A_15 to %scan3A_17 step %scan3A_18  : i32 {
        %mul3A_28 = arith.constant 40 : i32
        %mul3A_29 = arith.muli %scan3A_27, %mul3A_28 : i32
        %add3A_30 = arith.addi %add3A_13, %mul3A_29 : i32
        "tpu.region"() ({
          %run_scoped3A = tpu.sem_alloc : memref<!tpu.dma_semaphore, #tpu.memory_space<semaphore_mem>>
          %dma_start3A = arith.constant 0 : i32
          %dma_start3A_31 = tpu.memref_slice %arg2[%add3A_30, %dma_start3A] : memref<1280000x128xf32, #tpu.memory_space<hbm>> -> memref<40x128xf32, #tpu.memory_space<hbm>>
          %dma_start3A_32 = arith.constant 0 : i32
          %dma_start3A_33 = tpu.memref_slice %arg2[%add3A_30, %dma_start3A_32] : memref<1280000x128xf32, #tpu.memory_space<hbm>> -> memref<40x128xf32, #tpu.memory_space<hbm>>
          tpu.enqueue_dma source(%dma_start3A_33 : memref<40x128xf32, #tpu.memory_space<hbm>>) target(%arg7 : memref<40x128xf32, #tpu.memory_space<vmem>>) target_semaphore(%run_scoped3A : memref<!tpu.dma_semaphore, #tpu.memory_space<semaphore_mem>>)
          %dma_wait3A = arith.constant 0 : i32
          %dma_wait3A_34 = tpu.memref_slice %arg2[%add3A_30, %dma_wait3A] : memref<1280000x128xf32, #tpu.memory_space<hbm>> -> memref<40x128xf32, #tpu.memory_space<hbm>>
          %dma_wait3A_35 = arith.constant 0 : i32
          %dma_wait3A_36 = tpu.memref_slice %arg2[%add3A_30, %dma_wait3A_35] : memref<1280000x128xf32, #tpu.memory_space<hbm>> -> memref<40x128xf32, #tpu.memory_space<hbm>>
          tpu.wait_dma2 semaphore(%run_scoped3A : memref<!tpu.dma_semaphore, #tpu.memory_space<semaphore_mem>>) src(%dma_wait3A_36 : memref<40x128xf32, #tpu.memory_space<hbm>>) dst(%arg7 : memref<40x128xf32, #tpu.memory_space<vmem>>)
          tpu.yield
        }) : () -> ()
        "tpu.region"() ({
          %run_scoped3A = tpu.sem_alloc : memref<!tpu.dma_semaphore, #tpu.memory_space<semaphore_mem>>
          %dma_start3A = arith.constant 0 : i32
          %dma_start3A_31 = tpu.memref_slice %arg6[%scan3A_27, %dma_start3A] : memref<125x40xi32, #tpu.memory_space<vmem>> -> memref<1x40xi32, #tpu.memory_space<vmem>>
          %dma_start3A_32 = tpu.memref_squeeze %dma_start3A_31 : memref<1x40xi32, #tpu.memory_space<vmem>> -> memref<40xi32, #tpu.memory_space<vmem>>
          %dma_start3A_33 = arith.constant 0 : i32
          %dma_start3A_34 = arith.constant 0 : i32
          %dma_start3A_35 = tpu.memref_slice %arg8[%dma_start3A_33, %dma_start3A_34] : memref<10000x128xf32, #tpu.memory_space<vmem_shared>> -> memref<10000x128xf32, #tpu.memory_space<vmem_shared>>
          tpu.enqueue_indirect_dma source(%arg7 : memref<40x128xf32, #tpu.memory_space<vmem>>) target(%dma_start3A_35 : memref<10000x128xf32, #tpu.memory_space<vmem_shared>>) offsets(%dma_start3A_32 : memref<40xi32, #tpu.memory_space<vmem>>) semaphore(%run_scoped3A : memref<!tpu.dma_semaphore, #tpu.memory_space<semaphore_mem>>) {add = true}
          %dma_wait3A = arith.constant 0 : i32
          %dma_wait3A_36 = tpu.memref_slice %arg6[%scan3A_27, %dma_wait3A] : memref<125x40xi32, #tpu.memory_space<vmem>> -> memref<1x40xi32, #tpu.memory_space<vmem>>
          %dma_wait3A_37 = tpu.memref_squeeze %dma_wait3A_36 : memref<1x40xi32, #tpu.memory_space<vmem>> -> memref<40xi32, #tpu.memory_space<vmem>>
          %dma_wait3A_38 = arith.constant 0 : i32
          %dma_wait3A_39 = arith.constant 0 : i32
          %dma_wait3A_40 = tpu.memref_slice %arg8[%dma_wait3A_38, %dma_wait3A_39] : memref<10000x128xf32, #tpu.memory_space<vmem_shared>> -> memref<10000x128xf32, #tpu.memory_space<vmem_shared>>
          tpu.wait_indirect_dma semaphore(%run_scoped3A : memref<!tpu.dma_semaphore, #tpu.memory_space<semaphore_mem>>) src(%arg7 : memref<40x128xf32, #tpu.memory_space<vmem>>) dst(%dma_wait3A_40 : memref<10000x128xf32, #tpu.memory_space<vmem_shared>>)
          tpu.yield
        }) : () -> ()
      }
      %scan3A_19 = arith.constant 125 : i32
      %barrier3A_20 = arith.constant 0 : index
      tpu.barrier barrier_id(%barrier3A_20)
      %eq3A_21 = arith.constant 0 : i32
      %eq3A_22 = arith.cmpi eq, %arg1, %eq3A_21 : i32
      %convert_element_type3A_23 = arith.extui %eq3A_22 : i1 to i32
      %cond3A_24 = arith.constant 0 : i32
      %cond3A_25 = arith.cmpi ne, %convert_element_type3A_23, %cond3A_24 : i32
      scf.if %cond3A_25 {
        "tpu.region"() ({
          %run_scoped3A = tpu.sem_alloc : memref<!tpu.dma_semaphore, #tpu.memory_space<semaphore_mem>>
          %dma_start3A = arith.constant 0 : i32
          %dma_start3A_27 = arith.constant 0 : i32
          %dma_start3A_28 = tpu.memref_slice %arg5[%scan3A_6, %arg0, %dma_start3A, %dma_start3A_27] : memref<8x2x10000x128xf32, #tpu.memory_space<hbm>> -> memref<1x1x10000x128xf32, #tpu.memory_space<hbm>>
          %dma_start3A_29 = tpu.memref_squeeze %dma_start3A_28 : memref<1x1x10000x128xf32, #tpu.memory_space<hbm>> -> memref<10000x128xf32, #tpu.memory_space<hbm>>
          tpu.enqueue_dma source(%arg8 : memref<10000x128xf32, #tpu.memory_space<vmem_shared>>) target(%dma_start3A_29 : memref<10000x128xf32, #tpu.memory_space<hbm>>) target_semaphore(%run_scoped3A : memref<!tpu.dma_semaphore, #tpu.memory_space<semaphore_mem>>)
          %dma_wait3A = arith.constant 0 : i32
          %dma_wait3A_30 = arith.constant 0 : i32
          %dma_wait3A_31 = tpu.memref_slice %arg5[%scan3A_6, %arg0, %dma_wait3A, %dma_wait3A_30] : memref<8x2x10000x128xf32, #tpu.memory_space<hbm>> -> memref<1x1x10000x128xf32, #tpu.memory_space<hbm>>
          %dma_wait3A_32 = tpu.memref_squeeze %dma_wait3A_31 : memref<1x1x10000x128xf32, #tpu.memory_space<hbm>> -> memref<10000x128xf32, #tpu.memory_space<hbm>>
          tpu.wait_dma2 semaphore(%run_scoped3A : memref<!tpu.dma_semaphore, #tpu.memory_space<semaphore_mem>>) src(%arg8 : memref<10000x128xf32, #tpu.memory_space<vmem_shared>>) dst(%dma_wait3A_32 : memref<10000x128xf32, #tpu.memory_space<hbm>>)
          tpu.yield
        }) : () -> ()
      } else {
      }
      %barrier3A_26 = arith.constant 0 : index
      tpu.barrier barrier_id(%barrier3A_26)
    }
    %scan3A_5 = arith.constant 8 : i32
    return
  }
}

module attributes {stable_mosaic.version = 14 : i64} {
  func.func @_pre_body(%arg0: i32, %arg1: i32, %arg2: memref<1x400x256xf32, #tpu.memory_space<vmem>>, %arg3: memref<1x1x256x256xf32, #tpu.memory_space<vmem>>, %arg4: memref<8x256xf32, #tpu.memory_space<vmem>>, %arg5: memref<1x400x256xf32, #tpu.memory_space<vmem>>, %arg6: memref<1x400x128xf32, #tpu.memory_space<vmem>>) attributes {dimension_semantics = [#tpu.dimension_semantics<arbitrary>, #tpu.dimension_semantics<arbitrary>], iteration_bounds = array<i64: 8, 25>, scalar_prefetch = 0 : i64, scratch_operands = 0 : i64, tpu.core_type = #tpu.core_type<tc>, window_params = [{transform_indices = @transform_0, window_bounds = array<i64: 1, 400, 256>}, {transform_indices = @transform_1, window_bounds = array<i64: 1, 1, 256, 256>}, {pipeline_mode = #tpu.pipeline_mode<synchronous>, transform_indices = @transform_2, window_bounds = array<i64: 8, 256>}, {transform_indices = @transform_3, window_bounds = array<i64: 1, 400, 256>}, {transform_indices = @transform_4, window_bounds = array<i64: 1, 400, 128>}]} {
    %get3A = arith.constant 0 : index
    %get3A_0 = arith.constant 0 : index
    %get3A_1 = arith.constant 0 : index
    %get3A_2 = vector.load %arg2[%get3A, %get3A_0, %get3A_1] : memref<1x400x256xf32, #tpu.memory_space<vmem>>, vector<1x400x256xf32>
    %get3A_3 = vector.shape_cast %get3A_2 : vector<1x400x256xf32> to vector<400x256xf32>
    %get3A_4 = arith.constant 0 : index
    %get3A_5 = arith.constant 0 : index
    %get3A_6 = arith.constant 0 : index
    %get3A_7 = arith.constant 0 : index
    %get3A_8 = vector.load %arg3[%get3A_4, %get3A_5, %get3A_6, %get3A_7] : memref<1x1x256x256xf32, #tpu.memory_space<vmem>>, vector<1x1x256x256xf32>
    %get3A_9 = vector.shape_cast %get3A_8 : vector<1x1x256x256xf32> to vector<256x256xf32>
    %dot_general3A = arith.constant dense<0.000000e+00> : vector<400x256xf32>
    %dot_general3A_10 = tpu.matmul %get3A_3, %get3A_9, %dot_general3A {dimension_numbers = #tpu.dot_dimension_numbers<[1], [0], [0], [1], [0, 0, 1, 1], [], []>, transpose_lhs_hint = false} : vector<400x256xf32>, vector<256x256xf32>, vector<400x256xf32> -> vector<400x256xf32>
    %swap3A = arith.constant 0 : index
    %swap3A_11 = arith.constant 0 : index
    %swap3A_12 = arith.constant 0 : index
    %swap3A_13 = vector.load %arg5[%swap3A, %swap3A_11, %swap3A_12] : memref<1x400x256xf32, #tpu.memory_space<vmem>>, vector<1x400x256xf32>
    %swap3A_14 = vector.shape_cast %swap3A_13 : vector<1x400x256xf32> to vector<400x256xf32>
    %swap3A_15 = vector.shape_cast %dot_general3A_10 : vector<400x256xf32> to vector<1x400x256xf32>
    tpu.vector_store %arg5[%swap3A, %swap3A_11, %swap3A_12], %swap3A_15 {strides = array<i32>} : memref<1x400x256xf32, #tpu.memory_space<vmem>>, vector<1x400x256xf32>,
    %get3A_16 = arith.index_cast %arg0 : i32 to index
    %get3A_17 = arith.constant 0 : index
    %get3A_18 = vector.load %arg4[%get3A_16, %get3A_17] : memref<8x256xf32, #tpu.memory_space<vmem>>, vector<1x256xf32>
    %get3A_19 = vector.shape_cast %get3A_18 : vector<1x256xf32> to vector<256xf32>
    %broadcast_in_dim3A = vector.shape_cast %get3A_19 : vector<256xf32> to vector<256x1xf32>
    %dot_general3A_20 = arith.constant dense<0.000000e+00> : vector<400x1xf32>
    %dot_general3A_21 = tpu.matmul %dot_general3A_10, %broadcast_in_dim3A, %dot_general3A_20 {dimension_numbers = #tpu.dot_dimension_numbers<[1], [0], [0], [1], [0, 0, 1, 1], [], []>, transpose_lhs_hint = false} : vector<400x256xf32>, vector<256x1xf32>, vector<400x1xf32> -> vector<400x1xf32>
    %slice3A = vector.extract_strided_slice %dot_general3A_10 {offsets = [0, 0], sizes = [400, 128], strides = [1, 1]} : vector<400x256xf32> to vector<400x128xf32>
    %mul3A = arith.constant 0.000000e+00 : f32
    %mul3A_22 = vector.broadcast %mul3A : f32 to vector<400x128xf32>
    %mul3A_23 = arith.mulf %slice3A, %mul3A_22 : vector<400x128xf32>
    %add3A = vector.broadcast %dot_general3A_21 : vector<400x1xf32> to vector<400x128xf32>
    %add3A_24 = arith.addf %mul3A_23, %add3A : vector<400x128xf32>
    %swap3A_25 = arith.constant 0 : index
    %swap3A_26 = arith.constant 0 : index
    %swap3A_27 = arith.constant 0 : index
    %swap3A_28 = vector.load %arg6[%swap3A_25, %swap3A_26, %swap3A_27] : memref<1x400x128xf32, #tpu.memory_space<vmem>>, vector<1x400x128xf32>
    %swap3A_29 = vector.shape_cast %swap3A_28 : vector<1x400x128xf32> to vector<400x128xf32>
    %swap3A_30 = vector.shape_cast %add3A_24 : vector<400x128xf32> to vector<1x400x128xf32>
    tpu.vector_store %arg6[%swap3A_25, %swap3A_26, %swap3A_27], %swap3A_30 {strides = array<i32>} : memref<1x400x128xf32, #tpu.memory_space<vmem>>, vector<1x400x128xf32>,
    return
  }
  func.func @transform_0(%arg0: i32, %arg1: i32) -> (i32, i32, i32) {
    %jit3A = arith.constant 2 : i32
    %div3A = arith.divsi %arg0, %jit3A : i32
    %sign3A = arith.constant 0 : i32
    %sign3A_0 = arith.cmpi sgt, %arg0, %sign3A : i32
    %sign3A_1 = arith.extui %sign3A_0 : i1 to i32
    %sign3A_2 = arith.constant 0 : i32
    %sign3A_3 = arith.cmpi slt, %arg0, %sign3A_2 : i32
    %sign3A_4 = arith.extui %sign3A_3 : i1 to i32
    %sign3A_5 = arith.subi %sign3A_1, %sign3A_4 : i32
    %sign3A_6 = arith.constant 0 : i32
    %sign3A_7 = arith.cmpi sgt, %jit3A, %sign3A_6 : i32
    %sign3A_8 = arith.extui %sign3A_7 : i1 to i32
    %sign3A_9 = arith.constant 0 : i32
    %sign3A_10 = arith.cmpi slt, %jit3A, %sign3A_9 : i32
    %sign3A_11 = arith.extui %sign3A_10 : i1 to i32
    %sign3A_12 = arith.subi %sign3A_8, %sign3A_11 : i32
    %ne3A = arith.cmpi ne, %sign3A_5, %sign3A_12 : i32
    %rem3A = arith.remsi %arg0, %jit3A : i32
    %ne3A_13 = arith.constant 0 : i32
    %ne3A_14 = arith.cmpi ne, %rem3A, %ne3A_13 : i32
    %and3A = arith.andi %ne3A, %ne3A_14 : i1
    %sub3A = arith.constant 1 : i32
    %sub3A_15 = arith.subi %div3A, %sub3A : i32
    %select_n3A = arith.select %and3A, %sub3A_15, %div3A : i32
    %c0_i32 = arith.constant 0 : i32
    %c0_i32_16 = arith.constant 0 : i32
    return %select_n3A, %arg1, %c0_i32 : i32, i32, i32
  }
  func.func @transform_1(%arg0: i32, %arg1: i32) -> (i32, i32, i32, i32) {
    %jit3A = arith.constant 2 : i32
    %div3A = arith.divsi %arg0, %jit3A : i32
    %sign3A = arith.constant 0 : i32
    %sign3A_0 = arith.cmpi sgt, %arg0, %sign3A : i32
    %sign3A_1 = arith.extui %sign3A_0 : i1 to i32
    %sign3A_2 = arith.constant 0 : i32
    %sign3A_3 = arith.cmpi slt, %arg0, %sign3A_2 : i32
    %sign3A_4 = arith.extui %sign3A_3 : i1 to i32
    %sign3A_5 = arith.subi %sign3A_1, %sign3A_4 : i32
    %sign3A_6 = arith.constant 0 : i32
    %sign3A_7 = arith.cmpi sgt, %jit3A, %sign3A_6 : i32
    %sign3A_8 = arith.extui %sign3A_7 : i1 to i32
    %sign3A_9 = arith.constant 0 : i32
    %sign3A_10 = arith.cmpi slt, %jit3A, %sign3A_9 : i32
    %sign3A_11 = arith.extui %sign3A_10 : i1 to i32
    %sign3A_12 = arith.subi %sign3A_8, %sign3A_11 : i32
    %ne3A = arith.cmpi ne, %sign3A_5, %sign3A_12 : i32
    %rem3A = arith.remsi %arg0, %jit3A : i32
    %ne3A_13 = arith.constant 0 : i32
    %ne3A_14 = arith.cmpi ne, %rem3A, %ne3A_13 : i32
    %and3A = arith.andi %ne3A, %ne3A_14 : i1
    %sub3A = arith.constant 1 : i32
    %sub3A_15 = arith.subi %div3A, %sub3A : i32
    %select_n3A = arith.select %and3A, %sub3A_15, %div3A : i32
    %jit3A_16 = arith.constant 2 : i32
    %eq3A = arith.constant 0 : i32
    %eq3A_17 = arith.cmpi eq, %jit3A_16, %eq3A : i32
    %jit3A_18 = arith.constant 1 : i32
    %select_n3A_19 = arith.select %eq3A_17, %jit3A_18, %jit3A_16 : i32
    %rem3A_20 = arith.remsi %arg0, %select_n3A_19 : i32
    %ne3A_21 = arith.constant 0 : i32
    %ne3A_22 = arith.cmpi ne, %rem3A_20, %ne3A_21 : i32
    %lt3A = arith.constant 0 : i32
    %lt3A_23 = arith.cmpi slt, %rem3A_20, %lt3A : i32
    %lt3A_24 = arith.constant 0 : i32
    %lt3A_25 = arith.cmpi slt, %select_n3A_19, %lt3A_24 : i32
    %ne3A_26 = arith.xori %lt3A_23, %lt3A_25 : i1
    %and3A_27 = arith.andi %ne3A_26, %ne3A_22 : i1
    %add3A = arith.addi %rem3A_20, %select_n3A_19 : i32
    %select_n3A_28 = arith.select %and3A_27, %add3A, %rem3A_20 : i32
    %c0_i32 = arith.constant 0 : i32
    %c0_i32_29 = arith.constant 0 : i32
    %c0_i32_30 = arith.constant 0 : i32
    return %select_n3A, %select_n3A_28, %c0_i32, %c0_i32_29 : i32, i32, i32, i32
  }
  func.func @transform_2(%arg0: i32, %arg1: i32) -> (i32, i32) {
    %c0_i32 = arith.constant 0 : i32
    %c0_i32_0 = arith.constant 0 : i32
    %c0_i32_1 = arith.constant 0 : i32
    return %c0_i32, %c0_i32_0 : i32, i32
  }
  func.func @transform_3(%arg0: i32, %arg1: i32) -> (i32, i32, i32) {
    %c0_i32 = arith.constant 0 : i32
    %c0_i32_0 = arith.constant 0 : i32
    return %arg0, %arg1, %c0_i32 : i32, i32, i32
  }
  func.func @transform_4(%arg0: i32, %arg1: i32) -> (i32, i32, i32) {
    %c0_i32 = arith.constant 0 : i32
    %c0_i32_0 = arith.constant 0 : i32
    return %arg0, %arg1, %c0_i32 : i32, i32, i32
  }
}

module attributes {stable_mosaic.version = 14 : i64} {
  func.func @_idx_body(%arg0: i32, %arg1: memref<1x1x2x160000xi32, #tpu.memory_space<vmem>>, %arg2: memref<1x1x160000xi32, #tpu.memory_space<vmem>>, %arg3: memref<1x1x160000xi32, #tpu.memory_space<vmem>>) attributes {dimension_semantics = [#tpu.dimension_semantics<arbitrary>], iteration_bounds = array<i64: 8>, scalar_prefetch = 0 : i64, scratch_operands = 0 : i64, tpu.core_type = #tpu.core_type<tc>, window_params = [{transform_indices = @transform_0, window_bounds = array<i64: 1, 1, 2, 160000>}, {transform_indices = @transform_1, window_bounds = array<i64: 1, 1, 160000>}, {transform_indices = @transform_2, window_bounds = array<i64: 1, 1, 160000>}]} {
    %mul3A = arith.constant 10000 : i32
    %mul3A_0 = arith.muli %arg0, %mul3A : i32
    %get3A = arith.constant 0 : index
    %get3A_1 = arith.constant 0 : index
    %get3A_2 = arith.constant 0 : index
    %get3A_3 = arith.constant 0 : index
    %get3A_4 = vector.load %arg1[%get3A, %get3A_1, %get3A_2, %get3A_3] : memref<1x1x2x160000xi32, #tpu.memory_space<vmem>>, vector<1x1x2x160000xi32>
    %get3A_5 = vector.shape_cast %get3A_4 : vector<1x1x2x160000xi32> to vector<2x160000xi32>
    %slice3A = vector.extract_strided_slice %get3A_5 {offsets = [0, 0], sizes = [1, 160000], strides = [1, 1]} : vector<2x160000xi32> to vector<1x160000xi32>
    %squeeze3A = vector.shape_cast %slice3A : vector<1x160000xi32> to vector<160000xi32>
    %add3A = vector.broadcast %mul3A_0 : i32 to vector<160000xi32>
    %add3A_6 = arith.addi %squeeze3A, %add3A : vector<160000xi32>
    %swap3A = arith.constant 0 : index
    %swap3A_7 = arith.constant 0 : index
    %swap3A_8 = arith.constant 0 : index
    %swap3A_9 = vector.load %arg2[%swap3A, %swap3A_7, %swap3A_8] : memref<1x1x160000xi32, #tpu.memory_space<vmem>>, vector<1x1x160000xi32>
    %swap3A_10 = vector.shape_cast %swap3A_9 : vector<1x1x160000xi32> to vector<160000xi32>
    %swap3A_11 = vector.shape_cast %add3A_6 : vector<160000xi32> to vector<1x1x160000xi32>
    tpu.vector_store %arg2[%swap3A, %swap3A_7, %swap3A_8], %swap3A_11 {strides = array<i32>} : memref<1x1x160000xi32, #tpu.memory_space<vmem>>, vector<1x1x160000xi32>,
    %slice3A_12 = vector.extract_strided_slice %get3A_5 {offsets = [1, 0], sizes = [1, 160000], strides = [1, 1]} : vector<2x160000xi32> to vector<1x160000xi32>
    %squeeze3A_13 = vector.shape_cast %slice3A_12 : vector<1x160000xi32> to vector<160000xi32>
    %add3A_14 = vector.broadcast %mul3A_0 : i32 to vector<160000xi32>
    %add3A_15 = arith.addi %squeeze3A_13, %add3A_14 : vector<160000xi32>
    %swap3A_16 = arith.constant 0 : index
    %swap3A_17 = arith.constant 0 : index
    %swap3A_18 = arith.constant 0 : index
    %swap3A_19 = vector.load %arg3[%swap3A_16, %swap3A_17, %swap3A_18] : memref<1x1x160000xi32, #tpu.memory_space<vmem>>, vector<1x1x160000xi32>
    %swap3A_20 = vector.shape_cast %swap3A_19 : vector<1x1x160000xi32> to vector<160000xi32>
    %swap3A_21 = vector.shape_cast %add3A_15 : vector<160000xi32> to vector<1x1x160000xi32>
    tpu.vector_store %arg3[%swap3A_16, %swap3A_17, %swap3A_18], %swap3A_21 {strides = array<i32>} : memref<1x1x160000xi32, #tpu.memory_space<vmem>>, vector<1x1x160000xi32>,
    return
  }
  func.func @transform_0(%arg0: i32) -> (i32, i32, i32, i32) {
    %jit3A = arith.constant 2 : i32
    %div3A = arith.divsi %arg0, %jit3A : i32
    %sign3A = arith.constant 0 : i32
    %sign3A_0 = arith.cmpi sgt, %arg0, %sign3A : i32
    %sign3A_1 = arith.extui %sign3A_0 : i1 to i32
    %sign3A_2 = arith.constant 0 : i32
    %sign3A_3 = arith.cmpi slt, %arg0, %sign3A_2 : i32
    %sign3A_4 = arith.extui %sign3A_3 : i1 to i32
    %sign3A_5 = arith.subi %sign3A_1, %sign3A_4 : i32
    %sign3A_6 = arith.constant 0 : i32
    %sign3A_7 = arith.cmpi sgt, %jit3A, %sign3A_6 : i32
    %sign3A_8 = arith.extui %sign3A_7 : i1 to i32
    %sign3A_9 = arith.constant 0 : i32
    %sign3A_10 = arith.cmpi slt, %jit3A, %sign3A_9 : i32
    %sign3A_11 = arith.extui %sign3A_10 : i1 to i32
    %sign3A_12 = arith.subi %sign3A_8, %sign3A_11 : i32
    %ne3A = arith.cmpi ne, %sign3A_5, %sign3A_12 : i32
    %rem3A = arith.remsi %arg0, %jit3A : i32
    %ne3A_13 = arith.constant 0 : i32
    %ne3A_14 = arith.cmpi ne, %rem3A, %ne3A_13 : i32
    %and3A = arith.andi %ne3A, %ne3A_14 : i1
    %sub3A = arith.constant 1 : i32
    %sub3A_15 = arith.subi %div3A, %sub3A : i32
    %select_n3A = arith.select %and3A, %sub3A_15, %div3A : i32
    %jit3A_16 = arith.constant 2 : i32
    %eq3A = arith.constant 0 : i32
    %eq3A_17 = arith.cmpi eq, %jit3A_16, %eq3A : i32
    %jit3A_18 = arith.constant 1 : i32
    %select_n3A_19 = arith.select %eq3A_17, %jit3A_18, %jit3A_16 : i32
    %rem3A_20 = arith.remsi %arg0, %select_n3A_19 : i32
    %ne3A_21 = arith.constant 0 : i32
    %ne3A_22 = arith.cmpi ne, %rem3A_20, %ne3A_21 : i32
    %lt3A = arith.constant 0 : i32
    %lt3A_23 = arith.cmpi slt, %rem3A_20, %lt3A : i32
    %lt3A_24 = arith.constant 0 : i32
    %lt3A_25 = arith.cmpi slt, %select_n3A_19, %lt3A_24 : i32
    %ne3A_26 = arith.xori %lt3A_23, %lt3A_25 : i1
    %and3A_27 = arith.andi %ne3A_26, %ne3A_22 : i1
    %add3A = arith.addi %rem3A_20, %select_n3A_19 : i32
    %select_n3A_28 = arith.select %and3A_27, %add3A, %rem3A_20 : i32
    %c0_i32 = arith.constant 0 : i32
    %c0_i32_29 = arith.constant 0 : i32
    %c0_i32_30 = arith.constant 0 : i32
    return %select_n3A, %select_n3A_28, %c0_i32, %c0_i32_29 : i32, i32, i32, i32
  }
  func.func @transform_1(%arg0: i32) -> (i32, i32, i32) {
    %c0_i32 = arith.constant 0 : i32
    %c0_i32_0 = arith.constant 0 : i32
    %c0_i32_1 = arith.constant 0 : i32
    return %arg0, %c0_i32, %c0_i32_0 : i32, i32, i32
  }
  func.func @transform_2(%arg0: i32) -> (i32, i32, i32) {
    %c0_i32 = arith.constant 0 : i32
    %c0_i32_0 = arith.constant 0 : i32
    %c0_i32_1 = arith.constant 0 : i32
    return %arg0, %c0_i32, %c0_i32_0 : i32, i32, i32
  }
}

module attributes {stable_mosaic.version = 14 : i64} {
  func.func @_edge_body(%arg0: i32, %arg1: i32, %arg2: memref<640x256xf32, #tpu.memory_space<vmem>>, %arg3: memref<640x128xf32, #tpu.memory_space<vmem>>, %arg4: memref<8x256xf32, #tpu.memory_space<vmem>>, %arg5: memref<640x128xf32, #tpu.memory_space<vmem>>, %arg6: memref<640x128xf32, #tpu.memory_space<vmem>>, %arg7: memref<640x128xf32, #tpu.memory_space<vmem>>) attributes {dimension_semantics = [#tpu.dimension_semantics<arbitrary>, #tpu.dimension_semantics<arbitrary>], iteration_bounds = array<i64: 8, 250>, scalar_prefetch = 0 : i64, scratch_operands = 0 : i64, tpu.core_type = #tpu.core_type<tc>, window_params = [{transform_indices = @transform_0, window_bounds = array<i64: 640, 256>}, {transform_indices = @transform_1, window_bounds = array<i64: 640, 128>}, {pipeline_mode = #tpu.pipeline_mode<synchronous>, transform_indices = @transform_2, window_bounds = array<i64: 8, 256>}, {transform_indices = @transform_3, window_bounds = array<i64: 640, 128>}, {transform_indices = @transform_4, window_bounds = array<i64: 640, 128>}, {transform_indices = @transform_5, window_bounds = array<i64: 640, 128>}]} {
    %get3A = arith.constant 0 : index
    %get3A_0 = arith.constant 0 : index
    %get3A_1 = vector.load %arg2[%get3A, %get3A_0] : memref<640x256xf32, #tpu.memory_space<vmem>>, vector<640x256xf32>
    %get3A_2 = arith.index_cast %arg0 : i32 to index
    %get3A_3 = arith.constant 0 : index
    %get3A_4 = vector.load %arg4[%get3A_2, %get3A_3] : memref<8x256xf32, #tpu.memory_space<vmem>>, vector<1x256xf32>
    %get3A_5 = vector.shape_cast %get3A_4 : vector<1x256xf32> to vector<256xf32>
    %broadcast_in_dim3A = vector.shape_cast %get3A_5 : vector<256xf32> to vector<256x1xf32>
    %dot_general3A = arith.constant dense<0.000000e+00> : vector<640x1xf32>
    %dot_general3A_6 = tpu.matmul %get3A_1, %broadcast_in_dim3A, %dot_general3A {dimension_numbers = #tpu.dot_dimension_numbers<[1], [0], [0], [1], [0, 0, 1, 1], [], []>, transpose_lhs_hint = false} : vector<640x256xf32>, vector<256x1xf32>, vector<640x1xf32> -> vector<640x1xf32>
    %get3A_7 = arith.constant 0 : index
    %get3A_8 = arith.constant 0 : index
    %get3A_9 = vector.load %arg3[%get3A_7, %get3A_8] : memref<640x128xf32, #tpu.memory_space<vmem>>, vector<640x1xf32>
    %add3A = arith.addf %dot_general3A_6, %get3A_9 : vector<640x1xf32>
    %gt3A = arith.constant 0.000000e+00 : f32
    %gt3A_10 = vector.broadcast %gt3A : f32 to vector<640x1xf32>
    %gt3A_11 = arith.cmpf ogt, %add3A, %gt3A_10 : vector<640x1xf32>
    %mul3A = arith.constant 2.000000e-01 : f32
    %mul3A_12 = vector.broadcast %mul3A : f32 to vector<640x1xf32>
    %mul3A_13 = arith.mulf %mul3A_12, %add3A : vector<640x1xf32>
    %select_n3A = arith.select %gt3A_11, %add3A, %mul3A_13 : vector<640x1xi1>, vector<640x1xf32>
    %exp3A = math.exp %select_n3A : vector<640x1xf32>
    %mul3A_14 = vector.broadcast %exp3A : vector<640x1xf32> to vector<640x256xf32>
    %mul3A_15 = arith.mulf %get3A_1, %mul3A_14 : vector<640x256xf32>
    %slice3A = vector.extract_strided_slice %mul3A_15 {offsets = [0, 0], sizes = [640, 128], strides = [1, 1]} : vector<640x256xf32> to vector<640x128xf32>
    %swap3A = arith.constant 0 : index
    %swap3A_16 = arith.constant 0 : index
    %swap3A_17 = vector.load %arg5[%swap3A, %swap3A_16] : memref<640x128xf32, #tpu.memory_space<vmem>>, vector<640x128xf32>
    tpu.vector_store %arg5[%swap3A, %swap3A_16], %slice3A {strides = array<i32>} : memref<640x128xf32, #tpu.memory_space<vmem>>, vector<640x128xf32>,
    %slice3A_18 = vector.extract_strided_slice %mul3A_15 {offsets = [0, 128], sizes = [640, 128], strides = [1, 1]} : vector<640x256xf32> to vector<640x128xf32>
    %swap3A_19 = arith.constant 0 : index
    %swap3A_20 = arith.constant 0 : index
    %swap3A_21 = vector.load %arg6[%swap3A_19, %swap3A_20] : memref<640x128xf32, #tpu.memory_space<vmem>>, vector<640x128xf32>
    tpu.vector_store %arg6[%swap3A_19, %swap3A_20], %slice3A_18 {strides = array<i32>} : memref<640x128xf32, #tpu.memory_space<vmem>>, vector<640x128xf32>,
    %slice3A_22 = vector.extract_strided_slice %get3A_1 {offsets = [0, 0], sizes = [640, 128], strides = [1, 1]} : vector<640x256xf32> to vector<640x128xf32>
    %mul3A_23 = arith.constant 0.000000e+00 : f32
    %mul3A_24 = vector.broadcast %mul3A_23 : f32 to vector<640x128xf32>
    %mul3A_25 = arith.mulf %slice3A_22, %mul3A_24 : vector<640x128xf32>
    %add3A_26 = vector.broadcast %exp3A : vector<640x1xf32> to vector<640x128xf32>
    %add3A_27 = arith.addf %mul3A_25, %add3A_26 : vector<640x128xf32>
    %swap3A_28 = arith.constant 0 : index
    %swap3A_29 = arith.constant 0 : index
    %swap3A_30 = vector.load %arg7[%swap3A_28, %swap3A_29] : memref<640x128xf32, #tpu.memory_space<vmem>>, vector<640x128xf32>
    tpu.vector_store %arg7[%swap3A_28, %swap3A_29], %add3A_27 {strides = array<i32>} : memref<640x128xf32, #tpu.memory_space<vmem>>, vector<640x128xf32>,
    return
  }
  func.func @transform_0(%arg0: i32, %arg1: i32) -> (i32, i32) {
    %mul3A = arith.constant 250 : i32
    %mul3A_0 = arith.muli %arg0, %mul3A : i32
    %add3A = arith.addi %mul3A_0, %arg1 : i32
    %c0_i32 = arith.constant 0 : i32
    %c0_i32_1 = arith.constant 0 : i32
    return %add3A, %c0_i32 : i32, i32
  }
  func.func @transform_1(%arg0: i32, %arg1: i32) -> (i32, i32) {
    %mul3A = arith.constant 250 : i32
    %mul3A_0 = arith.muli %arg0, %mul3A : i32
    %add3A = arith.addi %mul3A_0, %arg1 : i32
    %c0_i32 = arith.constant 0 : i32
    %c0_i32_1 = arith.constant 0 : i32
    return %add3A, %c0_i32 : i32, i32
  }
  func.func @transform_2(%arg0: i32, %arg1: i32) -> (i32, i32) {
    %c0_i32 = arith.constant 0 : i32
    %c0_i32_0 = arith.constant 0 : i32
    %c0_i32_1 = arith.constant 0 : i32
    return %c0_i32, %c0_i32_0 : i32, i32
  }
  func.func @transform_3(%arg0: i32, %arg1: i32) -> (i32, i32) {
    %mul3A = arith.constant 250 : i32
    %mul3A_0 = arith.muli %arg0, %mul3A : i32
    %add3A = arith.addi %mul3A_0, %arg1 : i32
    %c0_i32 = arith.constant 0 : i32
    %c0_i32_1 = arith.constant 0 : i32
    return %add3A, %c0_i32 : i32, i32
  }
  func.func @transform_4(%arg0: i32, %arg1: i32) -> (i32, i32) {
    %mul3A = arith.constant 250 : i32
    %mul3A_0 = arith.muli %arg0, %mul3A : i32
    %add3A = arith.addi %mul3A_0, %arg1 : i32
    %c0_i32 = arith.constant 0 : i32
    %c0_i32_1 = arith.constant 0 : i32
    return %add3A, %c0_i32 : i32, i32
  }
  func.func @transform_5(%arg0: i32, %arg1: i32) -> (i32, i32) {
    %mul3A = arith.constant 250 : i32
    %mul3A_0 = arith.muli %arg0, %mul3A : i32
    %add3A = arith.addi %mul3A_0, %arg1 : i32
    %c0_i32 = arith.constant 0 : i32
    %c0_i32_1 = arith.constant 0 : i32
    return %add3A, %c0_i32 : i32, i32
  }
}

module attributes {stable_mosaic.version = 14 : i64} {
  func.func @_e1_body(%arg0: i32, %arg1: memref<8x2x400x128xf32, #tpu.memory_space<vmem>>, %arg2: memref<8x2x400x128xf32, #tpu.memory_space<vmem>>, %arg3: memref<8x2x400x128xf32, #tpu.memory_space<vmem>>, %arg4: memref<4x256x256xf32, #tpu.memory_space<vmem>>, %arg5: memref<4x256xf32, #tpu.memory_space<vmem>>, %arg6: memref<4x256x128xf32, #tpu.memory_space<vmem>>, %arg7: memref<1x4x2x128xf32, #tpu.memory_space<vmem>>) attributes {dimension_semantics = [#tpu.dimension_semantics<arbitrary>], iteration_bounds = array<i64: 25>, scalar_prefetch = 0 : i64, scratch_operands = 0 : i64, tpu.core_type = #tpu.core_type<tc>, window_params = [{transform_indices = @transform_0, window_bounds = array<i64: 8, 2, 400, 128>}, {transform_indices = @transform_1, window_bounds = array<i64: 8, 2, 400, 128>}, {transform_indices = @transform_2, window_bounds = array<i64: 8, 2, 400, 128>}, {pipeline_mode = #tpu.pipeline_mode<synchronous>, transform_indices = @transform_3, window_bounds = array<i64: 4, 256, 256>}, {pipeline_mode = #tpu.pipeline_mode<synchronous>, transform_indices = @transform_4, window_bounds = array<i64: 4, 256>}, {pipeline_mode = #tpu.pipeline_mode<synchronous>, transform_indices = @transform_5, window_bounds = array<i64: 4, 256, 128>}, {transform_indices = @transform_6, window_bounds = array<i64: 1, 4, 2, 128>}]} {
    %get3A = arith.constant 0 : index
    %get3A_0 = arith.constant 0 : index
    %get3A_1 = arith.constant 0 : index
    %get3A_2 = arith.constant 0 : index
    %get3A_3 = vector.load %arg1[%get3A, %get3A_0, %get3A_1, %get3A_2] : memref<8x2x400x128xf32, #tpu.memory_space<vmem>>, vector<8x2x400x128xf32>
    %get3A_4 = arith.constant 0 : index
    %get3A_5 = arith.constant 0 : index
    %get3A_6 = arith.constant 0 : index
    %get3A_7 = arith.constant 0 : index
    %get3A_8 = vector.load %arg2[%get3A_4, %get3A_5, %get3A_6, %get3A_7] : memref<8x2x400x128xf32, #tpu.memory_space<vmem>>, vector<8x2x400x128xf32>
    %get3A_9 = arith.constant 0 : index
    %get3A_10 = arith.constant 0 : index
    %get3A_11 = arith.constant 0 : index
    %get3A_12 = arith.constant 0 : index
    %get3A_13 = vector.load %arg3[%get3A_9, %get3A_10, %get3A_11, %get3A_12] : memref<8x2x400x128xf32, #tpu.memory_space<vmem>>, vector<8x2x400x128xf32>
    %slice3A = vector.extract_strided_slice %get3A_3 {offsets = [0, 0, 0, 0], sizes = [1, 1, 400, 128], strides = [1, 1, 1, 1]} : vector<8x2x400x128xf32> to vector<1x1x400x128xf32>
    %squeeze3A = vector.shape_cast %slice3A : vector<1x1x400x128xf32> to vector<400x128xf32>
    %slice3A_14 = vector.extract_strided_slice %get3A_3 {offsets = [0, 1, 0, 0], sizes = [1, 1, 400, 128], strides = [1, 1, 1, 1]} : vector<8x2x400x128xf32> to vector<1x1x400x128xf32>
    %squeeze3A_15 = vector.shape_cast %slice3A_14 : vector<1x1x400x128xf32> to vector<400x128xf32>
    %add3A = arith.addf %squeeze3A, %squeeze3A_15 : vector<400x128xf32>
    %slice3A_16 = vector.extract_strided_slice %get3A_8 {offsets = [0, 0, 0, 0], sizes = [1, 1, 400, 128], strides = [1, 1, 1, 1]} : vector<8x2x400x128xf32> to vector<1x1x400x128xf32>
    %squeeze3A_17 = vector.shape_cast %slice3A_16 : vector<1x1x400x128xf32> to vector<400x128xf32>
    %slice3A_18 = vector.extract_strided_slice %get3A_8 {offsets = [0, 1, 0, 0], sizes = [1, 1, 400, 128], strides = [1, 1, 1, 1]} : vector<8x2x400x128xf32> to vector<1x1x400x128xf32>
    %squeeze3A_19 = vector.shape_cast %slice3A_18 : vector<1x1x400x128xf32> to vector<400x128xf32>
    %add3A_20 = arith.addf %squeeze3A_17, %squeeze3A_19 : vector<400x128xf32>
    %concatenate3A = tpu.concatenate %add3A, %add3A_20 in 1 : vector<400x128xf32>, vector<400x128xf32> -> vector<400x256xf32>
    %slice3A_21 = vector.extract_strided_slice %get3A_13 {offsets = [0, 0, 0, 0], sizes = [1, 1, 400, 1], strides = [1, 1, 1, 1]} : vector<8x2x400x128xf32> to vector<1x1x400x1xf32>
    %squeeze3A_22 = vector.shape_cast %slice3A_21 : vector<1x1x400x1xf32> to vector<400x1xf32>
    %slice3A_23 = vector.extract_strided_slice %get3A_13 {offsets = [0, 1, 0, 0], sizes = [1, 1, 400, 1], strides = [1, 1, 1, 1]} : vector<8x2x400x128xf32> to vector<1x1x400x1xf32>
    %squeeze3A_24 = vector.shape_cast %slice3A_23 : vector<1x1x400x1xf32> to vector<400x1xf32>
    %add3A_25 = arith.addf %squeeze3A_22, %squeeze3A_24 : vector<400x1xf32>
    %add3A_26 = arith.constant 9.99999971E-10 : f32
    %add3A_27 = vector.broadcast %add3A_26 : f32 to vector<400x1xf32>
    %add3A_28 = arith.addf %add3A_25, %add3A_27 : vector<400x1xf32>
    %div3A = vector.broadcast %add3A_28 : vector<400x1xf32> to vector<400x256xf32>
    %div3A_29 = arith.divf %concatenate3A, %div3A : vector<400x256xf32>
    %get3A_30 = arith.constant 0 : index
    %get3A_31 = arith.constant 0 : index
    %get3A_32 = arith.constant 0 : index
    %get3A_33 = vector.load %arg4[%get3A_30, %get3A_31, %get3A_32] : memref<4x256x256xf32, #tpu.memory_space<vmem>>, vector<1x256x256xf32>
    %get3A_34 = vector.shape_cast %get3A_33 : vector<1x256x256xf32> to vector<256x256xf32>
    %dot_general3A = arith.constant dense<0.000000e+00> : vector<400x256xf32>
    %dot_general3A_35 = tpu.matmul %div3A_29, %get3A_34, %dot_general3A {dimension_numbers = #tpu.dot_dimension_numbers<[1], [0], [0], [1], [0, 0, 1, 1], [], []>, transpose_lhs_hint = false} : vector<400x256xf32>, vector<256x256xf32>, vector<400x256xf32> -> vector<400x256xf32>
    %get3A_36 = arith.constant 0 : index
    %get3A_37 = arith.constant 0 : index
    %get3A_38 = vector.load %arg5[%get3A_36, %get3A_37] : memref<4x256xf32, #tpu.memory_space<vmem>>, vector<1x256xf32>
    %get3A_39 = vector.shape_cast %get3A_38 : vector<1x256xf32> to vector<256xf32>
    %broadcast_in_dim3A = vector.shape_cast %get3A_39 : vector<256xf32> to vector<1x256xf32>
    %add3A_40 = vector.broadcast %broadcast_in_dim3A : vector<1x256xf32> to vector<400x256xf32>
    %add3A_41 = arith.addf %dot_general3A_35, %add3A_40 : vector<400x256xf32>
    %tanh3A = math.tanh %add3A_41 : vector<400x256xf32>
    %get3A_42 = arith.constant 0 : index
    %get3A_43 = arith.constant 0 : index
    %get3A_44 = arith.constant 0 : index
    %get3A_45 = vector.load %arg6[%get3A_42, %get3A_43, %get3A_44] : memref<4x256x128xf32, #tpu.memory_space<vmem>>, vector<1x256x128xf32>
    %get3A_46 = vector.shape_cast %get3A_45 : vector<1x256x128xf32> to vector<256x128xf32>
    %dot_general3A_47 = arith.constant dense<0.000000e+00> : vector<400x128xf32>
    %dot_general3A_48 = tpu.matmul %tanh3A, %get3A_46, %dot_general3A_47 {dimension_numbers = #tpu.dot_dimension_numbers<[1], [0], [0], [1], [0, 0, 1, 1], [], []>, transpose_lhs_hint = false} : vector<400x256xf32>, vector<256x128xf32>, vector<400x128xf32> -> vector<400x128xf32>
    %reduce_sum3A = arith.constant dense<0.000000e+00> : vector<128xf32>
    %reduce_sum3A_49 = vector.multi_reduction <add>, %dot_general3A_48, %reduce_sum3A [0] : vector<400x128xf32> to vector<128xf32>
    %broadcast_in_dim3A_50 = vector.shape_cast %reduce_sum3A_49 : vector<128xf32> to vector<1x128xf32>
    %slice3A_51 = vector.extract_strided_slice %get3A_3 {offsets = [1, 0, 0, 0], sizes = [1, 1, 400, 128], strides = [1, 1, 1, 1]} : vector<8x2x400x128xf32> to vector<1x1x400x128xf32>
    %squeeze3A_52 = vector.shape_cast %slice3A_51 : vector<1x1x400x128xf32> to vector<400x128xf32>
    %slice3A_53 = vector.extract_strided_slice %get3A_3 {offsets = [1, 1, 0, 0], sizes = [1, 1, 400, 128], strides = [1, 1, 1, 1]} : vector<8x2x400x128xf32> to vector<1x1x400x128xf32>
    %squeeze3A_54 = vector.shape_cast %slice3A_53 : vector<1x1x400x128xf32> to vector<400x128xf32>
    %add3A_55 = arith.addf %squeeze3A_52, %squeeze3A_54 : vector<400x128xf32>
    %slice3A_56 = vector.extract_strided_slice %get3A_8 {offsets = [1, 0, 0, 0], sizes = [1, 1, 400, 128], strides = [1, 1, 1, 1]} : vector<8x2x400x128xf32> to vector<1x1x400x128xf32>
    %squeeze3A_57 = vector.shape_cast %slice3A_56 : vector<1x1x400x128xf32> to vector<400x128xf32>
    %slice3A_58 = vector.extract_strided_slice %get3A_8 {offsets = [1, 1, 0, 0], sizes = [1, 1, 400, 128], strides = [1, 1, 1, 1]} : vector<8x2x400x128xf32> to vector<1x1x400x128xf32>
    %squeeze3A_59 = vector.shape_cast %slice3A_58 : vector<1x1x400x128xf32> to vector<400x128xf32>
    %add3A_60 = arith.addf %squeeze3A_57, %squeeze3A_59 : vector<400x128xf32>
    %concatenate3A_61 = tpu.concatenate %add3A_55, %add3A_60 in 1 : vector<400x128xf32>, vector<400x128xf32> -> vector<400x256xf32>
    %slice3A_62 = vector.extract_strided_slice %get3A_13 {offsets = [1, 0, 0, 0], sizes = [1, 1, 400, 1], strides = [1, 1, 1, 1]} : vector<8x2x400x128xf32> to vector<1x1x400x1xf32>
    %squeeze3A_63 = vector.shape_cast %slice3A_62 : vector<1x1x400x1xf32> to vector<400x1xf32>
    %slice3A_64 = vector.extract_strided_slice %get3A_13 {offsets = [1, 1, 0, 0], sizes = [1, 1, 400, 1], strides = [1, 1, 1, 1]} : vector<8x2x400x128xf32> to vector<1x1x400x1xf32>
    %squeeze3A_65 = vector.shape_cast %slice3A_64 : vector<1x1x400x1xf32> to vector<400x1xf32>
    %add3A_66 = arith.addf %squeeze3A_63, %squeeze3A_65 : vector<400x1xf32>
    %add3A_67 = arith.constant 9.99999971E-10 : f32
    %add3A_68 = vector.broadcast %add3A_67 : f32 to vector<400x1xf32>
    %add3A_69 = arith.addf %add3A_66, %add3A_68 : vector<400x1xf32>
    %div3A_70 = vector.broadcast %add3A_69 : vector<400x1xf32> to vector<400x256xf32>
    %div3A_71 = arith.divf %concatenate3A_61, %div3A_70 : vector<400x256xf32>
    %get3A_72 = arith.constant 0 : index
    %get3A_73 = arith.constant 0 : index
    %get3A_74 = arith.constant 0 : index
    %get3A_75 = vector.load %arg4[%get3A_72, %get3A_73, %get3A_74] : memref<4x256x256xf32, #tpu.memory_space<vmem>>, vector<1x256x256xf32>
    %get3A_76 = vector.shape_cast %get3A_75 : vector<1x256x256xf32> to vector<256x256xf32>
    %dot_general3A_77 = arith.constant dense<0.000000e+00> : vector<400x256xf32>
    %dot_general3A_78 = tpu.matmul %div3A_71, %get3A_76, %dot_general3A_77 {dimension_numbers = #tpu.dot_dimension_numbers<[1], [0], [0], [1], [0, 0, 1, 1], [], []>, transpose_lhs_hint = false} : vector<400x256xf32>, vector<256x256xf32>, vector<400x256xf32> -> vector<400x256xf32>
    %get3A_79 = arith.constant 0 : index
    %get3A_80 = arith.constant 0 : index
    %get3A_81 = vector.load %arg5[%get3A_79, %get3A_80] : memref<4x256xf32, #tpu.memory_space<vmem>>, vector<1x256xf32>
    %get3A_82 = vector.shape_cast %get3A_81 : vector<1x256xf32> to vector<256xf32>
    %broadcast_in_dim3A_83 = vector.shape_cast %get3A_82 : vector<256xf32> to vector<1x256xf32>
    %add3A_84 = vector.broadcast %broadcast_in_dim3A_83 : vector<1x256xf32> to vector<400x256xf32>
    %add3A_85 = arith.addf %dot_general3A_78, %add3A_84 : vector<400x256xf32>
    %tanh3A_86 = math.tanh %add3A_85 : vector<400x256xf32>
    %get3A_87 = arith.constant 0 : index
    %get3A_88 = arith.constant 0 : index
    %get3A_89 = arith.constant 0 : index
    %get3A_90 = vector.load %arg6[%get3A_87, %get3A_88, %get3A_89] : memref<4x256x128xf32, #tpu.memory_space<vmem>>, vector<1x256x128xf32>
    %get3A_91 = vector.shape_cast %get3A_90 : vector<1x256x128xf32> to vector<256x128xf32>
    %dot_general3A_92 = arith.constant dense<0.000000e+00> : vector<400x128xf32>
    %dot_general3A_93 = tpu.matmul %tanh3A_86, %get3A_91, %dot_general3A_92 {dimension_numbers = #tpu.dot_dimension_numbers<[1], [0], [0], [1], [0, 0, 1, 1], [], []>, transpose_lhs_hint = false} : vector<400x256xf32>, vector<256x128xf32>, vector<400x128xf32> -> vector<400x128xf32>
    %reduce_sum3A_94 = arith.constant dense<0.000000e+00> : vector<128xf32>
    %reduce_sum3A_95 = vector.multi_reduction <add>, %dot_general3A_93, %reduce_sum3A_94 [0] : vector<400x128xf32> to vector<128xf32>
    %broadcast_in_dim3A_96 = vector.shape_cast %reduce_sum3A_95 : vector<128xf32> to vector<1x128xf32>
    %concatenate3A_97 = tpu.concatenate %broadcast_in_dim3A_50, %broadcast_in_dim3A_96 in 0 : vector<1x128xf32>, vector<1x128xf32> -> vector<2x128xf32>
    %broadcast_in_dim3A_98 = vector.shape_cast %concatenate3A_97 : vector<2x128xf32> to vector<1x2x128xf32>
    %slice3A_99 = vector.extract_strided_slice %get3A_3 {offsets = [2, 0, 0, 0], sizes = [1, 1, 400, 128], strides = [1, 1, 1, 1]} : vector<8x2x400x128xf32> to vector<1x1x400x128xf32>
    %squeeze3A_100 = vector.shape_cast %slice3A_99 : vector<1x1x400x128xf32> to vector<400x128xf32>
    %slice3A_101 = vector.extract_strided_slice %get3A_3 {offsets = [2, 1, 0, 0], sizes = [1, 1, 400, 128], strides = [1, 1, 1, 1]} : vector<8x2x400x128xf32> to vector<1x1x400x128xf32>
    %squeeze3A_102 = vector.shape_cast %slice3A_101 : vector<1x1x400x128xf32> to vector<400x128xf32>
    %add3A_103 = arith.addf %squeeze3A_100, %squeeze3A_102 : vector<400x128xf32>
    %slice3A_104 = vector.extract_strided_slice %get3A_8 {offsets = [2, 0, 0, 0], sizes = [1, 1, 400, 128], strides = [1, 1, 1, 1]} : vector<8x2x400x128xf32> to vector<1x1x400x128xf32>
    %squeeze3A_105 = vector.shape_cast %slice3A_104 : vector<1x1x400x128xf32> to vector<400x128xf32>
    %slice3A_106 = vector.extract_strided_slice %get3A_8 {offsets = [2, 1, 0, 0], sizes = [1, 1, 400, 128], strides = [1, 1, 1, 1]} : vector<8x2x400x128xf32> to vector<1x1x400x128xf32>
    %squeeze3A_107 = vector.shape_cast %slice3A_106 : vector<1x1x400x128xf32> to vector<400x128xf32>
    %add3A_108 = arith.addf %squeeze3A_105, %squeeze3A_107 : vector<400x128xf32>
    %concatenate3A_109 = tpu.concatenate %add3A_103, %add3A_108 in 1 : vector<400x128xf32>, vector<400x128xf32> -> vector<400x256xf32>
    %slice3A_110 = vector.extract_strided_slice %get3A_13 {offsets = [2, 0, 0, 0], sizes = [1, 1, 400, 1], strides = [1, 1, 1, 1]} : vector<8x2x400x128xf32> to vector<1x1x400x1xf32>
    %squeeze3A_111 = vector.shape_cast %slice3A_110 : vector<1x1x400x1xf32> to vector<400x1xf32>
    %slice3A_112 = vector.extract_strided_slice %get3A_13 {offsets = [2, 1, 0, 0], sizes = [1, 1, 400, 1], strides = [1, 1, 1, 1]} : vector<8x2x400x128xf32> to vector<1x1x400x1xf32>
    %squeeze3A_113 = vector.shape_cast %slice3A_112 : vector<1x1x400x1xf32> to vector<400x1xf32>
    %add3A_114 = arith.addf %squeeze3A_111, %squeeze3A_113 : vector<400x1xf32>
    %add3A_115 = arith.constant 9.99999971E-10 : f32
    %add3A_116 = vector.broadcast %add3A_115 : f32 to vector<400x1xf32>
    %add3A_117 = arith.addf %add3A_114, %add3A_116 : vector<400x1xf32>
    %div3A_118 = vector.broadcast %add3A_117 : vector<400x1xf32> to vector<400x256xf32>
    %div3A_119 = arith.divf %concatenate3A_109, %div3A_118 : vector<400x256xf32>
    %get3A_120 = arith.constant 1 : index
    %get3A_121 = arith.constant 0 : index
    %get3A_122 = arith.constant 0 : index
    %get3A_123 = vector.load %arg4[%get3A_120, %get3A_121, %get3A_122] : memref<4x256x256xf32, #tpu.memory_space<vmem>>, vector<1x256x256xf32>
    %get3A_124 = vector.shape_cast %get3A_123 : vector<1x256x256xf32> to vector<256x256xf32>
    %dot_general3A_125 = arith.constant dense<0.000000e+00> : vector<400x256xf32>
    %dot_general3A_126 = tpu.matmul %div3A_119, %get3A_124, %dot_general3A_125 {dimension_numbers = #tpu.dot_dimension_numbers<[1], [0], [0], [1], [0, 0, 1, 1], [], []>, transpose_lhs_hint = false} : vector<400x256xf32>, vector<256x256xf32>, vector<400x256xf32> -> vector<400x256xf32>
    %get3A_127 = arith.constant 1 : index
    %get3A_128 = arith.constant 0 : index
    %get3A_129 = vector.load %arg5[%get3A_127, %get3A_128] : memref<4x256xf32, #tpu.memory_space<vmem>>, vector<1x256xf32>
    %get3A_130 = vector.shape_cast %get3A_129 : vector<1x256xf32> to vector<256xf32>
    %broadcast_in_dim3A_131 = vector.shape_cast %get3A_130 : vector<256xf32> to vector<1x256xf32>
    %add3A_132 = vector.broadcast %broadcast_in_dim3A_131 : vector<1x256xf32> to vector<400x256xf32>
    %add3A_133 = arith.addf %dot_general3A_126, %add3A_132 : vector<400x256xf32>
    %tanh3A_134 = math.tanh %add3A_133 : vector<400x256xf32>
    %get3A_135 = arith.constant 1 : index
    %get3A_136 = arith.constant 0 : index
    %get3A_137 = arith.constant 0 : index
    %get3A_138 = vector.load %arg6[%get3A_135, %get3A_136, %get3A_137] : memref<4x256x128xf32, #tpu.memory_space<vmem>>, vector<1x256x128xf32>
    %get3A_139 = vector.shape_cast %get3A_138 : vector<1x256x128xf32> to vector<256x128xf32>
    %dot_general3A_140 = arith.constant dense<0.000000e+00> : vector<400x128xf32>
    %dot_general3A_141 = tpu.matmul %tanh3A_134, %get3A_139, %dot_general3A_140 {dimension_numbers = #tpu.dot_dimension_numbers<[1], [0], [0], [1], [0, 0, 1, 1], [], []>, transpose_lhs_hint = false} : vector<400x256xf32>, vector<256x128xf32>, vector<400x128xf32> -> vector<400x128xf32>
    %reduce_sum3A_142 = arith.constant dense<0.000000e+00> : vector<128xf32>
    %reduce_sum3A_143 = vector.multi_reduction <add>, %dot_general3A_141, %reduce_sum3A_142 [0] : vector<400x128xf32> to vector<128xf32>
    %broadcast_in_dim3A_144 = vector.shape_cast %reduce_sum3A_143 : vector<128xf32> to vector<1x128xf32>
    %slice3A_145 = vector.extract_strided_slice %get3A_3 {offsets = [3, 0, 0, 0], sizes = [1, 1, 400, 128], strides = [1, 1, 1, 1]} : vector<8x2x400x128xf32> to vector<1x1x400x128xf32>
    %squeeze3A_146 = vector.shape_cast %slice3A_145 : vector<1x1x400x128xf32> to vector<400x128xf32>
    %slice3A_147 = vector.extract_strided_slice %get3A_3 {offsets = [3, 1, 0, 0], sizes = [1, 1, 400, 128], strides = [1, 1, 1, 1]} : vector<8x2x400x128xf32> to vector<1x1x400x128xf32>
    %squeeze3A_148 = vector.shape_cast %slice3A_147 : vector<1x1x400x128xf32> to vector<400x128xf32>
    %add3A_149 = arith.addf %squeeze3A_146, %squeeze3A_148 : vector<400x128xf32>
    %slice3A_150 = vector.extract_strided_slice %get3A_8 {offsets = [3, 0, 0, 0], sizes = [1, 1, 400, 128], strides = [1, 1, 1, 1]} : vector<8x2x400x128xf32> to vector<1x1x400x128xf32>
    %squeeze3A_151 = vector.shape_cast %slice3A_150 : vector<1x1x400x128xf32> to vector<400x128xf32>
    %slice3A_152 = vector.extract_strided_slice %get3A_8 {offsets = [3, 1, 0, 0], sizes = [1, 1, 400, 128], strides = [1, 1, 1, 1]} : vector<8x2x400x128xf32> to vector<1x1x400x128xf32>
    %squeeze3A_153 = vector.shape_cast %slice3A_152 : vector<1x1x400x128xf32> to vector<400x128xf32>
    %add3A_154 = arith.addf %squeeze3A_151, %squeeze3A_153 : vector<400x128xf32>
    %concatenate3A_155 = tpu.concatenate %add3A_149, %add3A_154 in 1 : vector<400x128xf32>, vector<400x128xf32> -> vector<400x256xf32>
    %slice3A_156 = vector.extract_strided_slice %get3A_13 {offsets = [3, 0, 0, 0], sizes = [1, 1, 400, 1], strides = [1, 1, 1, 1]} : vector<8x2x400x128xf32> to vector<1x1x400x1xf32>
    %squeeze3A_157 = vector.shape_cast %slice3A_156 : vector<1x1x400x1xf32> to vector<400x1xf32>
    %slice3A_158 = vector.extract_strided_slice %get3A_13 {offsets = [3, 1, 0, 0], sizes = [1, 1, 400, 1], strides = [1, 1, 1, 1]} : vector<8x2x400x128xf32> to vector<1x1x400x1xf32>
    %squeeze3A_159 = vector.shape_cast %slice3A_158 : vector<1x1x400x1xf32> to vector<400x1xf32>
    %add3A_160 = arith.addf %squeeze3A_157, %squeeze3A_159 : vector<400x1xf32>
    %add3A_161 = arith.constant 9.99999971E-10 : f32
    %add3A_162 = vector.broadcast %add3A_161 : f32 to vector<400x1xf32>
    %add3A_163 = arith.addf %add3A_160, %add3A_162 : vector<400x1xf32>
    %div3A_164 = vector.broadcast %add3A_163 : vector<400x1xf32> to vector<400x256xf32>
    %div3A_165 = arith.divf %concatenate3A_155, %div3A_164 : vector<400x256xf32>
    %get3A_166 = arith.constant 1 : index
    %get3A_167 = arith.constant 0 : index
    %get3A_168 = arith.constant 0 : index
    %get3A_169 = vector.load %arg4[%get3A_166, %get3A_167, %get3A_168] : memref<4x256x256xf32, #tpu.memory_space<vmem>>, vector<1x256x256xf32>
    %get3A_170 = vector.shape_cast %get3A_169 : vector<1x256x256xf32> to vector<256x256xf32>
    %dot_general3A_171 = arith.constant dense<0.000000e+00> : vector<400x256xf32>
    %dot_general3A_172 = tpu.matmul %div3A_165, %get3A_170, %dot_general3A_171 {dimension_numbers = #tpu.dot_dimension_numbers<[1], [0], [0], [1], [0, 0, 1, 1], [], []>, transpose_lhs_hint = false} : vector<400x256xf32>, vector<256x256xf32>, vector<400x256xf32> -> vector<400x256xf32>
    %get3A_173 = arith.constant 1 : index
    %get3A_174 = arith.constant 0 : index
    %get3A_175 = vector.load %arg5[%get3A_173, %get3A_174] : memref<4x256xf32, #tpu.memory_space<vmem>>, vector<1x256xf32>
    %get3A_176 = vector.shape_cast %get3A_175 : vector<1x256xf32> to vector<256xf32>
    %broadcast_in_dim3A_177 = vector.shape_cast %get3A_176 : vector<256xf32> to vector<1x256xf32>
    %add3A_178 = vector.broadcast %broadcast_in_dim3A_177 : vector<1x256xf32> to vector<400x256xf32>
    %add3A_179 = arith.addf %dot_general3A_172, %add3A_178 : vector<400x256xf32>
    %tanh3A_180 = math.tanh %add3A_179 : vector<400x256xf32>
    %get3A_181 = arith.constant 1 : index
    %get3A_182 = arith.constant 0 : index
    %get3A_183 = arith.constant 0 : index
    %get3A_184 = vector.load %arg6[%get3A_181, %get3A_182, %get3A_183] : memref<4x256x128xf32, #tpu.memory_space<vmem>>, vector<1x256x128xf32>
    %get3A_185 = vector.shape_cast %get3A_184 : vector<1x256x128xf32> to vector<256x128xf32>
    %dot_general3A_186 = arith.constant dense<0.000000e+00> : vector<400x128xf32>
    %dot_general3A_187 = tpu.matmul %tanh3A_180, %get3A_185, %dot_general3A_186 {dimension_numbers = #tpu.dot_dimension_numbers<[1], [0], [0], [1], [0, 0, 1, 1], [], []>, transpose_lhs_hint = false} : vector<400x256xf32>, vector<256x128xf32>, vector<400x128xf32> -> vector<400x128xf32>
    %reduce_sum3A_188 = arith.constant dense<0.000000e+00> : vector<128xf32>
    %reduce_sum3A_189 = vector.multi_reduction <add>, %dot_general3A_187, %reduce_sum3A_188 [0] : vector<400x128xf32> to vector<128xf32>
    %broadcast_in_dim3A_190 = vector.shape_cast %reduce_sum3A_189 : vector<128xf32> to vector<1x128xf32>
    %concatenate3A_191 = tpu.concatenate %broadcast_in_dim3A_144, %broadcast_in_dim3A_190 in 0 : vector<1x128xf32>, vector<1x128xf32> -> vector<2x128xf32>
    %broadcast_in_dim3A_192 = vector.shape_cast %concatenate3A_191 : vector<2x128xf32> to vector<1x2x128xf32>
    %slice3A_193 = vector.extract_strided_slice %get3A_3 {offsets = [4, 0, 0, 0], sizes = [1, 1, 400, 128], strides = [1, 1, 1, 1]} : vector<8x2x400x128xf32> to vector<1x1x400x128xf32>
    %squeeze3A_194 = vector.shape_cast %slice3A_193 : vector<1x1x400x128xf32> to vector<400x128xf32>
    %slice3A_195 = vector.extract_strided_slice %get3A_3 {offsets = [4, 1, 0, 0], sizes = [1, 1, 400, 128], strides = [1, 1, 1, 1]} : vector<8x2x400x128xf32> to vector<1x1x400x128xf32>
    %squeeze3A_196 = vector.shape_cast %slice3A_195 : vector<1x1x400x128xf32> to vector<400x128xf32>
    %add3A_197 = arith.addf %squeeze3A_194, %squeeze3A_196 : vector<400x128xf32>
    %slice3A_198 = vector.extract_strided_slice %get3A_8 {offsets = [4, 0, 0, 0], sizes = [1, 1, 400, 128], strides = [1, 1, 1, 1]} : vector<8x2x400x128xf32> to vector<1x1x400x128xf32>
    %squeeze3A_199 = vector.shape_cast %slice3A_198 : vector<1x1x400x128xf32> to vector<400x128xf32>
    %slice3A_200 = vector.extract_strided_slice %get3A_8 {offsets = [4, 1, 0, 0], sizes = [1, 1, 400, 128], strides = [1, 1, 1, 1]} : vector<8x2x400x128xf32> to vector<1x1x400x128xf32>
    %squeeze3A_201 = vector.shape_cast %slice3A_200 : vector<1x1x400x128xf32> to vector<400x128xf32>
    %add3A_202 = arith.addf %squeeze3A_199, %squeeze3A_201 : vector<400x128xf32>
    %concatenate3A_203 = tpu.concatenate %add3A_197, %add3A_202 in 1 : vector<400x128xf32>, vector<400x128xf32> -> vector<400x256xf32>
    %slice3A_204 = vector.extract_strided_slice %get3A_13 {offsets = [4, 0, 0, 0], sizes = [1, 1, 400, 1], strides = [1, 1, 1, 1]} : vector<8x2x400x128xf32> to vector<1x1x400x1xf32>
    %squeeze3A_205 = vector.shape_cast %slice3A_204 : vector<1x1x400x1xf32> to vector<400x1xf32>
    %slice3A_206 = vector.extract_strided_slice %get3A_13 {offsets = [4, 1, 0, 0], sizes = [1, 1, 400, 1], strides = [1, 1, 1, 1]} : vector<8x2x400x128xf32> to vector<1x1x400x1xf32>
    %squeeze3A_207 = vector.shape_cast %slice3A_206 : vector<1x1x400x1xf32> to vector<400x1xf32>
    %add3A_208 = arith.addf %squeeze3A_205, %squeeze3A_207 : vector<400x1xf32>
    %add3A_209 = arith.constant 9.99999971E-10 : f32
    %add3A_210 = vector.broadcast %add3A_209 : f32 to vector<400x1xf32>
    %add3A_211 = arith.addf %add3A_208, %add3A_210 : vector<400x1xf32>
    %div3A_212 = vector.broadcast %add3A_211 : vector<400x1xf32> to vector<400x256xf32>
    %div3A_213 = arith.divf %concatenate3A_203, %div3A_212 : vector<400x256xf32>
    %get3A_214 = arith.constant 2 : index
    %get3A_215 = arith.constant 0 : index
    %get3A_216 = arith.constant 0 : index
    %get3A_217 = vector.load %arg4[%get3A_214, %get3A_215, %get3A_216] : memref<4x256x256xf32, #tpu.memory_space<vmem>>, vector<1x256x256xf32>
    %get3A_218 = vector.shape_cast %get3A_217 : vector<1x256x256xf32> to vector<256x256xf32>
    %dot_general3A_219 = arith.constant dense<0.000000e+00> : vector<400x256xf32>
    %dot_general3A_220 = tpu.matmul %div3A_213, %get3A_218, %dot_general3A_219 {dimension_numbers = #tpu.dot_dimension_numbers<[1], [0], [0], [1], [0, 0, 1, 1], [], []>, transpose_lhs_hint = false} : vector<400x256xf32>, vector<256x256xf32>, vector<400x256xf32> -> vector<400x256xf32>
    %get3A_221 = arith.constant 2 : index
    %get3A_222 = arith.constant 0 : index
    %get3A_223 = vector.load %arg5[%get3A_221, %get3A_222] : memref<4x256xf32, #tpu.memory_space<vmem>>, vector<1x256xf32>
    %get3A_224 = vector.shape_cast %get3A_223 : vector<1x256xf32> to vector<256xf32>
    %broadcast_in_dim3A_225 = vector.shape_cast %get3A_224 : vector<256xf32> to vector<1x256xf32>
    %add3A_226 = vector.broadcast %broadcast_in_dim3A_225 : vector<1x256xf32> to vector<400x256xf32>
    %add3A_227 = arith.addf %dot_general3A_220, %add3A_226 : vector<400x256xf32>
    %tanh3A_228 = math.tanh %add3A_227 : vector<400x256xf32>
    %get3A_229 = arith.constant 2 : index
    %get3A_230 = arith.constant 0 : index
    %get3A_231 = arith.constant 0 : index
    %get3A_232 = vector.load %arg6[%get3A_229, %get3A_230, %get3A_231] : memref<4x256x128xf32, #tpu.memory_space<vmem>>, vector<1x256x128xf32>
    %get3A_233 = vector.shape_cast %get3A_232 : vector<1x256x128xf32> to vector<256x128xf32>
    %dot_general3A_234 = arith.constant dense<0.000000e+00> : vector<400x128xf32>
    %dot_general3A_235 = tpu.matmul %tanh3A_228, %get3A_233, %dot_general3A_234 {dimension_numbers = #tpu.dot_dimension_numbers<[1], [0], [0], [1], [0, 0, 1, 1], [], []>, transpose_lhs_hint = false} : vector<400x256xf32>, vector<256x128xf32>, vector<400x128xf32> -> vector<400x128xf32>
    %reduce_sum3A_236 = arith.constant dense<0.000000e+00> : vector<128xf32>
    %reduce_sum3A_237 = vector.multi_reduction <add>, %dot_general3A_235, %reduce_sum3A_236 [0] : vector<400x128xf32> to vector<128xf32>
    %broadcast_in_dim3A_238 = vector.shape_cast %reduce_sum3A_237 : vector<128xf32> to vector<1x128xf32>
    %slice3A_239 = vector.extract_strided_slice %get3A_3 {offsets = [5, 0, 0, 0], sizes = [1, 1, 400, 128], strides = [1, 1, 1, 1]} : vector<8x2x400x128xf32> to vector<1x1x400x128xf32>
    %squeeze3A_240 = vector.shape_cast %slice3A_239 : vector<1x1x400x128xf32> to vector<400x128xf32>
    %slice3A_241 = vector.extract_strided_slice %get3A_3 {offsets = [5, 1, 0, 0], sizes = [1, 1, 400, 128], strides = [1, 1, 1, 1]} : vector<8x2x400x128xf32> to vector<1x1x400x128xf32>
    %squeeze3A_242 = vector.shape_cast %slice3A_241 : vector<1x1x400x128xf32> to vector<400x128xf32>
    %add3A_243 = arith.addf %squeeze3A_240, %squeeze3A_242 : vector<400x128xf32>
    %slice3A_244 = vector.extract_strided_slice %get3A_8 {offsets = [5, 0, 0, 0], sizes = [1, 1, 400, 128], strides = [1, 1, 1, 1]} : vector<8x2x400x128xf32> to vector<1x1x400x128xf32>
    %squeeze3A_245 = vector.shape_cast %slice3A_244 : vector<1x1x400x128xf32> to vector<400x128xf32>
    %slice3A_246 = vector.extract_strided_slice %get3A_8 {offsets = [5, 1, 0, 0], sizes = [1, 1, 400, 128], strides = [1, 1, 1, 1]} : vector<8x2x400x128xf32> to vector<1x1x400x128xf32>
    %squeeze3A_247 = vector.shape_cast %slice3A_246 : vector<1x1x400x128xf32> to vector<400x128xf32>
    %add3A_248 = arith.addf %squeeze3A_245, %squeeze3A_247 : vector<400x128xf32>
    %concatenate3A_249 = tpu.concatenate %add3A_243, %add3A_248 in 1 : vector<400x128xf32>, vector<400x128xf32> -> vector<400x256xf32>
    %slice3A_250 = vector.extract_strided_slice %get3A_13 {offsets = [5, 0, 0, 0], sizes = [1, 1, 400, 1], strides = [1, 1, 1, 1]} : vector<8x2x400x128xf32> to vector<1x1x400x1xf32>
    %squeeze3A_251 = vector.shape_cast %slice3A_250 : vector<1x1x400x1xf32> to vector<400x1xf32>
    %slice3A_252 = vector.extract_strided_slice %get3A_13 {offsets = [5, 1, 0, 0], sizes = [1, 1, 400, 1], strides = [1, 1, 1, 1]} : vector<8x2x400x128xf32> to vector<1x1x400x1xf32>
    %squeeze3A_253 = vector.shape_cast %slice3A_252 : vector<1x1x400x1xf32> to vector<400x1xf32>
    %add3A_254 = arith.addf %squeeze3A_251, %squeeze3A_253 : vector<400x1xf32>
    %add3A_255 = arith.constant 9.99999971E-10 : f32
    %add3A_256 = vector.broadcast %add3A_255 : f32 to vector<400x1xf32>
    %add3A_257 = arith.addf %add3A_254, %add3A_256 : vector<400x1xf32>
    %div3A_258 = vector.broadcast %add3A_257 : vector<400x1xf32> to vector<400x256xf32>
    %div3A_259 = arith.divf %concatenate3A_249, %div3A_258 : vector<400x256xf32>
    %get3A_260 = arith.constant 2 : index
    %get3A_261 = arith.constant 0 : index
    %get3A_262 = arith.constant 0 : index
    %get3A_263 = vector.load %arg4[%get3A_260, %get3A_261, %get3A_262] : memref<4x256x256xf32, #tpu.memory_space<vmem>>, vector<1x256x256xf32>
    %get3A_264 = vector.shape_cast %get3A_263 : vector<1x256x256xf32> to vector<256x256xf32>
    %dot_general3A_265 = arith.constant dense<0.000000e+00> : vector<400x256xf32>
    %dot_general3A_266 = tpu.matmul %div3A_259, %get3A_264, %dot_general3A_265 {dimension_numbers = #tpu.dot_dimension_numbers<[1], [0], [0], [1], [0, 0, 1, 1], [], []>, transpose_lhs_hint = false} : vector<400x256xf32>, vector<256x256xf32>, vector<400x256xf32> -> vector<400x256xf32>
    %get3A_267 = arith.constant 2 : index
    %get3A_268 = arith.constant 0 : index
    %get3A_269 = vector.load %arg5[%get3A_267, %get3A_268] : memref<4x256xf32, #tpu.memory_space<vmem>>, vector<1x256xf32>
    %get3A_270 = vector.shape_cast %get3A_269 : vector<1x256xf32> to vector<256xf32>
    %broadcast_in_dim3A_271 = vector.shape_cast %get3A_270 : vector<256xf32> to vector<1x256xf32>
    %add3A_272 = vector.broadcast %broadcast_in_dim3A_271 : vector<1x256xf32> to vector<400x256xf32>
    %add3A_273 = arith.addf %dot_general3A_266, %add3A_272 : vector<400x256xf32>
    %tanh3A_274 = math.tanh %add3A_273 : vector<400x256xf32>
    %get3A_275 = arith.constant 2 : index
    %get3A_276 = arith.constant 0 : index
    %get3A_277 = arith.constant 0 : index
    %get3A_278 = vector.load %arg6[%get3A_275, %get3A_276, %get3A_277] : memref<4x256x128xf32, #tpu.memory_space<vmem>>, vector<1x256x128xf32>
    %get3A_279 = vector.shape_cast %get3A_278 : vector<1x256x128xf32> to vector<256x128xf32>
    %dot_general3A_280 = arith.constant dense<0.000000e+00> : vector<400x128xf32>
    %dot_general3A_281 = tpu.matmul %tanh3A_274, %get3A_279, %dot_general3A_280 {dimension_numbers = #tpu.dot_dimension_numbers<[1], [0], [0], [1], [0, 0, 1, 1], [], []>, transpose_lhs_hint = false} : vector<400x256xf32>, vector<256x128xf32>, vector<400x128xf32> -> vector<400x128xf32>
    %reduce_sum3A_282 = arith.constant dense<0.000000e+00> : vector<128xf32>
    %reduce_sum3A_283 = vector.multi_reduction <add>, %dot_general3A_281, %reduce_sum3A_282 [0] : vector<400x128xf32> to vector<128xf32>
    %broadcast_in_dim3A_284 = vector.shape_cast %reduce_sum3A_283 : vector<128xf32> to vector<1x128xf32>
    %concatenate3A_285 = tpu.concatenate %broadcast_in_dim3A_238, %broadcast_in_dim3A_284 in 0 : vector<1x128xf32>, vector<1x128xf32> -> vector<2x128xf32>
    %broadcast_in_dim3A_286 = vector.shape_cast %concatenate3A_285 : vector<2x128xf32> to vector<1x2x128xf32>
    %slice3A_287 = vector.extract_strided_slice %get3A_3 {offsets = [6, 0, 0, 0], sizes = [1, 1, 400, 128], strides = [1, 1, 1, 1]} : vector<8x2x400x128xf32> to vector<1x1x400x128xf32>
    %squeeze3A_288 = vector.shape_cast %slice3A_287 : vector<1x1x400x128xf32> to vector<400x128xf32>
    %slice3A_289 = vector.extract_strided_slice %get3A_3 {offsets = [6, 1, 0, 0], sizes = [1, 1, 400, 128], strides = [1, 1, 1, 1]} : vector<8x2x400x128xf32> to vector<1x1x400x128xf32>
    %squeeze3A_290 = vector.shape_cast %slice3A_289 : vector<1x1x400x128xf32> to vector<400x128xf32>
    %add3A_291 = arith.addf %squeeze3A_288, %squeeze3A_290 : vector<400x128xf32>
    %slice3A_292 = vector.extract_strided_slice %get3A_8 {offsets = [6, 0, 0, 0], sizes = [1, 1, 400, 128], strides = [1, 1, 1, 1]} : vector<8x2x400x128xf32> to vector<1x1x400x128xf32>
    %squeeze3A_293 = vector.shape_cast %slice3A_292 : vector<1x1x400x128xf32> to vector<400x128xf32>
    %slice3A_294 = vector.extract_strided_slice %get3A_8 {offsets = [6, 1, 0, 0], sizes = [1, 1, 400, 128], strides = [1, 1, 1, 1]} : vector<8x2x400x128xf32> to vector<1x1x400x128xf32>
    %squeeze3A_295 = vector.shape_cast %slice3A_294 : vector<1x1x400x128xf32> to vector<400x128xf32>
    %add3A_296 = arith.addf %squeeze3A_293, %squeeze3A_295 : vector<400x128xf32>
    %concatenate3A_297 = tpu.concatenate %add3A_291, %add3A_296 in 1 : vector<400x128xf32>, vector<400x128xf32> -> vector<400x256xf32>
    %slice3A_298 = vector.extract_strided_slice %get3A_13 {offsets = [6, 0, 0, 0], sizes = [1, 1, 400, 1], strides = [1, 1, 1, 1]} : vector<8x2x400x128xf32> to vector<1x1x400x1xf32>
    %squeeze3A_299 = vector.shape_cast %slice3A_298 : vector<1x1x400x1xf32> to vector<400x1xf32>
    %slice3A_300 = vector.extract_strided_slice %get3A_13 {offsets = [6, 1, 0, 0], sizes = [1, 1, 400, 1], strides = [1, 1, 1, 1]} : vector<8x2x400x128xf32> to vector<1x1x400x1xf32>
    %squeeze3A_301 = vector.shape_cast %slice3A_300 : vector<1x1x400x1xf32> to vector<400x1xf32>
    %add3A_302 = arith.addf %squeeze3A_299, %squeeze3A_301 : vector<400x1xf32>
    %add3A_303 = arith.constant 9.99999971E-10 : f32
    %add3A_304 = vector.broadcast %add3A_303 : f32 to vector<400x1xf32>
    %add3A_305 = arith.addf %add3A_302, %add3A_304 : vector<400x1xf32>
    %div3A_306 = vector.broadcast %add3A_305 : vector<400x1xf32> to vector<400x256xf32>
    %div3A_307 = arith.divf %concatenate3A_297, %div3A_306 : vector<400x256xf32>
    %get3A_308 = arith.constant 3 : index
    %get3A_309 = arith.constant 0 : index
    %get3A_310 = arith.constant 0 : index
    %get3A_311 = vector.load %arg4[%get3A_308, %get3A_309, %get3A_310] : memref<4x256x256xf32, #tpu.memory_space<vmem>>, vector<1x256x256xf32>
    %get3A_312 = vector.shape_cast %get3A_311 : vector<1x256x256xf32> to vector<256x256xf32>
    %dot_general3A_313 = arith.constant dense<0.000000e+00> : vector<400x256xf32>
    %dot_general3A_314 = tpu.matmul %div3A_307, %get3A_312, %dot_general3A_313 {dimension_numbers = #tpu.dot_dimension_numbers<[1], [0], [0], [1], [0, 0, 1, 1], [], []>, transpose_lhs_hint = false} : vector<400x256xf32>, vector<256x256xf32>, vector<400x256xf32> -> vector<400x256xf32>
    %get3A_315 = arith.constant 3 : index
    %get3A_316 = arith.constant 0 : index
    %get3A_317 = vector.load %arg5[%get3A_315, %get3A_316] : memref<4x256xf32, #tpu.memory_space<vmem>>, vector<1x256xf32>
    %get3A_318 = vector.shape_cast %get3A_317 : vector<1x256xf32> to vector<256xf32>
    %broadcast_in_dim3A_319 = vector.shape_cast %get3A_318 : vector<256xf32> to vector<1x256xf32>
    %add3A_320 = vector.broadcast %broadcast_in_dim3A_319 : vector<1x256xf32> to vector<400x256xf32>
    %add3A_321 = arith.addf %dot_general3A_314, %add3A_320 : vector<400x256xf32>
    %tanh3A_322 = math.tanh %add3A_321 : vector<400x256xf32>
    %get3A_323 = arith.constant 3 : index
    %get3A_324 = arith.constant 0 : index
    %get3A_325 = arith.constant 0 : index
    %get3A_326 = vector.load %arg6[%get3A_323, %get3A_324, %get3A_325] : memref<4x256x128xf32, #tpu.memory_space<vmem>>, vector<1x256x128xf32>
    %get3A_327 = vector.shape_cast %get3A_326 : vector<1x256x128xf32> to vector<256x128xf32>
    %dot_general3A_328 = arith.constant dense<0.000000e+00> : vector<400x128xf32>
    %dot_general3A_329 = tpu.matmul %tanh3A_322, %get3A_327, %dot_general3A_328 {dimension_numbers = #tpu.dot_dimension_numbers<[1], [0], [0], [1], [0, 0, 1, 1], [], []>, transpose_lhs_hint = false} : vector<400x256xf32>, vector<256x128xf32>, vector<400x128xf32> -> vector<400x128xf32>
    %reduce_sum3A_330 = arith.constant dense<0.000000e+00> : vector<128xf32>
    %reduce_sum3A_331 = vector.multi_reduction <add>, %dot_general3A_329, %reduce_sum3A_330 [0] : vector<400x128xf32> to vector<128xf32>
    %broadcast_in_dim3A_332 = vector.shape_cast %reduce_sum3A_331 : vector<128xf32> to vector<1x128xf32>
    %slice3A_333 = vector.extract_strided_slice %get3A_3 {offsets = [7, 0, 0, 0], sizes = [1, 1, 400, 128], strides = [1, 1, 1, 1]} : vector<8x2x400x128xf32> to vector<1x1x400x128xf32>
    %squeeze3A_334 = vector.shape_cast %slice3A_333 : vector<1x1x400x128xf32> to vector<400x128xf32>
    %slice3A_335 = vector.extract_strided_slice %get3A_3 {offsets = [7, 1, 0, 0], sizes = [1, 1, 400, 128], strides = [1, 1, 1, 1]} : vector<8x2x400x128xf32> to vector<1x1x400x128xf32>
    %squeeze3A_336 = vector.shape_cast %slice3A_335 : vector<1x1x400x128xf32> to vector<400x128xf32>
    %add3A_337 = arith.addf %squeeze3A_334, %squeeze3A_336 : vector<400x128xf32>
    %slice3A_338 = vector.extract_strided_slice %get3A_8 {offsets = [7, 0, 0, 0], sizes = [1, 1, 400, 128], strides = [1, 1, 1, 1]} : vector<8x2x400x128xf32> to vector<1x1x400x128xf32>
    %squeeze3A_339 = vector.shape_cast %slice3A_338 : vector<1x1x400x128xf32> to vector<400x128xf32>
    %slice3A_340 = vector.extract_strided_slice %get3A_8 {offsets = [7, 1, 0, 0], sizes = [1, 1, 400, 128], strides = [1, 1, 1, 1]} : vector<8x2x400x128xf32> to vector<1x1x400x128xf32>
    %squeeze3A_341 = vector.shape_cast %slice3A_340 : vector<1x1x400x128xf32> to vector<400x128xf32>
    %add3A_342 = arith.addf %squeeze3A_339, %squeeze3A_341 : vector<400x128xf32>
    %concatenate3A_343 = tpu.concatenate %add3A_337, %add3A_342 in 1 : vector<400x128xf32>, vector<400x128xf32> -> vector<400x256xf32>
    %slice3A_344 = vector.extract_strided_slice %get3A_13 {offsets = [7, 0, 0, 0], sizes = [1, 1, 400, 1], strides = [1, 1, 1, 1]} : vector<8x2x400x128xf32> to vector<1x1x400x1xf32>
    %squeeze3A_345 = vector.shape_cast %slice3A_344 : vector<1x1x400x1xf32> to vector<400x1xf32>
    %slice3A_346 = vector.extract_strided_slice %get3A_13 {offsets = [7, 1, 0, 0], sizes = [1, 1, 400, 1], strides = [1, 1, 1, 1]} : vector<8x2x400x128xf32> to vector<1x1x400x1xf32>
    %squeeze3A_347 = vector.shape_cast %slice3A_346 : vector<1x1x400x1xf32> to vector<400x1xf32>
    %add3A_348 = arith.addf %squeeze3A_345, %squeeze3A_347 : vector<400x1xf32>
    %add3A_349 = arith.constant 9.99999971E-10 : f32
    %add3A_350 = vector.broadcast %add3A_349 : f32 to vector<400x1xf32>
    %add3A_351 = arith.addf %add3A_348, %add3A_350 : vector<400x1xf32>
    %div3A_352 = vector.broadcast %add3A_351 : vector<400x1xf32> to vector<400x256xf32>
    %div3A_353 = arith.divf %concatenate3A_343, %div3A_352 : vector<400x256xf32>
    %get3A_354 = arith.constant 3 : index
    %get3A_355 = arith.constant 0 : index
    %get3A_356 = arith.constant 0 : index
    %get3A_357 = vector.load %arg4[%get3A_354, %get3A_355, %get3A_356] : memref<4x256x256xf32, #tpu.memory_space<vmem>>, vector<1x256x256xf32>
    %get3A_358 = vector.shape_cast %get3A_357 : vector<1x256x256xf32> to vector<256x256xf32>
    %dot_general3A_359 = arith.constant dense<0.000000e+00> : vector<400x256xf32>
    %dot_general3A_360 = tpu.matmul %div3A_353, %get3A_358, %dot_general3A_359 {dimension_numbers = #tpu.dot_dimension_numbers<[1], [0], [0], [1], [0, 0, 1, 1], [], []>, transpose_lhs_hint = false} : vector<400x256xf32>, vector<256x256xf32>, vector<400x256xf32> -> vector<400x256xf32>
    %get3A_361 = arith.constant 3 : index
    %get3A_362 = arith.constant 0 : index
    %get3A_363 = vector.load %arg5[%get3A_361, %get3A_362] : memref<4x256xf32, #tpu.memory_space<vmem>>, vector<1x256xf32>
    %get3A_364 = vector.shape_cast %get3A_363 : vector<1x256xf32> to vector<256xf32>
    %broadcast_in_dim3A_365 = vector.shape_cast %get3A_364 : vector<256xf32> to vector<1x256xf32>
    %add3A_366 = vector.broadcast %broadcast_in_dim3A_365 : vector<1x256xf32> to vector<400x256xf32>
    %add3A_367 = arith.addf %dot_general3A_360, %add3A_366 : vector<400x256xf32>
    %tanh3A_368 = math.tanh %add3A_367 : vector<400x256xf32>
    %get3A_369 = arith.constant 3 : index
    %get3A_370 = arith.constant 0 : index
    %get3A_371 = arith.constant 0 : index
    %get3A_372 = vector.load %arg6[%get3A_369, %get3A_370, %get3A_371] : memref<4x256x128xf32, #tpu.memory_space<vmem>>, vector<1x256x128xf32>
    %get3A_373 = vector.shape_cast %get3A_372 : vector<1x256x128xf32> to vector<256x128xf32>
    %dot_general3A_374 = arith.constant dense<0.000000e+00> : vector<400x128xf32>
    %dot_general3A_375 = tpu.matmul %tanh3A_368, %get3A_373, %dot_general3A_374 {dimension_numbers = #tpu.dot_dimension_numbers<[1], [0], [0], [1], [0, 0, 1, 1], [], []>, transpose_lhs_hint = false} : vector<400x256xf32>, vector<256x128xf32>, vector<400x128xf32> -> vector<400x128xf32>
    %reduce_sum3A_376 = arith.constant dense<0.000000e+00> : vector<128xf32>
    %reduce_sum3A_377 = vector.multi_reduction <add>, %dot_general3A_375, %reduce_sum3A_376 [0] : vector<400x128xf32> to vector<128xf32>
    %broadcast_in_dim3A_378 = vector.shape_cast %reduce_sum3A_377 : vector<128xf32> to vector<1x128xf32>
    %concatenate3A_379 = tpu.concatenate %broadcast_in_dim3A_332, %broadcast_in_dim3A_378 in 0 : vector<1x128xf32>, vector<1x128xf32> -> vector<2x128xf32>
    %broadcast_in_dim3A_380 = vector.shape_cast %concatenate3A_379 : vector<2x128xf32> to vector<1x2x128xf32>
    %concatenate3A_381 = tpu.concatenate %broadcast_in_dim3A_98, %broadcast_in_dim3A_192, %broadcast_in_dim3A_286, %broadcast_in_dim3A_380 in 0 : vector<1x2x128xf32>, vector<1x2x128xf32>, vector<1x2x128xf32>, vector<1x2x128xf32> -> vector<4x2x128xf32>
    %swap3A = arith.constant 0 : index
    %swap3A_382 = arith.constant 0 : index
    %swap3A_383 = arith.constant 0 : index
    %swap3A_384 = arith.constant 0 : index
    %swap3A_385 = vector.load %arg7[%swap3A, %swap3A_382, %swap3A_383, %swap3A_384] : memref<1x4x2x128xf32, #tpu.memory_space<vmem>>, vector<1x4x2x128xf32>
    %swap3A_386 = vector.shape_cast %swap3A_385 : vector<1x4x2x128xf32> to vector<4x2x128xf32>
    %swap3A_387 = vector.shape_cast %concatenate3A_381 : vector<4x2x128xf32> to vector<1x4x2x128xf32>
    tpu.vector_store %arg7[%swap3A, %swap3A_382, %swap3A_383, %swap3A_384], %swap3A_387 {strides = array<i32>} : memref<1x4x2x128xf32, #tpu.memory_space<vmem>>, vector<1x4x2x128xf32>,
    return
  }
  func.func @transform_0(%arg0: i32) -> (i32, i32, i32, i32) {
    %c0_i32 = arith.constant 0 : i32
    %c0_i32_0 = arith.constant 0 : i32
    %c0_i32_1 = arith.constant 0 : i32
    %c0_i32_2 = arith.constant 0 : i32
    return %c0_i32, %c0_i32_0, %arg0, %c0_i32_1 : i32, i32, i32, i32
  }
  func.func @transform_1(%arg0: i32) -> (i32, i32, i32, i32) {
    %c0_i32 = arith.constant 0 : i32
    %c0_i32_0 = arith.constant 0 : i32
    %c0_i32_1 = arith.constant 0 : i32
    %c0_i32_2 = arith.constant 0 : i32
    return %c0_i32, %c0_i32_0, %arg0, %c0_i32_1 : i32, i32, i32, i32
  }
  func.func @transform_2(%arg0: i32) -> (i32, i32, i32, i32) {
    %c0_i32 = arith.constant 0 : i32
    %c0_i32_0 = arith.constant 0 : i32
    %c0_i32_1 = arith.constant 0 : i32
    %c0_i32_2 = arith.constant 0 : i32
    return %c0_i32, %c0_i32_0, %arg0, %c0_i32_1 : i32, i32, i32, i32
  }
  func.func @transform_3(%arg0: i32) -> (i32, i32, i32) {
    %c0_i32 = arith.constant 0 : i32
    %c0_i32_0 = arith.constant 0 : i32
    %c0_i32_1 = arith.constant 0 : i32
    %c0_i32_2 = arith.constant 0 : i32
    return %c0_i32, %c0_i32_0, %c0_i32_1 : i32, i32, i32
  }
  func.func @transform_4(%arg0: i32) -> (i32, i32) {
    %c0_i32 = arith.constant 0 : i32
    %c0_i32_0 = arith.constant 0 : i32
    %c0_i32_1 = arith.constant 0 : i32
    return %c0_i32, %c0_i32_0 : i32, i32
  }
  func.func @transform_5(%arg0: i32) -> (i32, i32, i32) {
    %c0_i32 = arith.constant 0 : i32
    %c0_i32_0 = arith.constant 0 : i32
    %c0_i32_1 = arith.constant 0 : i32
    %c0_i32_2 = arith.constant 0 : i32
    return %c0_i32, %c0_i32_0, %c0_i32_1 : i32, i32, i32
  }
  func.func @transform_6(%arg0: i32) -> (i32, i32, i32, i32) {
    %c0_i32 = arith.constant 0 : i32
    %c0_i32_0 = arith.constant 0 : i32
    %c0_i32_1 = arith.constant 0 : i32
    %c0_i32_2 = arith.constant 0 : i32
    return %arg0, %c0_i32, %c0_i32_0, %c0_i32_1 : i32, i32, i32, i32
  }
}

module attributes {stable_mosaic.version = 14 : i64} {
  func.func @_e2_body(%arg0: i32, %arg1: memref<8x2x400x128xf32, #tpu.memory_space<vmem>>, %arg2: memref<8x2x400x128xf32, #tpu.memory_space<vmem>>, %arg3: memref<8x2x400x128xf32, #tpu.memory_space<vmem>>, %arg4: memref<25x4x2x128xf32, #tpu.memory_space<vmem>>, %arg5: memref<4x400x256xf32, #tpu.memory_space<vmem>>, %arg6: memref<256x256xf32, #tpu.memory_space<vmem>>, %arg7: memref<1x256xf32, #tpu.memory_space<vmem>>, %arg8: memref<256x256xf32, #tpu.memory_space<vmem>>, %arg9: memref<256x256xf32, #tpu.memory_space<vmem>>, %arg10: memref<256x256xf32, #tpu.memory_space<vmem>>, %arg11: memref<256x256xf32, #tpu.memory_space<vmem>>, %arg12: memref<1x256xf32, #tpu.memory_space<vmem>>, %arg13: memref<256x256xf32, #tpu.memory_space<vmem>>, %arg14: memref<1x256xf32, #tpu.memory_space<vmem>>, %arg15: memref<1x128xf32, #tpu.memory_space<vmem>>, %arg16: memref<1x256xf32, #tpu.memory_space<vmem>>, %arg17: memref<1x256xf32, #tpu.memory_space<vmem>>, %arg18: memref<4x256xf32, #tpu.memory_space<vmem>>, %arg19: memref<4x400x256xf32, #tpu.memory_space<vmem>>) attributes {dimension_semantics = [#tpu.dimension_semantics<arbitrary>], iteration_bounds = array<i64: 25>, scalar_prefetch = 0 : i64, scratch_operands = 0 : i64, tpu.core_type = #tpu.core_type<tc>, window_params = [{transform_indices = @transform_0, window_bounds = array<i64: 8, 2, 400, 128>}, {transform_indices = @transform_1, window_bounds = array<i64: 8, 2, 400, 128>}, {transform_indices = @transform_2, window_bounds = array<i64: 8, 2, 400, 128>}, {pipeline_mode = #tpu.pipeline_mode<synchronous>, transform_indices = @transform_3, window_bounds = array<i64: 25, 4, 2, 128>}, {transform_indices = @transform_4, window_bounds = array<i64: 4, 400, 256>}, {pipeline_mode = #tpu.pipeline_mode<synchronous>, transform_indices = @transform_5, window_bounds = array<i64: 256, 256>}, {pipeline_mode = #tpu.pipeline_mode<synchronous>, transform_indices = @transform_6, window_bounds = array<i64: 1, 256>}, {pipeline_mode = #tpu.pipeline_mode<synchronous>, transform_indices = @transform_7, window_bounds = array<i64: 256, 256>}, {pipeline_mode = #tpu.pipeline_mode<synchronous>, transform_indices = @transform_8, window_bounds = array<i64: 256, 256>}, {pipeline_mode = #tpu.pipeline_mode<synchronous>, transform_indices = @transform_9, window_bounds = array<i64: 256, 256>}, {pipeline_mode = #tpu.pipeline_mode<synchronous>, transform_indices = @transform_10, window_bounds = array<i64: 256, 256>}, {pipeline_mode = #tpu.pipeline_mode<synchronous>, transform_indices = @transform_11, window_bounds = array<i64: 1, 256>}, {pipeline_mode = #tpu.pipeline_mode<synchronous>, transform_indices = @transform_12, window_bounds = array<i64: 256, 256>}, {pipeline_mode = #tpu.pipeline_mode<synchronous>, transform_indices = @transform_13, window_bounds = array<i64: 1, 256>}, {pipeline_mode = #tpu.pipeline_mode<synchronous>, transform_indices = @transform_14, window_bounds = array<i64: 1, 128>}, {pipeline_mode = #tpu.pipeline_mode<synchronous>, transform_indices = @transform_15, window_bounds = array<i64: 1, 256>}, {pipeline_mode = #tpu.pipeline_mode<synchronous>, transform_indices = @transform_16, window_bounds = array<i64: 1, 256>}, {pipeline_mode = #tpu.pipeline_mode<synchronous>, transform_indices = @transform_17, window_bounds = array<i64: 4, 256>}, {transform_indices = @transform_18, window_bounds = array<i64: 4, 400, 256>}]} {
    %get3A = arith.constant 0 : index
    %get3A_0 = arith.constant 0 : index
    %get3A_1 = arith.constant 0 : index
    %get3A_2 = arith.constant 0 : index
    %get3A_3 = vector.load %arg1[%get3A, %get3A_0, %get3A_1, %get3A_2] : memref<8x2x400x128xf32, #tpu.memory_space<vmem>>, vector<8x2x400x128xf32>
    %get3A_4 = arith.constant 0 : index
    %get3A_5 = arith.constant 0 : index
    %get3A_6 = arith.constant 0 : index
    %get3A_7 = arith.constant 0 : index
    %get3A_8 = vector.load %arg2[%get3A_4, %get3A_5, %get3A_6, %get3A_7] : memref<8x2x400x128xf32, #tpu.memory_space<vmem>>, vector<8x2x400x128xf32>
    %get3A_9 = arith.constant 0 : index
    %get3A_10 = arith.constant 0 : index
    %get3A_11 = arith.constant 0 : index
    %get3A_12 = arith.constant 0 : index
    %get3A_13 = vector.load %arg3[%get3A_9, %get3A_10, %get3A_11, %get3A_12] : memref<8x2x400x128xf32, #tpu.memory_space<vmem>>, vector<8x2x400x128xf32>
    %get3A_14 = arith.constant 0 : index
    %get3A_15 = arith.constant 0 : index
    %get3A_16 = arith.constant 0 : index
    %get3A_17 = arith.constant 0 : index
    %get3A_18 = vector.load %arg4[%get3A_14, %get3A_15, %get3A_16, %get3A_17] : memref<25x4x2x128xf32, #tpu.memory_space<vmem>>, vector<25x4x2x128xf32>
    %reduce_sum3A = arith.constant dense<0.000000e+00> : vector<4x2x128xf32>
    %reduce_sum3A_19 = vector.multi_reduction <add>, %get3A_18, %reduce_sum3A [0] : vector<25x4x2x128xf32> to vector<4x2x128xf32>
    %div3A = arith.constant 1.000000e+04 : f32
    %div3A_20 = vector.broadcast %div3A : f32 to vector<4x2x128xf32>
    %div3A_21 = arith.divf %reduce_sum3A_19, %div3A_20 : vector<4x2x128xf32>
    %reduce_max3A = arith.constant dense<0xFF800000> : vector<4x128xf32>
    %reduce_max3A_22 = vector.multi_reduction <maximumf>, %div3A_21, %reduce_max3A [1] : vector<4x2x128xf32> to vector<4x128xf32>
    %broadcast_in_dim3A = vector.shape_cast %reduce_max3A_22 : vector<4x128xf32> to vector<4x1x128xf32>
    %sub3A = vector.broadcast %broadcast_in_dim3A : vector<4x1x128xf32> to vector<4x2x128xf32>
    %sub3A_23 = arith.subf %div3A_21, %sub3A : vector<4x2x128xf32>
    %exp3A = math.exp %sub3A_23 : vector<4x2x128xf32>
    %reduce_sum3A_24 = arith.constant dense<0.000000e+00> : vector<4x128xf32>
    %reduce_sum3A_25 = vector.multi_reduction <add>, %exp3A, %reduce_sum3A_24 [1] : vector<4x2x128xf32> to vector<4x128xf32>
    %broadcast_in_dim3A_26 = vector.shape_cast %reduce_sum3A_25 : vector<4x128xf32> to vector<4x1x128xf32>
    %div3A_27 = vector.broadcast %broadcast_in_dim3A_26 : vector<4x1x128xf32> to vector<4x2x128xf32>
    %div3A_28 = arith.divf %exp3A, %div3A_27 : vector<4x2x128xf32>
    %slice3A = vector.extract_strided_slice %div3A_28 {offsets = [0, 0, 0], sizes = [1, 1, 128], strides = [1, 1, 1]} : vector<4x2x128xf32> to vector<1x1x128xf32>
    %squeeze3A = vector.shape_cast %slice3A : vector<1x1x128xf32> to vector<1x128xf32>
    %slice3A_29 = vector.extract_strided_slice %div3A_28 {offsets = [0, 0, 0], sizes = [1, 1, 128], strides = [1, 1, 1]} : vector<4x2x128xf32> to vector<1x1x128xf32>
    %squeeze3A_30 = vector.shape_cast %slice3A_29 : vector<1x1x128xf32> to vector<1x128xf32>
    %concatenate3A = tpu.concatenate %squeeze3A, %squeeze3A_30 in 1 : vector<1x128xf32>, vector<1x128xf32> -> vector<1x256xf32>
    %slice3A_31 = vector.extract_strided_slice %div3A_28 {offsets = [0, 1, 0], sizes = [1, 1, 128], strides = [1, 1, 1]} : vector<4x2x128xf32> to vector<1x1x128xf32>
    %squeeze3A_32 = vector.shape_cast %slice3A_31 : vector<1x1x128xf32> to vector<1x128xf32>
    %slice3A_33 = vector.extract_strided_slice %div3A_28 {offsets = [0, 1, 0], sizes = [1, 1, 128], strides = [1, 1, 1]} : vector<4x2x128xf32> to vector<1x1x128xf32>
    %squeeze3A_34 = vector.shape_cast %slice3A_33 : vector<1x1x128xf32> to vector<1x128xf32>
    %concatenate3A_35 = tpu.concatenate %squeeze3A_32, %squeeze3A_34 in 1 : vector<1x128xf32>, vector<1x128xf32> -> vector<1x256xf32>
    %slice3A_36 = vector.extract_strided_slice %get3A_3 {offsets = [0, 0, 0, 0], sizes = [1, 1, 400, 128], strides = [1, 1, 1, 1]} : vector<8x2x400x128xf32> to vector<1x1x400x128xf32>
    %squeeze3A_37 = vector.shape_cast %slice3A_36 : vector<1x1x400x128xf32> to vector<400x128xf32>
    %slice3A_38 = vector.extract_strided_slice %get3A_3 {offsets = [0, 1, 0, 0], sizes = [1, 1, 400, 128], strides = [1, 1, 1, 1]} : vector<8x2x400x128xf32> to vector<1x1x400x128xf32>
    %squeeze3A_39 = vector.shape_cast %slice3A_38 : vector<1x1x400x128xf32> to vector<400x128xf32>
    %add3A = arith.addf %squeeze3A_37, %squeeze3A_39 : vector<400x128xf32>
    %slice3A_40 = vector.extract_strided_slice %get3A_8 {offsets = [0, 0, 0, 0], sizes = [1, 1, 400, 128], strides = [1, 1, 1, 1]} : vector<8x2x400x128xf32> to vector<1x1x400x128xf32>
    %squeeze3A_41 = vector.shape_cast %slice3A_40 : vector<1x1x400x128xf32> to vector<400x128xf32>
    %slice3A_42 = vector.extract_strided_slice %get3A_8 {offsets = [0, 1, 0, 0], sizes = [1, 1, 400, 128], strides = [1, 1, 1, 1]} : vector<8x2x400x128xf32> to vector<1x1x400x128xf32>
    %squeeze3A_43 = vector.shape_cast %slice3A_42 : vector<1x1x400x128xf32> to vector<400x128xf32>
    %add3A_44 = arith.addf %squeeze3A_41, %squeeze3A_43 : vector<400x128xf32>
    %concatenate3A_45 = tpu.concatenate %add3A, %add3A_44 in 1 : vector<400x128xf32>, vector<400x128xf32> -> vector<400x256xf32>
    %slice3A_46 = vector.extract_strided_slice %get3A_13 {offsets = [0, 0, 0, 0], sizes = [1, 1, 400, 1], strides = [1, 1, 1, 1]} : vector<8x2x400x128xf32> to vector<1x1x400x1xf32>
    %squeeze3A_47 = vector.shape_cast %slice3A_46 : vector<1x1x400x1xf32> to vector<400x1xf32>
    %slice3A_48 = vector.extract_strided_slice %get3A_13 {offsets = [0, 1, 0, 0], sizes = [1, 1, 400, 1], strides = [1, 1, 1, 1]} : vector<8x2x400x128xf32> to vector<1x1x400x1xf32>
    %squeeze3A_49 = vector.shape_cast %slice3A_48 : vector<1x1x400x1xf32> to vector<400x1xf32>
    %add3A_50 = arith.addf %squeeze3A_47, %squeeze3A_49 : vector<400x1xf32>
    %add3A_51 = arith.constant 9.99999971E-10 : f32
    %add3A_52 = vector.broadcast %add3A_51 : f32 to vector<400x1xf32>
    %add3A_53 = arith.addf %add3A_50, %add3A_52 : vector<400x1xf32>
    %div3A_54 = vector.broadcast %add3A_53 : vector<400x1xf32> to vector<400x256xf32>
    %div3A_55 = arith.divf %concatenate3A_45, %div3A_54 : vector<400x256xf32>
    %mul3A = vector.broadcast %concatenate3A : vector<1x256xf32> to vector<400x256xf32>
    %mul3A_56 = arith.mulf %mul3A, %div3A_55 : vector<400x256xf32>
    %slice3A_57 = vector.extract_strided_slice %get3A_3 {offsets = [1, 0, 0, 0], sizes = [1, 1, 400, 128], strides = [1, 1, 1, 1]} : vector<8x2x400x128xf32> to vector<1x1x400x128xf32>
    %squeeze3A_58 = vector.shape_cast %slice3A_57 : vector<1x1x400x128xf32> to vector<400x128xf32>
    %slice3A_59 = vector.extract_strided_slice %get3A_3 {offsets = [1, 1, 0, 0], sizes = [1, 1, 400, 128], strides = [1, 1, 1, 1]} : vector<8x2x400x128xf32> to vector<1x1x400x128xf32>
    %squeeze3A_60 = vector.shape_cast %slice3A_59 : vector<1x1x400x128xf32> to vector<400x128xf32>
    %add3A_61 = arith.addf %squeeze3A_58, %squeeze3A_60 : vector<400x128xf32>
    %slice3A_62 = vector.extract_strided_slice %get3A_8 {offsets = [1, 0, 0, 0], sizes = [1, 1, 400, 128], strides = [1, 1, 1, 1]} : vector<8x2x400x128xf32> to vector<1x1x400x128xf32>
    %squeeze3A_63 = vector.shape_cast %slice3A_62 : vector<1x1x400x128xf32> to vector<400x128xf32>
    %slice3A_64 = vector.extract_strided_slice %get3A_8 {offsets = [1, 1, 0, 0], sizes = [1, 1, 400, 128], strides = [1, 1, 1, 1]} : vector<8x2x400x128xf32> to vector<1x1x400x128xf32>
    %squeeze3A_65 = vector.shape_cast %slice3A_64 : vector<1x1x400x128xf32> to vector<400x128xf32>
    %add3A_66 = arith.addf %squeeze3A_63, %squeeze3A_65 : vector<400x128xf32>
    %concatenate3A_67 = tpu.concatenate %add3A_61, %add3A_66 in 1 : vector<400x128xf32>, vector<400x128xf32> -> vector<400x256xf32>
    %slice3A_68 = vector.extract_strided_slice %get3A_13 {offsets = [1, 0, 0, 0], sizes = [1, 1, 400, 1], strides = [1, 1, 1, 1]} : vector<8x2x400x128xf32> to vector<1x1x400x1xf32>
    %squeeze3A_69 = vector.shape_cast %slice3A_68 : vector<1x1x400x1xf32> to vector<400x1xf32>
    %slice3A_70 = vector.extract_strided_slice %get3A_13 {offsets = [1, 1, 0, 0], sizes = [1, 1, 400, 1], strides = [1, 1, 1, 1]} : vector<8x2x400x128xf32> to vector<1x1x400x1xf32>
    %squeeze3A_71 = vector.shape_cast %slice3A_70 : vector<1x1x400x1xf32> to vector<400x1xf32>
    %add3A_72 = arith.addf %squeeze3A_69, %squeeze3A_71 : vector<400x1xf32>
    %add3A_73 = arith.constant 9.99999971E-10 : f32
    %add3A_74 = vector.broadcast %add3A_73 : f32 to vector<400x1xf32>
    %add3A_75 = arith.addf %add3A_72, %add3A_74 : vector<400x1xf32>
    %div3A_76 = vector.broadcast %add3A_75 : vector<400x1xf32> to vector<400x256xf32>
    %div3A_77 = arith.divf %concatenate3A_67, %div3A_76 : vector<400x256xf32>
    %mul3A_78 = vector.broadcast %concatenate3A_35 : vector<1x256xf32> to vector<400x256xf32>
    %mul3A_79 = arith.mulf %mul3A_78, %div3A_77 : vector<400x256xf32>
    %add3A_80 = arith.addf %mul3A_56, %mul3A_79 : vector<400x256xf32>
    %get3A_81 = arith.constant 0 : index
    %get3A_82 = arith.constant 0 : index
    %get3A_83 = vector.load %arg6[%get3A_81, %get3A_82] : memref<256x256xf32, #tpu.memory_space<vmem>>, vector<256x256xf32>
    %dot_general3A = arith.constant dense<0.000000e+00> : vector<400x256xf32>
    %dot_general3A_84 = tpu.matmul %add3A_80, %get3A_83, %dot_general3A {dimension_numbers = #tpu.dot_dimension_numbers<[1], [0], [0], [1], [0, 0, 1, 1], [], []>, transpose_lhs_hint = false} : vector<400x256xf32>, vector<256x256xf32>, vector<400x256xf32> -> vector<400x256xf32>
    %get3A_85 = arith.constant 0 : index
    %get3A_86 = arith.constant 0 : index
    %get3A_87 = vector.load %arg7[%get3A_85, %get3A_86] : memref<1x256xf32, #tpu.memory_space<vmem>>, vector<1x256xf32>
    %get3A_88 = vector.shape_cast %get3A_87 : vector<1x256xf32> to vector<256xf32>
    %broadcast_in_dim3A_89 = vector.shape_cast %get3A_88 : vector<256xf32> to vector<1x256xf32>
    %add3A_90 = vector.broadcast %broadcast_in_dim3A_89 : vector<1x256xf32> to vector<400x256xf32>
    %add3A_91 = arith.addf %dot_general3A_84, %add3A_90 : vector<400x256xf32>
    %get3A_92 = arith.constant 0 : index
    %get3A_93 = arith.constant 0 : index
    %get3A_94 = vector.load %arg18[%get3A_92, %get3A_93] : memref<4x256xf32, #tpu.memory_space<vmem>>, vector<1x256xf32>
    %get3A_95 = vector.shape_cast %get3A_94 : vector<1x256xf32> to vector<256xf32>
    %broadcast_in_dim3A_96 = vector.shape_cast %get3A_95 : vector<256xf32> to vector<1x256xf32>
    %add3A_97 = vector.broadcast %broadcast_in_dim3A_96 : vector<1x256xf32> to vector<400x256xf32>
    %add3A_98 = arith.addf %add3A_91, %add3A_97 : vector<400x256xf32>
    %get3A_99 = arith.constant 0 : index
    %get3A_100 = arith.constant 0 : index
    %get3A_101 = vector.load %arg8[%get3A_99, %get3A_100] : memref<256x256xf32, #tpu.memory_space<vmem>>, vector<256x256xf32>
    %dot_general3A_102 = arith.constant dense<0.000000e+00> : vector<400x256xf32>
    %dot_general3A_103 = tpu.matmul %add3A_98, %get3A_101, %dot_general3A_102 {dimension_numbers = #tpu.dot_dimension_numbers<[1], [0], [0], [1], [0, 0, 1, 1], [], []>, transpose_lhs_hint = false} : vector<400x256xf32>, vector<256x256xf32>, vector<400x256xf32> -> vector<400x256xf32>
    %get3A_104 = arith.constant 0 : index
    %get3A_105 = arith.constant 0 : index
    %get3A_106 = vector.load %arg9[%get3A_104, %get3A_105] : memref<256x256xf32, #tpu.memory_space<vmem>>, vector<256x256xf32>
    %dot_general3A_107 = arith.constant dense<0.000000e+00> : vector<400x256xf32>
    %dot_general3A_108 = tpu.matmul %add3A_98, %get3A_106, %dot_general3A_107 {dimension_numbers = #tpu.dot_dimension_numbers<[1], [0], [0], [1], [0, 0, 1, 1], [], []>, transpose_lhs_hint = false} : vector<400x256xf32>, vector<256x256xf32>, vector<400x256xf32> -> vector<400x256xf32>
    %get3A_109 = arith.constant 0 : index
    %get3A_110 = arith.constant 0 : index
    %get3A_111 = vector.load %arg10[%get3A_109, %get3A_110] : memref<256x256xf32, #tpu.memory_space<vmem>>, vector<256x256xf32>
    %dot_general3A_112 = arith.constant dense<0.000000e+00> : vector<400x256xf32>
    %dot_general3A_113 = tpu.matmul %add3A_98, %get3A_111, %dot_general3A_112 {dimension_numbers = #tpu.dot_dimension_numbers<[1], [0], [0], [1], [0, 0, 1, 1], [], []>, transpose_lhs_hint = false} : vector<400x256xf32>, vector<256x256xf32>, vector<400x256xf32> -> vector<400x256xf32>
    %slice3A_114 = vector.extract_strided_slice %div3A_28 {offsets = [1, 0, 0], sizes = [1, 1, 128], strides = [1, 1, 1]} : vector<4x2x128xf32> to vector<1x1x128xf32>
    %squeeze3A_115 = vector.shape_cast %slice3A_114 : vector<1x1x128xf32> to vector<1x128xf32>
    %slice3A_116 = vector.extract_strided_slice %div3A_28 {offsets = [1, 0, 0], sizes = [1, 1, 128], strides = [1, 1, 1]} : vector<4x2x128xf32> to vector<1x1x128xf32>
    %squeeze3A_117 = vector.shape_cast %slice3A_116 : vector<1x1x128xf32> to vector<1x128xf32>
    %concatenate3A_118 = tpu.concatenate %squeeze3A_115, %squeeze3A_117 in 1 : vector<1x128xf32>, vector<1x128xf32> -> vector<1x256xf32>
    %slice3A_119 = vector.extract_strided_slice %div3A_28 {offsets = [1, 1, 0], sizes = [1, 1, 128], strides = [1, 1, 1]} : vector<4x2x128xf32> to vector<1x1x128xf32>
    %squeeze3A_120 = vector.shape_cast %slice3A_119 : vector<1x1x128xf32> to vector<1x128xf32>
    %slice3A_121 = vector.extract_strided_slice %div3A_28 {offsets = [1, 1, 0], sizes = [1, 1, 128], strides = [1, 1, 1]} : vector<4x2x128xf32> to vector<1x1x128xf32>
    %squeeze3A_122 = vector.shape_cast %slice3A_121 : vector<1x1x128xf32> to vector<1x128xf32>
    %concatenate3A_123 = tpu.concatenate %squeeze3A_120, %squeeze3A_122 in 1 : vector<1x128xf32>, vector<1x128xf32> -> vector<1x256xf32>
    %slice3A_124 = vector.extract_strided_slice %get3A_3 {offsets = [2, 0, 0, 0], sizes = [1, 1, 400, 128], strides = [1, 1, 1, 1]} : vector<8x2x400x128xf32> to vector<1x1x400x128xf32>
    %squeeze3A_125 = vector.shape_cast %slice3A_124 : vector<1x1x400x128xf32> to vector<400x128xf32>
    %slice3A_126 = vector.extract_strided_slice %get3A_3 {offsets = [2, 1, 0, 0], sizes = [1, 1, 400, 128], strides = [1, 1, 1, 1]} : vector<8x2x400x128xf32> to vector<1x1x400x128xf32>
    %squeeze3A_127 = vector.shape_cast %slice3A_126 : vector<1x1x400x128xf32> to vector<400x128xf32>
    %add3A_128 = arith.addf %squeeze3A_125, %squeeze3A_127 : vector<400x128xf32>
    %slice3A_129 = vector.extract_strided_slice %get3A_8 {offsets = [2, 0, 0, 0], sizes = [1, 1, 400, 128], strides = [1, 1, 1, 1]} : vector<8x2x400x128xf32> to vector<1x1x400x128xf32>
    %squeeze3A_130 = vector.shape_cast %slice3A_129 : vector<1x1x400x128xf32> to vector<400x128xf32>
    %slice3A_131 = vector.extract_strided_slice %get3A_8 {offsets = [2, 1, 0, 0], sizes = [1, 1, 400, 128], strides = [1, 1, 1, 1]} : vector<8x2x400x128xf32> to vector<1x1x400x128xf32>
    %squeeze3A_132 = vector.shape_cast %slice3A_131 : vector<1x1x400x128xf32> to vector<400x128xf32>
    %add3A_133 = arith.addf %squeeze3A_130, %squeeze3A_132 : vector<400x128xf32>
    %concatenate3A_134 = tpu.concatenate %add3A_128, %add3A_133 in 1 : vector<400x128xf32>, vector<400x128xf32> -> vector<400x256xf32>
    %slice3A_135 = vector.extract_strided_slice %get3A_13 {offsets = [2, 0, 0, 0], sizes = [1, 1, 400, 1], strides = [1, 1, 1, 1]} : vector<8x2x400x128xf32> to vector<1x1x400x1xf32>
    %squeeze3A_136 = vector.shape_cast %slice3A_135 : vector<1x1x400x1xf32> to vector<400x1xf32>
    %slice3A_137 = vector.extract_strided_slice %get3A_13 {offsets = [2, 1, 0, 0], sizes = [1, 1, 400, 1], strides = [1, 1, 1, 1]} : vector<8x2x400x128xf32> to vector<1x1x400x1xf32>
    %squeeze3A_138 = vector.shape_cast %slice3A_137 : vector<1x1x400x1xf32> to vector<400x1xf32>
    %add3A_139 = arith.addf %squeeze3A_136, %squeeze3A_138 : vector<400x1xf32>
    %add3A_140 = arith.constant 9.99999971E-10 : f32
    %add3A_141 = vector.broadcast %add3A_140 : f32 to vector<400x1xf32>
    %add3A_142 = arith.addf %add3A_139, %add3A_141 : vector<400x1xf32>
    %div3A_143 = vector.broadcast %add3A_142 : vector<400x1xf32> to vector<400x256xf32>
    %div3A_144 = arith.divf %concatenate3A_134, %div3A_143 : vector<400x256xf32>
    %mul3A_145 = vector.broadcast %concatenate3A_118 : vector<1x256xf32> to vector<400x256xf32>
    %mul3A_146 = arith.mulf %mul3A_145, %div3A_144 : vector<400x256xf32>
    %slice3A_147 = vector.extract_strided_slice %get3A_3 {offsets = [3, 0, 0, 0], sizes = [1, 1, 400, 128], strides = [1, 1, 1, 1]} : vector<8x2x400x128xf32> to vector<1x1x400x128xf32>
    %squeeze3A_148 = vector.shape_cast %slice3A_147 : vector<1x1x400x128xf32> to vector<400x128xf32>
    %slice3A_149 = vector.extract_strided_slice %get3A_3 {offsets = [3, 1, 0, 0], sizes = [1, 1, 400, 128], strides = [1, 1, 1, 1]} : vector<8x2x400x128xf32> to vector<1x1x400x128xf32>
    %squeeze3A_150 = vector.shape_cast %slice3A_149 : vector<1x1x400x128xf32> to vector<400x128xf32>
    %add3A_151 = arith.addf %squeeze3A_148, %squeeze3A_150 : vector<400x128xf32>
    %slice3A_152 = vector.extract_strided_slice %get3A_8 {offsets = [3, 0, 0, 0], sizes = [1, 1, 400, 128], strides = [1, 1, 1, 1]} : vector<8x2x400x128xf32> to vector<1x1x400x128xf32>
    %squeeze3A_153 = vector.shape_cast %slice3A_152 : vector<1x1x400x128xf32> to vector<400x128xf32>
    %slice3A_154 = vector.extract_strided_slice %get3A_8 {offsets = [3, 1, 0, 0], sizes = [1, 1, 400, 128], strides = [1, 1, 1, 1]} : vector<8x2x400x128xf32> to vector<1x1x400x128xf32>
    %squeeze3A_155 = vector.shape_cast %slice3A_154 : vector<1x1x400x128xf32> to vector<400x128xf32>
    %add3A_156 = arith.addf %squeeze3A_153, %squeeze3A_155 : vector<400x128xf32>
    %concatenate3A_157 = tpu.concatenate %add3A_151, %add3A_156 in 1 : vector<400x128xf32>, vector<400x128xf32> -> vector<400x256xf32>
    %slice3A_158 = vector.extract_strided_slice %get3A_13 {offsets = [3, 0, 0, 0], sizes = [1, 1, 400, 1], strides = [1, 1, 1, 1]} : vector<8x2x400x128xf32> to vector<1x1x400x1xf32>
    %squeeze3A_159 = vector.shape_cast %slice3A_158 : vector<1x1x400x1xf32> to vector<400x1xf32>
    %slice3A_160 = vector.extract_strided_slice %get3A_13 {offsets = [3, 1, 0, 0], sizes = [1, 1, 400, 1], strides = [1, 1, 1, 1]} : vector<8x2x400x128xf32> to vector<1x1x400x1xf32>
    %squeeze3A_161 = vector.shape_cast %slice3A_160 : vector<1x1x400x1xf32> to vector<400x1xf32>
    %add3A_162 = arith.addf %squeeze3A_159, %squeeze3A_161 : vector<400x1xf32>
    %add3A_163 = arith.constant 9.99999971E-10 : f32
    %add3A_164 = vector.broadcast %add3A_163 : f32 to vector<400x1xf32>
    %add3A_165 = arith.addf %add3A_162, %add3A_164 : vector<400x1xf32>
    %div3A_166 = vector.broadcast %add3A_165 : vector<400x1xf32> to vector<400x256xf32>
    %div3A_167 = arith.divf %concatenate3A_157, %div3A_166 : vector<400x256xf32>
    %mul3A_168 = vector.broadcast %concatenate3A_123 : vector<1x256xf32> to vector<400x256xf32>
    %mul3A_169 = arith.mulf %mul3A_168, %div3A_167 : vector<400x256xf32>
    %add3A_170 = arith.addf %mul3A_146, %mul3A_169 : vector<400x256xf32>
    %get3A_171 = arith.constant 0 : index
    %get3A_172 = arith.constant 0 : index
    %get3A_173 = vector.load %arg6[%get3A_171, %get3A_172] : memref<256x256xf32, #tpu.memory_space<vmem>>, vector<256x256xf32>
    %dot_general3A_174 = arith.constant dense<0.000000e+00> : vector<400x256xf32>
    %dot_general3A_175 = tpu.matmul %add3A_170, %get3A_173, %dot_general3A_174 {dimension_numbers = #tpu.dot_dimension_numbers<[1], [0], [0], [1], [0, 0, 1, 1], [], []>, transpose_lhs_hint = false} : vector<400x256xf32>, vector<256x256xf32>, vector<400x256xf32> -> vector<400x256xf32>
    %get3A_176 = arith.constant 0 : index
    %get3A_177 = arith.constant 0 : index
    %get3A_178 = vector.load %arg7[%get3A_176, %get3A_177] : memref<1x256xf32, #tpu.memory_space<vmem>>, vector<1x256xf32>
    %get3A_179 = vector.shape_cast %get3A_178 : vector<1x256xf32> to vector<256xf32>
    %broadcast_in_dim3A_180 = vector.shape_cast %get3A_179 : vector<256xf32> to vector<1x256xf32>
    %add3A_181 = vector.broadcast %broadcast_in_dim3A_180 : vector<1x256xf32> to vector<400x256xf32>
    %add3A_182 = arith.addf %dot_general3A_175, %add3A_181 : vector<400x256xf32>
    %get3A_183 = arith.constant 1 : index
    %get3A_184 = arith.constant 0 : index
    %get3A_185 = vector.load %arg18[%get3A_183, %get3A_184] : memref<4x256xf32, #tpu.memory_space<vmem>>, vector<1x256xf32>
    %get3A_186 = vector.shape_cast %get3A_185 : vector<1x256xf32> to vector<256xf32>
    %broadcast_in_dim3A_187 = vector.shape_cast %get3A_186 : vector<256xf32> to vector<1x256xf32>
    %add3A_188 = vector.broadcast %broadcast_in_dim3A_187 : vector<1x256xf32> to vector<400x256xf32>
    %add3A_189 = arith.addf %add3A_182, %add3A_188 : vector<400x256xf32>
    %get3A_190 = arith.constant 0 : index
    %get3A_191 = arith.constant 0 : index
    %get3A_192 = vector.load %arg8[%get3A_190, %get3A_191] : memref<256x256xf32, #tpu.memory_space<vmem>>, vector<256x256xf32>
    %dot_general3A_193 = arith.constant dense<0.000000e+00> : vector<400x256xf32>
    %dot_general3A_194 = tpu.matmul %add3A_189, %get3A_192, %dot_general3A_193 {dimension_numbers = #tpu.dot_dimension_numbers<[1], [0], [0], [1], [0, 0, 1, 1], [], []>, transpose_lhs_hint = false} : vector<400x256xf32>, vector<256x256xf32>, vector<400x256xf32> -> vector<400x256xf32>
    %get3A_195 = arith.constant 0 : index
    %get3A_196 = arith.constant 0 : index
    %get3A_197 = vector.load %arg9[%get3A_195, %get3A_196] : memref<256x256xf32, #tpu.memory_space<vmem>>, vector<256x256xf32>
    %dot_general3A_198 = arith.constant dense<0.000000e+00> : vector<400x256xf32>
    %dot_general3A_199 = tpu.matmul %add3A_189, %get3A_197, %dot_general3A_198 {dimension_numbers = #tpu.dot_dimension_numbers<[1], [0], [0], [1], [0, 0, 1, 1], [], []>, transpose_lhs_hint = false} : vector<400x256xf32>, vector<256x256xf32>, vector<400x256xf32> -> vector<400x256xf32>
    %get3A_200 = arith.constant 0 : index
    %get3A_201 = arith.constant 0 : index
    %get3A_202 = vector.load %arg10[%get3A_200, %get3A_201] : memref<256x256xf32, #tpu.memory_space<vmem>>, vector<256x256xf32>
    %dot_general3A_203 = arith.constant dense<0.000000e+00> : vector<400x256xf32>
    %dot_general3A_204 = tpu.matmul %add3A_189, %get3A_202, %dot_general3A_203 {dimension_numbers = #tpu.dot_dimension_numbers<[1], [0], [0], [1], [0, 0, 1, 1], [], []>, transpose_lhs_hint = false} : vector<400x256xf32>, vector<256x256xf32>, vector<400x256xf32> -> vector<400x256xf32>
    %slice3A_205 = vector.extract_strided_slice %div3A_28 {offsets = [2, 0, 0], sizes = [1, 1, 128], strides = [1, 1, 1]} : vector<4x2x128xf32> to vector<1x1x128xf32>
    %squeeze3A_206 = vector.shape_cast %slice3A_205 : vector<1x1x128xf32> to vector<1x128xf32>
    %slice3A_207 = vector.extract_strided_slice %div3A_28 {offsets = [2, 0, 0], sizes = [1, 1, 128], strides = [1, 1, 1]} : vector<4x2x128xf32> to vector<1x1x128xf32>
    %squeeze3A_208 = vector.shape_cast %slice3A_207 : vector<1x1x128xf32> to vector<1x128xf32>
    %concatenate3A_209 = tpu.concatenate %squeeze3A_206, %squeeze3A_208 in 1 : vector<1x128xf32>, vector<1x128xf32> -> vector<1x256xf32>
    %slice3A_210 = vector.extract_strided_slice %div3A_28 {offsets = [2, 1, 0], sizes = [1, 1, 128], strides = [1, 1, 1]} : vector<4x2x128xf32> to vector<1x1x128xf32>
    %squeeze3A_211 = vector.shape_cast %slice3A_210 : vector<1x1x128xf32> to vector<1x128xf32>
    %slice3A_212 = vector.extract_strided_slice %div3A_28 {offsets = [2, 1, 0], sizes = [1, 1, 128], strides = [1, 1, 1]} : vector<4x2x128xf32> to vector<1x1x128xf32>
    %squeeze3A_213 = vector.shape_cast %slice3A_212 : vector<1x1x128xf32> to vector<1x128xf32>
    %concatenate3A_214 = tpu.concatenate %squeeze3A_211, %squeeze3A_213 in 1 : vector<1x128xf32>, vector<1x128xf32> -> vector<1x256xf32>
    %slice3A_215 = vector.extract_strided_slice %get3A_3 {offsets = [4, 0, 0, 0], sizes = [1, 1, 400, 128], strides = [1, 1, 1, 1]} : vector<8x2x400x128xf32> to vector<1x1x400x128xf32>
    %squeeze3A_216 = vector.shape_cast %slice3A_215 : vector<1x1x400x128xf32> to vector<400x128xf32>
    %slice3A_217 = vector.extract_strided_slice %get3A_3 {offsets = [4, 1, 0, 0], sizes = [1, 1, 400, 128], strides = [1, 1, 1, 1]} : vector<8x2x400x128xf32> to vector<1x1x400x128xf32>
    %squeeze3A_218 = vector.shape_cast %slice3A_217 : vector<1x1x400x128xf32> to vector<400x128xf32>
    %add3A_219 = arith.addf %squeeze3A_216, %squeeze3A_218 : vector<400x128xf32>
    %slice3A_220 = vector.extract_strided_slice %get3A_8 {offsets = [4, 0, 0, 0], sizes = [1, 1, 400, 128], strides = [1, 1, 1, 1]} : vector<8x2x400x128xf32> to vector<1x1x400x128xf32>
    %squeeze3A_221 = vector.shape_cast %slice3A_220 : vector<1x1x400x128xf32> to vector<400x128xf32>
    %slice3A_222 = vector.extract_strided_slice %get3A_8 {offsets = [4, 1, 0, 0], sizes = [1, 1, 400, 128], strides = [1, 1, 1, 1]} : vector<8x2x400x128xf32> to vector<1x1x400x128xf32>
    %squeeze3A_223 = vector.shape_cast %slice3A_222 : vector<1x1x400x128xf32> to vector<400x128xf32>
    %add3A_224 = arith.addf %squeeze3A_221, %squeeze3A_223 : vector<400x128xf32>
    %concatenate3A_225 = tpu.concatenate %add3A_219, %add3A_224 in 1 : vector<400x128xf32>, vector<400x128xf32> -> vector<400x256xf32>
    %slice3A_226 = vector.extract_strided_slice %get3A_13 {offsets = [4, 0, 0, 0], sizes = [1, 1, 400, 1], strides = [1, 1, 1, 1]} : vector<8x2x400x128xf32> to vector<1x1x400x1xf32>
    %squeeze3A_227 = vector.shape_cast %slice3A_226 : vector<1x1x400x1xf32> to vector<400x1xf32>
    %slice3A_228 = vector.extract_strided_slice %get3A_13 {offsets = [4, 1, 0, 0], sizes = [1, 1, 400, 1], strides = [1, 1, 1, 1]} : vector<8x2x400x128xf32> to vector<1x1x400x1xf32>
    %squeeze3A_229 = vector.shape_cast %slice3A_228 : vector<1x1x400x1xf32> to vector<400x1xf32>
    %add3A_230 = arith.addf %squeeze3A_227, %squeeze3A_229 : vector<400x1xf32>
    %add3A_231 = arith.constant 9.99999971E-10 : f32
    %add3A_232 = vector.broadcast %add3A_231 : f32 to vector<400x1xf32>
    %add3A_233 = arith.addf %add3A_230, %add3A_232 : vector<400x1xf32>
    %div3A_234 = vector.broadcast %add3A_233 : vector<400x1xf32> to vector<400x256xf32>
    %div3A_235 = arith.divf %concatenate3A_225, %div3A_234 : vector<400x256xf32>
    %mul3A_236 = vector.broadcast %concatenate3A_209 : vector<1x256xf32> to vector<400x256xf32>
    %mul3A_237 = arith.mulf %mul3A_236, %div3A_235 : vector<400x256xf32>
    %slice3A_238 = vector.extract_strided_slice %get3A_3 {offsets = [5, 0, 0, 0], sizes = [1, 1, 400, 128], strides = [1, 1, 1, 1]} : vector<8x2x400x128xf32> to vector<1x1x400x128xf32>
    %squeeze3A_239 = vector.shape_cast %slice3A_238 : vector<1x1x400x128xf32> to vector<400x128xf32>
    %slice3A_240 = vector.extract_strided_slice %get3A_3 {offsets = [5, 1, 0, 0], sizes = [1, 1, 400, 128], strides = [1, 1, 1, 1]} : vector<8x2x400x128xf32> to vector<1x1x400x128xf32>
    %squeeze3A_241 = vector.shape_cast %slice3A_240 : vector<1x1x400x128xf32> to vector<400x128xf32>
    %add3A_242 = arith.addf %squeeze3A_239, %squeeze3A_241 : vector<400x128xf32>
    %slice3A_243 = vector.extract_strided_slice %get3A_8 {offsets = [5, 0, 0, 0], sizes = [1, 1, 400, 128], strides = [1, 1, 1, 1]} : vector<8x2x400x128xf32> to vector<1x1x400x128xf32>
    %squeeze3A_244 = vector.shape_cast %slice3A_243 : vector<1x1x400x128xf32> to vector<400x128xf32>
    %slice3A_245 = vector.extract_strided_slice %get3A_8 {offsets = [5, 1, 0, 0], sizes = [1, 1, 400, 128], strides = [1, 1, 1, 1]} : vector<8x2x400x128xf32> to vector<1x1x400x128xf32>
    %squeeze3A_246 = vector.shape_cast %slice3A_245 : vector<1x1x400x128xf32> to vector<400x128xf32>
    %add3A_247 = arith.addf %squeeze3A_244, %squeeze3A_246 : vector<400x128xf32>
    %concatenate3A_248 = tpu.concatenate %add3A_242, %add3A_247 in 1 : vector<400x128xf32>, vector<400x128xf32> -> vector<400x256xf32>
    %slice3A_249 = vector.extract_strided_slice %get3A_13 {offsets = [5, 0, 0, 0], sizes = [1, 1, 400, 1], strides = [1, 1, 1, 1]} : vector<8x2x400x128xf32> to vector<1x1x400x1xf32>
    %squeeze3A_250 = vector.shape_cast %slice3A_249 : vector<1x1x400x1xf32> to vector<400x1xf32>
    %slice3A_251 = vector.extract_strided_slice %get3A_13 {offsets = [5, 1, 0, 0], sizes = [1, 1, 400, 1], strides = [1, 1, 1, 1]} : vector<8x2x400x128xf32> to vector<1x1x400x1xf32>
    %squeeze3A_252 = vector.shape_cast %slice3A_251 : vector<1x1x400x1xf32> to vector<400x1xf32>
    %add3A_253 = arith.addf %squeeze3A_250, %squeeze3A_252 : vector<400x1xf32>
    %add3A_254 = arith.constant 9.99999971E-10 : f32
    %add3A_255 = vector.broadcast %add3A_254 : f32 to vector<400x1xf32>
    %add3A_256 = arith.addf %add3A_253, %add3A_255 : vector<400x1xf32>
    %div3A_257 = vector.broadcast %add3A_256 : vector<400x1xf32> to vector<400x256xf32>
    %div3A_258 = arith.divf %concatenate3A_248, %div3A_257 : vector<400x256xf32>
    %mul3A_259 = vector.broadcast %concatenate3A_214 : vector<1x256xf32> to vector<400x256xf32>
    %mul3A_260 = arith.mulf %mul3A_259, %div3A_258 : vector<400x256xf32>
    %add3A_261 = arith.addf %mul3A_237, %mul3A_260 : vector<400x256xf32>
    %get3A_262 = arith.constant 0 : index
    %get3A_263 = arith.constant 0 : index
    %get3A_264 = vector.load %arg6[%get3A_262, %get3A_263] : memref<256x256xf32, #tpu.memory_space<vmem>>, vector<256x256xf32>
    %dot_general3A_265 = arith.constant dense<0.000000e+00> : vector<400x256xf32>
    %dot_general3A_266 = tpu.matmul %add3A_261, %get3A_264, %dot_general3A_265 {dimension_numbers = #tpu.dot_dimension_numbers<[1], [0], [0], [1], [0, 0, 1, 1], [], []>, transpose_lhs_hint = false} : vector<400x256xf32>, vector<256x256xf32>, vector<400x256xf32> -> vector<400x256xf32>
    %get3A_267 = arith.constant 0 : index
    %get3A_268 = arith.constant 0 : index
    %get3A_269 = vector.load %arg7[%get3A_267, %get3A_268] : memref<1x256xf32, #tpu.memory_space<vmem>>, vector<1x256xf32>
    %get3A_270 = vector.shape_cast %get3A_269 : vector<1x256xf32> to vector<256xf32>
    %broadcast_in_dim3A_271 = vector.shape_cast %get3A_270 : vector<256xf32> to vector<1x256xf32>
    %add3A_272 = vector.broadcast %broadcast_in_dim3A_271 : vector<1x256xf32> to vector<400x256xf32>
    %add3A_273 = arith.addf %dot_general3A_266, %add3A_272 : vector<400x256xf32>
    %get3A_274 = arith.constant 2 : index
    %get3A_275 = arith.constant 0 : index
    %get3A_276 = vector.load %arg18[%get3A_274, %get3A_275] : memref<4x256xf32, #tpu.memory_space<vmem>>, vector<1x256xf32>
    %get3A_277 = vector.shape_cast %get3A_276 : vector<1x256xf32> to vector<256xf32>
    %broadcast_in_dim3A_278 = vector.shape_cast %get3A_277 : vector<256xf32> to vector<1x256xf32>
    %add3A_279 = vector.broadcast %broadcast_in_dim3A_278 : vector<1x256xf32> to vector<400x256xf32>
    %add3A_280 = arith.addf %add3A_273, %add3A_279 : vector<400x256xf32>
    %get3A_281 = arith.constant 0 : index
    %get3A_282 = arith.constant 0 : index
    %get3A_283 = vector.load %arg8[%get3A_281, %get3A_282] : memref<256x256xf32, #tpu.memory_space<vmem>>, vector<256x256xf32>
    %dot_general3A_284 = arith.constant dense<0.000000e+00> : vector<400x256xf32>
    %dot_general3A_285 = tpu.matmul %add3A_280, %get3A_283, %dot_general3A_284 {dimension_numbers = #tpu.dot_dimension_numbers<[1], [0], [0], [1], [0, 0, 1, 1], [], []>, transpose_lhs_hint = false} : vector<400x256xf32>, vector<256x256xf32>, vector<400x256xf32> -> vector<400x256xf32>
    %get3A_286 = arith.constant 0 : index
    %get3A_287 = arith.constant 0 : index
    %get3A_288 = vector.load %arg9[%get3A_286, %get3A_287] : memref<256x256xf32, #tpu.memory_space<vmem>>, vector<256x256xf32>
    %dot_general3A_289 = arith.constant dense<0.000000e+00> : vector<400x256xf32>
    %dot_general3A_290 = tpu.matmul %add3A_280, %get3A_288, %dot_general3A_289 {dimension_numbers = #tpu.dot_dimension_numbers<[1], [0], [0], [1], [0, 0, 1, 1], [], []>, transpose_lhs_hint = false} : vector<400x256xf32>, vector<256x256xf32>, vector<400x256xf32> -> vector<400x256xf32>
    %get3A_291 = arith.constant 0 : index
    %get3A_292 = arith.constant 0 : index
    %get3A_293 = vector.load %arg10[%get3A_291, %get3A_292] : memref<256x256xf32, #tpu.memory_space<vmem>>, vector<256x256xf32>
    %dot_general3A_294 = arith.constant dense<0.000000e+00> : vector<400x256xf32>
    %dot_general3A_295 = tpu.matmul %add3A_280, %get3A_293, %dot_general3A_294 {dimension_numbers = #tpu.dot_dimension_numbers<[1], [0], [0], [1], [0, 0, 1, 1], [], []>, transpose_lhs_hint = false} : vector<400x256xf32>, vector<256x256xf32>, vector<400x256xf32> -> vector<400x256xf32>
    %slice3A_296 = vector.extract_strided_slice %div3A_28 {offsets = [3, 0, 0], sizes = [1, 1, 128], strides = [1, 1, 1]} : vector<4x2x128xf32> to vector<1x1x128xf32>
    %squeeze3A_297 = vector.shape_cast %slice3A_296 : vector<1x1x128xf32> to vector<1x128xf32>
    %slice3A_298 = vector.extract_strided_slice %div3A_28 {offsets = [3, 0, 0], sizes = [1, 1, 128], strides = [1, 1, 1]} : vector<4x2x128xf32> to vector<1x1x128xf32>
    %squeeze3A_299 = vector.shape_cast %slice3A_298 : vector<1x1x128xf32> to vector<1x128xf32>
    %concatenate3A_300 = tpu.concatenate %squeeze3A_297, %squeeze3A_299 in 1 : vector<1x128xf32>, vector<1x128xf32> -> vector<1x256xf32>
    %slice3A_301 = vector.extract_strided_slice %div3A_28 {offsets = [3, 1, 0], sizes = [1, 1, 128], strides = [1, 1, 1]} : vector<4x2x128xf32> to vector<1x1x128xf32>
    %squeeze3A_302 = vector.shape_cast %slice3A_301 : vector<1x1x128xf32> to vector<1x128xf32>
    %slice3A_303 = vector.extract_strided_slice %div3A_28 {offsets = [3, 1, 0], sizes = [1, 1, 128], strides = [1, 1, 1]} : vector<4x2x128xf32> to vector<1x1x128xf32>
    %squeeze3A_304 = vector.shape_cast %slice3A_303 : vector<1x1x128xf32> to vector<1x128xf32>
    %concatenate3A_305 = tpu.concatenate %squeeze3A_302, %squeeze3A_304 in 1 : vector<1x128xf32>, vector<1x128xf32> -> vector<1x256xf32>
    %slice3A_306 = vector.extract_strided_slice %get3A_3 {offsets = [6, 0, 0, 0], sizes = [1, 1, 400, 128], strides = [1, 1, 1, 1]} : vector<8x2x400x128xf32> to vector<1x1x400x128xf32>
    %squeeze3A_307 = vector.shape_cast %slice3A_306 : vector<1x1x400x128xf32> to vector<400x128xf32>
    %slice3A_308 = vector.extract_strided_slice %get3A_3 {offsets = [6, 1, 0, 0], sizes = [1, 1, 400, 128], strides = [1, 1, 1, 1]} : vector<8x2x400x128xf32> to vector<1x1x400x128xf32>
    %squeeze3A_309 = vector.shape_cast %slice3A_308 : vector<1x1x400x128xf32> to vector<400x128xf32>
    %add3A_310 = arith.addf %squeeze3A_307, %squeeze3A_309 : vector<400x128xf32>
    %slice3A_311 = vector.extract_strided_slice %get3A_8 {offsets = [6, 0, 0, 0], sizes = [1, 1, 400, 128], strides = [1, 1, 1, 1]} : vector<8x2x400x128xf32> to vector<1x1x400x128xf32>
    %squeeze3A_312 = vector.shape_cast %slice3A_311 : vector<1x1x400x128xf32> to vector<400x128xf32>
    %slice3A_313 = vector.extract_strided_slice %get3A_8 {offsets = [6, 1, 0, 0], sizes = [1, 1, 400, 128], strides = [1, 1, 1, 1]} : vector<8x2x400x128xf32> to vector<1x1x400x128xf32>
    %squeeze3A_314 = vector.shape_cast %slice3A_313 : vector<1x1x400x128xf32> to vector<400x128xf32>
    %add3A_315 = arith.addf %squeeze3A_312, %squeeze3A_314 : vector<400x128xf32>
    %concatenate3A_316 = tpu.concatenate %add3A_310, %add3A_315 in 1 : vector<400x128xf32>, vector<400x128xf32> -> vector<400x256xf32>
    %slice3A_317 = vector.extract_strided_slice %get3A_13 {offsets = [6, 0, 0, 0], sizes = [1, 1, 400, 1], strides = [1, 1, 1, 1]} : vector<8x2x400x128xf32> to vector<1x1x400x1xf32>
    %squeeze3A_318 = vector.shape_cast %slice3A_317 : vector<1x1x400x1xf32> to vector<400x1xf32>
    %slice3A_319 = vector.extract_strided_slice %get3A_13 {offsets = [6, 1, 0, 0], sizes = [1, 1, 400, 1], strides = [1, 1, 1, 1]} : vector<8x2x400x128xf32> to vector<1x1x400x1xf32>
    %squeeze3A_320 = vector.shape_cast %slice3A_319 : vector<1x1x400x1xf32> to vector<400x1xf32>
    %add3A_321 = arith.addf %squeeze3A_318, %squeeze3A_320 : vector<400x1xf32>
    %add3A_322 = arith.constant 9.99999971E-10 : f32
    %add3A_323 = vector.broadcast %add3A_322 : f32 to vector<400x1xf32>
    %add3A_324 = arith.addf %add3A_321, %add3A_323 : vector<400x1xf32>
    %div3A_325 = vector.broadcast %add3A_324 : vector<400x1xf32> to vector<400x256xf32>
    %div3A_326 = arith.divf %concatenate3A_316, %div3A_325 : vector<400x256xf32>
    %mul3A_327 = vector.broadcast %concatenate3A_300 : vector<1x256xf32> to vector<400x256xf32>
    %mul3A_328 = arith.mulf %mul3A_327, %div3A_326 : vector<400x256xf32>
    %slice3A_329 = vector.extract_strided_slice %get3A_3 {offsets = [7, 0, 0, 0], sizes = [1, 1, 400, 128], strides = [1, 1, 1, 1]} : vector<8x2x400x128xf32> to vector<1x1x400x128xf32>
    %squeeze3A_330 = vector.shape_cast %slice3A_329 : vector<1x1x400x128xf32> to vector<400x128xf32>
    %slice3A_331 = vector.extract_strided_slice %get3A_3 {offsets = [7, 1, 0, 0], sizes = [1, 1, 400, 128], strides = [1, 1, 1, 1]} : vector<8x2x400x128xf32> to vector<1x1x400x128xf32>
    %squeeze3A_332 = vector.shape_cast %slice3A_331 : vector<1x1x400x128xf32> to vector<400x128xf32>
    %add3A_333 = arith.addf %squeeze3A_330, %squeeze3A_332 : vector<400x128xf32>
    %slice3A_334 = vector.extract_strided_slice %get3A_8 {offsets = [7, 0, 0, 0], sizes = [1, 1, 400, 128], strides = [1, 1, 1, 1]} : vector<8x2x400x128xf32> to vector<1x1x400x128xf32>
    %squeeze3A_335 = vector.shape_cast %slice3A_334 : vector<1x1x400x128xf32> to vector<400x128xf32>
    %slice3A_336 = vector.extract_strided_slice %get3A_8 {offsets = [7, 1, 0, 0], sizes = [1, 1, 400, 128], strides = [1, 1, 1, 1]} : vector<8x2x400x128xf32> to vector<1x1x400x128xf32>
    %squeeze3A_337 = vector.shape_cast %slice3A_336 : vector<1x1x400x128xf32> to vector<400x128xf32>
    %add3A_338 = arith.addf %squeeze3A_335, %squeeze3A_337 : vector<400x128xf32>
    %concatenate3A_339 = tpu.concatenate %add3A_333, %add3A_338 in 1 : vector<400x128xf32>, vector<400x128xf32> -> vector<400x256xf32>
    %slice3A_340 = vector.extract_strided_slice %get3A_13 {offsets = [7, 0, 0, 0], sizes = [1, 1, 400, 1], strides = [1, 1, 1, 1]} : vector<8x2x400x128xf32> to vector<1x1x400x1xf32>
    %squeeze3A_341 = vector.shape_cast %slice3A_340 : vector<1x1x400x1xf32> to vector<400x1xf32>
    %slice3A_342 = vector.extract_strided_slice %get3A_13 {offsets = [7, 1, 0, 0], sizes = [1, 1, 400, 1], strides = [1, 1, 1, 1]} : vector<8x2x400x128xf32> to vector<1x1x400x1xf32>
    %squeeze3A_343 = vector.shape_cast %slice3A_342 : vector<1x1x400x1xf32> to vector<400x1xf32>
    %add3A_344 = arith.addf %squeeze3A_341, %squeeze3A_343 : vector<400x1xf32>
    %add3A_345 = arith.constant 9.99999971E-10 : f32
    %add3A_346 = vector.broadcast %add3A_345 : f32 to vector<400x1xf32>
    %add3A_347 = arith.addf %add3A_344, %add3A_346 : vector<400x1xf32>
    %div3A_348 = vector.broadcast %add3A_347 : vector<400x1xf32> to vector<400x256xf32>
    %div3A_349 = arith.divf %concatenate3A_339, %div3A_348 : vector<400x256xf32>
    %mul3A_350 = vector.broadcast %concatenate3A_305 : vector<1x256xf32> to vector<400x256xf32>
    %mul3A_351 = arith.mulf %mul3A_350, %div3A_349 : vector<400x256xf32>
    %add3A_352 = arith.addf %mul3A_328, %mul3A_351 : vector<400x256xf32>
    %get3A_353 = arith.constant 0 : index
    %get3A_354 = arith.constant 0 : index
    %get3A_355 = vector.load %arg6[%get3A_353, %get3A_354] : memref<256x256xf32, #tpu.memory_space<vmem>>, vector<256x256xf32>
    %dot_general3A_356 = arith.constant dense<0.000000e+00> : vector<400x256xf32>
    %dot_general3A_357 = tpu.matmul %add3A_352, %get3A_355, %dot_general3A_356 {dimension_numbers = #tpu.dot_dimension_numbers<[1], [0], [0], [1], [0, 0, 1, 1], [], []>, transpose_lhs_hint = false} : vector<400x256xf32>, vector<256x256xf32>, vector<400x256xf32> -> vector<400x256xf32>
    %get3A_358 = arith.constant 0 : index
    %get3A_359 = arith.constant 0 : index
    %get3A_360 = vector.load %arg7[%get3A_358, %get3A_359] : memref<1x256xf32, #tpu.memory_space<vmem>>, vector<1x256xf32>
    %get3A_361 = vector.shape_cast %get3A_360 : vector<1x256xf32> to vector<256xf32>
    %broadcast_in_dim3A_362 = vector.shape_cast %get3A_361 : vector<256xf32> to vector<1x256xf32>
    %add3A_363 = vector.broadcast %broadcast_in_dim3A_362 : vector<1x256xf32> to vector<400x256xf32>
    %add3A_364 = arith.addf %dot_general3A_357, %add3A_363 : vector<400x256xf32>
    %get3A_365 = arith.constant 3 : index
    %get3A_366 = arith.constant 0 : index
    %get3A_367 = vector.load %arg18[%get3A_365, %get3A_366] : memref<4x256xf32, #tpu.memory_space<vmem>>, vector<1x256xf32>
    %get3A_368 = vector.shape_cast %get3A_367 : vector<1x256xf32> to vector<256xf32>
    %broadcast_in_dim3A_369 = vector.shape_cast %get3A_368 : vector<256xf32> to vector<1x256xf32>
    %add3A_370 = vector.broadcast %broadcast_in_dim3A_369 : vector<1x256xf32> to vector<400x256xf32>
    %add3A_371 = arith.addf %add3A_364, %add3A_370 : vector<400x256xf32>
    %get3A_372 = arith.constant 0 : index
    %get3A_373 = arith.constant 0 : index
    %get3A_374 = vector.load %arg8[%get3A_372, %get3A_373] : memref<256x256xf32, #tpu.memory_space<vmem>>, vector<256x256xf32>
    %dot_general3A_375 = arith.constant dense<0.000000e+00> : vector<400x256xf32>
    %dot_general3A_376 = tpu.matmul %add3A_371, %get3A_374, %dot_general3A_375 {dimension_numbers = #tpu.dot_dimension_numbers<[1], [0], [0], [1], [0, 0, 1, 1], [], []>, transpose_lhs_hint = false} : vector<400x256xf32>, vector<256x256xf32>, vector<400x256xf32> -> vector<400x256xf32>
    %get3A_377 = arith.constant 0 : index
    %get3A_378 = arith.constant 0 : index
    %get3A_379 = vector.load %arg9[%get3A_377, %get3A_378] : memref<256x256xf32, #tpu.memory_space<vmem>>, vector<256x256xf32>
    %dot_general3A_380 = arith.constant dense<0.000000e+00> : vector<400x256xf32>
    %dot_general3A_381 = tpu.matmul %add3A_371, %get3A_379, %dot_general3A_380 {dimension_numbers = #tpu.dot_dimension_numbers<[1], [0], [0], [1], [0, 0, 1, 1], [], []>, transpose_lhs_hint = false} : vector<400x256xf32>, vector<256x256xf32>, vector<400x256xf32> -> vector<400x256xf32>
    %get3A_382 = arith.constant 0 : index
    %get3A_383 = arith.constant 0 : index
    %get3A_384 = vector.load %arg10[%get3A_382, %get3A_383] : memref<256x256xf32, #tpu.memory_space<vmem>>, vector<256x256xf32>
    %dot_general3A_385 = arith.constant dense<0.000000e+00> : vector<400x256xf32>
    %dot_general3A_386 = tpu.matmul %add3A_371, %get3A_384, %dot_general3A_385 {dimension_numbers = #tpu.dot_dimension_numbers<[1], [0], [0], [1], [0, 0, 1, 1], [], []>, transpose_lhs_hint = false} : vector<400x256xf32>, vector<256x256xf32>, vector<400x256xf32> -> vector<400x256xf32>
    %get3A_387 = arith.constant 0 : index
    %get3A_388 = arith.constant 0 : index
    %get3A_389 = vector.load %arg15[%get3A_387, %get3A_388] : memref<1x128xf32, #tpu.memory_space<vmem>>, vector<1x1xf32>
    %get3A_390 = vector.extract %get3A_389[0, 0] : f32 from vector<1x1xf32>
    %neg3A = arith.constant 0.000000e+00 : f32
    %neg3A_391 = arith.subf %neg3A, %get3A_390 : f32
    %exp3A_392 = math.exp %neg3A_391 : f32
    %add3A_393 = arith.constant 1.000000e+00 : f32
    %add3A_394 = arith.addf %add3A_393, %exp3A_392 : f32
    %div3A_395 = arith.constant 1.000000e+00 : f32
    %div3A_396 = arith.divf %div3A_395, %add3A_394 : f32
    %mul3A_397 = arith.mulf %dot_general3A_103, %dot_general3A_108 : vector<400x256xf32>
    %reduce_sum3A_398 = arith.constant dense<0.000000e+00> : vector<400xf32>
    %reduce_sum3A_399 = vector.multi_reduction <add>, %mul3A_397, %reduce_sum3A_398 [1] : vector<400x256xf32> to vector<400xf32>
    %broadcast_in_dim3A_400 = vector.shape_cast %reduce_sum3A_399 : vector<400xf32> to vector<400x1xf32>
    %mul3A_401 = arith.mulf %dot_general3A_103, %dot_general3A_199 : vector<400x256xf32>
    %reduce_sum3A_402 = arith.constant dense<0.000000e+00> : vector<400xf32>
    %reduce_sum3A_403 = vector.multi_reduction <add>, %mul3A_401, %reduce_sum3A_402 [1] : vector<400x256xf32> to vector<400xf32>
    %broadcast_in_dim3A_404 = vector.shape_cast %reduce_sum3A_403 : vector<400xf32> to vector<400x1xf32>
    %mul3A_405 = arith.mulf %dot_general3A_103, %dot_general3A_290 : vector<400x256xf32>
    %reduce_sum3A_406 = arith.constant dense<0.000000e+00> : vector<400xf32>
    %reduce_sum3A_407 = vector.multi_reduction <add>, %mul3A_405, %reduce_sum3A_406 [1] : vector<400x256xf32> to vector<400xf32>
    %broadcast_in_dim3A_408 = vector.shape_cast %reduce_sum3A_407 : vector<400xf32> to vector<400x1xf32>
    %mul3A_409 = arith.mulf %dot_general3A_103, %dot_general3A_381 : vector<400x256xf32>
    %reduce_sum3A_410 = arith.constant dense<0.000000e+00> : vector<400xf32>
    %reduce_sum3A_411 = vector.multi_reduction <add>, %mul3A_409, %reduce_sum3A_410 [1] : vector<400x256xf32> to vector<400xf32>
    %broadcast_in_dim3A_412 = vector.shape_cast %reduce_sum3A_411 : vector<400xf32> to vector<400x1xf32>
    %concatenate3A_413 = tpu.concatenate %broadcast_in_dim3A_400, %broadcast_in_dim3A_404, %broadcast_in_dim3A_408, %broadcast_in_dim3A_412 in 1 : vector<400x1xf32>, vector<400x1xf32>, vector<400x1xf32>, vector<400x1xf32> -> vector<400x4xf32>
    %reduce_max3A_414 = arith.constant dense<0xFF800000> : vector<400xf32>
    %reduce_max3A_415 = vector.multi_reduction <maximumf>, %concatenate3A_413, %reduce_max3A_414 [1] : vector<400x4xf32> to vector<400xf32>
    %broadcast_in_dim3A_416 = vector.shape_cast %reduce_max3A_415 : vector<400xf32> to vector<400x1xf32>
    %sub3A_417 = vector.broadcast %broadcast_in_dim3A_416 : vector<400x1xf32> to vector<400x4xf32>
    %sub3A_418 = arith.subf %concatenate3A_413, %sub3A_417 : vector<400x4xf32>
    %exp3A_419 = math.exp %sub3A_418 : vector<400x4xf32>
    %reduce_sum3A_420 = arith.constant dense<0.000000e+00> : vector<400xf32>
    %reduce_sum3A_421 = vector.multi_reduction <add>, %exp3A_419, %reduce_sum3A_420 [1] : vector<400x4xf32> to vector<400xf32>
    %broadcast_in_dim3A_422 = vector.shape_cast %reduce_sum3A_421 : vector<400xf32> to vector<400x1xf32>
    %div3A_423 = vector.broadcast %broadcast_in_dim3A_422 : vector<400x1xf32> to vector<400x4xf32>
    %div3A_424 = arith.divf %exp3A_419, %div3A_423 : vector<400x4xf32>
    %slice3A_425 = vector.extract_strided_slice %div3A_424 {offsets = [0, 0], sizes = [400, 1], strides = [1, 1]} : vector<400x4xf32> to vector<400x1xf32>
    %mul3A_426 = vector.broadcast %slice3A_425 : vector<400x1xf32> to vector<400x256xf32>
    %mul3A_427 = arith.mulf %mul3A_426, %dot_general3A_113 : vector<400x256xf32>
    %add3A_428 = arith.constant 0.000000e+00 : f32
    %add3A_429 = vector.broadcast %add3A_428 : f32 to vector<400x256xf32>
    %add3A_430 = arith.addf %add3A_429, %mul3A_427 : vector<400x256xf32>
    %slice3A_431 = vector.extract_strided_slice %div3A_424 {offsets = [0, 1], sizes = [400, 1], strides = [1, 1]} : vector<400x4xf32> to vector<400x1xf32>
    %mul3A_432 = vector.broadcast %slice3A_431 : vector<400x1xf32> to vector<400x256xf32>
    %mul3A_433 = arith.mulf %mul3A_432, %dot_general3A_204 : vector<400x256xf32>
    %add3A_434 = arith.addf %add3A_430, %mul3A_433 : vector<400x256xf32>
    %slice3A_435 = vector.extract_strided_slice %div3A_424 {offsets = [0, 2], sizes = [400, 1], strides = [1, 1]} : vector<400x4xf32> to vector<400x1xf32>
    %mul3A_436 = vector.broadcast %slice3A_435 : vector<400x1xf32> to vector<400x256xf32>
    %mul3A_437 = arith.mulf %mul3A_436, %dot_general3A_295 : vector<400x256xf32>
    %add3A_438 = arith.addf %add3A_434, %mul3A_437 : vector<400x256xf32>
    %slice3A_439 = vector.extract_strided_slice %div3A_424 {offsets = [0, 3], sizes = [400, 1], strides = [1, 1]} : vector<400x4xf32> to vector<400x1xf32>
    %mul3A_440 = vector.broadcast %slice3A_439 : vector<400x1xf32> to vector<400x256xf32>
    %mul3A_441 = arith.mulf %mul3A_440, %dot_general3A_386 : vector<400x256xf32>
    %add3A_442 = arith.addf %add3A_438, %mul3A_441 : vector<400x256xf32>
    %get3A_443 = arith.constant 0 : index
    %get3A_444 = arith.constant 0 : index
    %get3A_445 = vector.load %arg11[%get3A_443, %get3A_444] : memref<256x256xf32, #tpu.memory_space<vmem>>, vector<256x256xf32>
    %dot_general3A_446 = arith.constant dense<0.000000e+00> : vector<400x256xf32>
    %dot_general3A_447 = tpu.matmul %add3A_442, %get3A_445, %dot_general3A_446 {dimension_numbers = #tpu.dot_dimension_numbers<[1], [0], [0], [1], [0, 0, 1, 1], [], []>, transpose_lhs_hint = false} : vector<400x256xf32>, vector<256x256xf32>, vector<400x256xf32> -> vector<400x256xf32>
    %get3A_448 = arith.constant 0 : index
    %get3A_449 = arith.constant 0 : index
    %get3A_450 = vector.load %arg12[%get3A_448, %get3A_449] : memref<1x256xf32, #tpu.memory_space<vmem>>, vector<1x256xf32>
    %get3A_451 = vector.shape_cast %get3A_450 : vector<1x256xf32> to vector<256xf32>
    %broadcast_in_dim3A_452 = vector.shape_cast %get3A_451 : vector<256xf32> to vector<1x256xf32>
    %add3A_453 = vector.broadcast %broadcast_in_dim3A_452 : vector<1x256xf32> to vector<400x256xf32>
    %add3A_454 = arith.addf %dot_general3A_447, %add3A_453 : vector<400x256xf32>
    %max3A = arith.constant 0.000000e+00 : f32
    %max3A_455 = vector.broadcast %max3A : f32 to vector<400x256xf32>
    %max3A_456 = arith.maximumf %add3A_454, %max3A_455 : vector<400x256xf32>
    %get3A_457 = arith.constant 0 : index
    %get3A_458 = arith.constant 0 : index
    %get3A_459 = arith.constant 0 : index
    %get3A_460 = vector.load %arg5[%get3A_457, %get3A_458, %get3A_459] : memref<4x400x256xf32, #tpu.memory_space<vmem>>, vector<1x400x256xf32>
    %get3A_461 = vector.shape_cast %get3A_460 : vector<1x400x256xf32> to vector<400x256xf32>
    %get3A_462 = arith.constant 0 : index
    %get3A_463 = arith.constant 0 : index
    %get3A_464 = vector.load %arg13[%get3A_462, %get3A_463] : memref<256x256xf32, #tpu.memory_space<vmem>>, vector<256x256xf32>
    %dot_general3A_465 = arith.constant dense<0.000000e+00> : vector<400x256xf32>
    %dot_general3A_466 = tpu.matmul %get3A_461, %get3A_464, %dot_general3A_465 {dimension_numbers = #tpu.dot_dimension_numbers<[1], [0], [0], [1], [0, 0, 1, 1], [], []>, transpose_lhs_hint = false} : vector<400x256xf32>, vector<256x256xf32>, vector<400x256xf32> -> vector<400x256xf32>
    %get3A_467 = arith.constant 0 : index
    %get3A_468 = arith.constant 0 : index
    %get3A_469 = vector.load %arg14[%get3A_467, %get3A_468] : memref<1x256xf32, #tpu.memory_space<vmem>>, vector<1x256xf32>
    %get3A_470 = vector.shape_cast %get3A_469 : vector<1x256xf32> to vector<256xf32>
    %broadcast_in_dim3A_471 = vector.shape_cast %get3A_470 : vector<256xf32> to vector<1x256xf32>
    %add3A_472 = vector.broadcast %broadcast_in_dim3A_471 : vector<1x256xf32> to vector<400x256xf32>
    %add3A_473 = arith.addf %dot_general3A_466, %add3A_472 : vector<400x256xf32>
    %mul3A_474 = vector.broadcast %div3A_396 : f32 to vector<400x256xf32>
    %mul3A_475 = arith.mulf %max3A_456, %mul3A_474 : vector<400x256xf32>
    %sub3A_476 = arith.constant 1.000000e+00 : f32
    %sub3A_477 = arith.subf %sub3A_476, %div3A_396 : f32
    %mul3A_478 = vector.broadcast %sub3A_477 : f32 to vector<400x256xf32>
    %mul3A_479 = arith.mulf %add3A_473, %mul3A_478 : vector<400x256xf32>
    %add3A_480 = arith.addf %mul3A_475, %mul3A_479 : vector<400x256xf32>
    %reduce_sum3A_481 = arith.constant dense<0.000000e+00> : vector<400xf32>
    %reduce_sum3A_482 = vector.multi_reduction <add>, %add3A_480, %reduce_sum3A_481 [1] : vector<400x256xf32> to vector<400xf32>
    %broadcast_in_dim3A_483 = vector.shape_cast %reduce_sum3A_482 : vector<400xf32> to vector<400x1xf32>
    %div3A_484 = arith.constant 2.560000e+02 : f32
    %div3A_485 = vector.broadcast %div3A_484 : f32 to vector<400x1xf32>
    %div3A_486 = arith.divf %broadcast_in_dim3A_483, %div3A_485 : vector<400x1xf32>
    %sub3A_487 = vector.broadcast %div3A_486 : vector<400x1xf32> to vector<400x256xf32>
    %sub3A_488 = arith.subf %add3A_480, %sub3A_487 : vector<400x256xf32>
    %sub3A_489 = vector.broadcast %div3A_486 : vector<400x1xf32> to vector<400x256xf32>
    %sub3A_490 = arith.subf %add3A_480, %sub3A_489 : vector<400x256xf32>
    %mul3A_491 = arith.mulf %sub3A_488, %sub3A_490 : vector<400x256xf32>
    %reduce_sum3A_492 = arith.constant dense<0.000000e+00> : vector<400xf32>
    %reduce_sum3A_493 = vector.multi_reduction <add>, %mul3A_491, %reduce_sum3A_492 [1] : vector<400x256xf32> to vector<400xf32>
    %broadcast_in_dim3A_494 = vector.shape_cast %reduce_sum3A_493 : vector<400xf32> to vector<400x1xf32>
    %div3A_495 = arith.constant 2.560000e+02 : f32
    %div3A_496 = vector.broadcast %div3A_495 : f32 to vector<400x1xf32>
    %div3A_497 = arith.divf %broadcast_in_dim3A_494, %div3A_496 : vector<400x1xf32>
    %sub3A_498 = vector.broadcast %div3A_486 : vector<400x1xf32> to vector<400x256xf32>
    %sub3A_499 = arith.subf %add3A_480, %sub3A_498 : vector<400x256xf32>
    %add3A_500 = arith.constant 9.99999974E-6 : f32
    %add3A_501 = vector.broadcast %add3A_500 : f32 to vector<400x1xf32>
    %add3A_502 = arith.addf %div3A_497, %add3A_501 : vector<400x1xf32>
    %sqrt3A = math.sqrt %add3A_502 : vector<400x1xf32>
    %div3A_503 = vector.broadcast %sqrt3A : vector<400x1xf32> to vector<400x256xf32>
    %div3A_504 = arith.divf %sub3A_499, %div3A_503 : vector<400x256xf32>
    %get3A_505 = arith.constant 0 : index
    %get3A_506 = arith.constant 0 : index
    %get3A_507 = vector.load %arg16[%get3A_505, %get3A_506] : memref<1x256xf32, #tpu.memory_space<vmem>>, vector<1x256xf32>
    %get3A_508 = vector.shape_cast %get3A_507 : vector<1x256xf32> to vector<256xf32>
    %broadcast_in_dim3A_509 = vector.shape_cast %get3A_508 : vector<256xf32> to vector<1x256xf32>
    %mul3A_510 = vector.broadcast %broadcast_in_dim3A_509 : vector<1x256xf32> to vector<400x256xf32>
    %mul3A_511 = arith.mulf %div3A_504, %mul3A_510 : vector<400x256xf32>
    %get3A_512 = arith.constant 0 : index
    %get3A_513 = arith.constant 0 : index
    %get3A_514 = vector.load %arg17[%get3A_512, %get3A_513] : memref<1x256xf32, #tpu.memory_space<vmem>>, vector<1x256xf32>
    %get3A_515 = vector.shape_cast %get3A_514 : vector<1x256xf32> to vector<256xf32>
    %broadcast_in_dim3A_516 = vector.shape_cast %get3A_515 : vector<256xf32> to vector<1x256xf32>
    %add3A_517 = vector.broadcast %broadcast_in_dim3A_516 : vector<1x256xf32> to vector<400x256xf32>
    %add3A_518 = arith.addf %mul3A_511, %add3A_517 : vector<400x256xf32>
    %swap3A = arith.constant 0 : index
    %swap3A_519 = arith.constant 0 : index
    %swap3A_520 = arith.constant 0 : index
    %swap3A_521 = vector.load %arg19[%swap3A, %swap3A_519, %swap3A_520] : memref<4x400x256xf32, #tpu.memory_space<vmem>>, vector<1x400x256xf32>
    %swap3A_522 = vector.shape_cast %swap3A_521 : vector<1x400x256xf32> to vector<400x256xf32>
    %swap3A_523 = vector.shape_cast %add3A_518 : vector<400x256xf32> to vector<1x400x256xf32>
    tpu.vector_store %arg19[%swap3A, %swap3A_519, %swap3A_520], %swap3A_523 {strides = array<i32>} : memref<4x400x256xf32, #tpu.memory_space<vmem>>, vector<1x400x256xf32>,
    %mul3A_524 = arith.mulf %dot_general3A_194, %dot_general3A_108 : vector<400x256xf32>
    %reduce_sum3A_525 = arith.constant dense<0.000000e+00> : vector<400xf32>
    %reduce_sum3A_526 = vector.multi_reduction <add>, %mul3A_524, %reduce_sum3A_525 [1] : vector<400x256xf32> to vector<400xf32>
    %broadcast_in_dim3A_527 = vector.shape_cast %reduce_sum3A_526 : vector<400xf32> to vector<400x1xf32>
    %mul3A_528 = arith.mulf %dot_general3A_194, %dot_general3A_199 : vector<400x256xf32>
    %reduce_sum3A_529 = arith.constant dense<0.000000e+00> : vector<400xf32>
    %reduce_sum3A_530 = vector.multi_reduction <add>, %mul3A_528, %reduce_sum3A_529 [1] : vector<400x256xf32> to vector<400xf32>
    %broadcast_in_dim3A_531 = vector.shape_cast %reduce_sum3A_530 : vector<400xf32> to vector<400x1xf32>
    %mul3A_532 = arith.mulf %dot_general3A_194, %dot_general3A_290 : vector<400x256xf32>
    %reduce_sum3A_533 = arith.constant dense<0.000000e+00> : vector<400xf32>
    %reduce_sum3A_534 = vector.multi_reduction <add>, %mul3A_532, %reduce_sum3A_533 [1] : vector<400x256xf32> to vector<400xf32>
    %broadcast_in_dim3A_535 = vector.shape_cast %reduce_sum3A_534 : vector<400xf32> to vector<400x1xf32>
    %mul3A_536 = arith.mulf %dot_general3A_194, %dot_general3A_381 : vector<400x256xf32>
    %reduce_sum3A_537 = arith.constant dense<0.000000e+00> : vector<400xf32>
    %reduce_sum3A_538 = vector.multi_reduction <add>, %mul3A_536, %reduce_sum3A_537 [1] : vector<400x256xf32> to vector<400xf32>
    %broadcast_in_dim3A_539 = vector.shape_cast %reduce_sum3A_538 : vector<400xf32> to vector<400x1xf32>
    %concatenate3A_540 = tpu.concatenate %broadcast_in_dim3A_527, %broadcast_in_dim3A_531, %broadcast_in_dim3A_535, %broadcast_in_dim3A_539 in 1 : vector<400x1xf32>, vector<400x1xf32>, vector<400x1xf32>, vector<400x1xf32> -> vector<400x4xf32>
    %reduce_max3A_541 = arith.constant dense<0xFF800000> : vector<400xf32>
    %reduce_max3A_542 = vector.multi_reduction <maximumf>, %concatenate3A_540, %reduce_max3A_541 [1] : vector<400x4xf32> to vector<400xf32>
    %broadcast_in_dim3A_543 = vector.shape_cast %reduce_max3A_542 : vector<400xf32> to vector<400x1xf32>
    %sub3A_544 = vector.broadcast %broadcast_in_dim3A_543 : vector<400x1xf32> to vector<400x4xf32>
    %sub3A_545 = arith.subf %concatenate3A_540, %sub3A_544 : vector<400x4xf32>
    %exp3A_546 = math.exp %sub3A_545 : vector<400x4xf32>
    %reduce_sum3A_547 = arith.constant dense<0.000000e+00> : vector<400xf32>
    %reduce_sum3A_548 = vector.multi_reduction <add>, %exp3A_546, %reduce_sum3A_547 [1] : vector<400x4xf32> to vector<400xf32>
    %broadcast_in_dim3A_549 = vector.shape_cast %reduce_sum3A_548 : vector<400xf32> to vector<400x1xf32>
    %div3A_550 = vector.broadcast %broadcast_in_dim3A_549 : vector<400x1xf32> to vector<400x4xf32>
    %div3A_551 = arith.divf %exp3A_546, %div3A_550 : vector<400x4xf32>
    %slice3A_552 = vector.extract_strided_slice %div3A_551 {offsets = [0, 0], sizes = [400, 1], strides = [1, 1]} : vector<400x4xf32> to vector<400x1xf32>
    %mul3A_553 = vector.broadcast %slice3A_552 : vector<400x1xf32> to vector<400x256xf32>
    %mul3A_554 = arith.mulf %mul3A_553, %dot_general3A_113 : vector<400x256xf32>
    %add3A_555 = arith.constant 0.000000e+00 : f32
    %add3A_556 = vector.broadcast %add3A_555 : f32 to vector<400x256xf32>
    %add3A_557 = arith.addf %add3A_556, %mul3A_554 : vector<400x256xf32>
    %slice3A_558 = vector.extract_strided_slice %div3A_551 {offsets = [0, 1], sizes = [400, 1], strides = [1, 1]} : vector<400x4xf32> to vector<400x1xf32>
    %mul3A_559 = vector.broadcast %slice3A_558 : vector<400x1xf32> to vector<400x256xf32>
    %mul3A_560 = arith.mulf %mul3A_559, %dot_general3A_204 : vector<400x256xf32>
    %add3A_561 = arith.addf %add3A_557, %mul3A_560 : vector<400x256xf32>
    %slice3A_562 = vector.extract_strided_slice %div3A_551 {offsets = [0, 2], sizes = [400, 1], strides = [1, 1]} : vector<400x4xf32> to vector<400x1xf32>
    %mul3A_563 = vector.broadcast %slice3A_562 : vector<400x1xf32> to vector<400x256xf32>
    %mul3A_564 = arith.mulf %mul3A_563, %dot_general3A_295 : vector<400x256xf32>
    %add3A_565 = arith.addf %add3A_561, %mul3A_564 : vector<400x256xf32>
    %slice3A_566 = vector.extract_strided_slice %div3A_551 {offsets = [0, 3], sizes = [400, 1], strides = [1, 1]} : vector<400x4xf32> to vector<400x1xf32>
    %mul3A_567 = vector.broadcast %slice3A_566 : vector<400x1xf32> to vector<400x256xf32>
    %mul3A_568 = arith.mulf %mul3A_567, %dot_general3A_386 : vector<400x256xf32>
    %add3A_569 = arith.addf %add3A_565, %mul3A_568 : vector<400x256xf32>
    %get3A_570 = arith.constant 0 : index
    %get3A_571 = arith.constant 0 : index
    %get3A_572 = vector.load %arg11[%get3A_570, %get3A_571] : memref<256x256xf32, #tpu.memory_space<vmem>>, vector<256x256xf32>
    %dot_general3A_573 = arith.constant dense<0.000000e+00> : vector<400x256xf32>
    %dot_general3A_574 = tpu.matmul %add3A_569, %get3A_572, %dot_general3A_573 {dimension_numbers = #tpu.dot_dimension_numbers<[1], [0], [0], [1], [0, 0, 1, 1], [], []>, transpose_lhs_hint = false} : vector<400x256xf32>, vector<256x256xf32>, vector<400x256xf32> -> vector<400x256xf32>
    %get3A_575 = arith.constant 0 : index
    %get3A_576 = arith.constant 0 : index
    %get3A_577 = vector.load %arg12[%get3A_575, %get3A_576] : memref<1x256xf32, #tpu.memory_space<vmem>>, vector<1x256xf32>
    %get3A_578 = vector.shape_cast %get3A_577 : vector<1x256xf32> to vector<256xf32>
    %broadcast_in_dim3A_579 = vector.shape_cast %get3A_578 : vector<256xf32> to vector<1x256xf32>
    %add3A_580 = vector.broadcast %broadcast_in_dim3A_579 : vector<1x256xf32> to vector<400x256xf32>
    %add3A_581 = arith.addf %dot_general3A_574, %add3A_580 : vector<400x256xf32>
    %max3A_582 = arith.constant 0.000000e+00 : f32
    %max3A_583 = vector.broadcast %max3A_582 : f32 to vector<400x256xf32>
    %max3A_584 = arith.maximumf %add3A_581, %max3A_583 : vector<400x256xf32>
    %get3A_585 = arith.constant 1 : index
    %get3A_586 = arith.constant 0 : index
    %get3A_587 = arith.constant 0 : index
    %get3A_588 = vector.load %arg5[%get3A_585, %get3A_586, %get3A_587] : memref<4x400x256xf32, #tpu.memory_space<vmem>>, vector<1x400x256xf32>
    %get3A_589 = vector.shape_cast %get3A_588 : vector<1x400x256xf32> to vector<400x256xf32>
    %get3A_590 = arith.constant 0 : index
    %get3A_591 = arith.constant 0 : index
    %get3A_592 = vector.load %arg13[%get3A_590, %get3A_591] : memref<256x256xf32, #tpu.memory_space<vmem>>, vector<256x256xf32>
    %dot_general3A_593 = arith.constant dense<0.000000e+00> : vector<400x256xf32>
    %dot_general3A_594 = tpu.matmul %get3A_589, %get3A_592, %dot_general3A_593 {dimension_numbers = #tpu.dot_dimension_numbers<[1], [0], [0], [1], [0, 0, 1, 1], [], []>, transpose_lhs_hint = false} : vector<400x256xf32>, vector<256x256xf32>, vector<400x256xf32> -> vector<400x256xf32>
    %get3A_595 = arith.constant 0 : index
    %get3A_596 = arith.constant 0 : index
    %get3A_597 = vector.load %arg14[%get3A_595, %get3A_596] : memref<1x256xf32, #tpu.memory_space<vmem>>, vector<1x256xf32>
    %get3A_598 = vector.shape_cast %get3A_597 : vector<1x256xf32> to vector<256xf32>
    %broadcast_in_dim3A_599 = vector.shape_cast %get3A_598 : vector<256xf32> to vector<1x256xf32>
    %add3A_600 = vector.broadcast %broadcast_in_dim3A_599 : vector<1x256xf32> to vector<400x256xf32>
    %add3A_601 = arith.addf %dot_general3A_594, %add3A_600 : vector<400x256xf32>
    %mul3A_602 = vector.broadcast %div3A_396 : f32 to vector<400x256xf32>
    %mul3A_603 = arith.mulf %max3A_584, %mul3A_602 : vector<400x256xf32>
    %sub3A_604 = arith.constant 1.000000e+00 : f32
    %sub3A_605 = arith.subf %sub3A_604, %div3A_396 : f32
    %mul3A_606 = vector.broadcast %sub3A_605 : f32 to vector<400x256xf32>
    %mul3A_607 = arith.mulf %add3A_601, %mul3A_606 : vector<400x256xf32>
    %add3A_608 = arith.addf %mul3A_603, %mul3A_607 : vector<400x256xf32>
    %reduce_sum3A_609 = arith.constant dense<0.000000e+00> : vector<400xf32>
    %reduce_sum3A_610 = vector.multi_reduction <add>, %add3A_608, %reduce_sum3A_609 [1] : vector<400x256xf32> to vector<400xf32>
    %broadcast_in_dim3A_611 = vector.shape_cast %reduce_sum3A_610 : vector<400xf32> to vector<400x1xf32>
    %div3A_612 = arith.constant 2.560000e+02 : f32
    %div3A_613 = vector.broadcast %div3A_612 : f32 to vector<400x1xf32>
    %div3A_614 = arith.divf %broadcast_in_dim3A_611, %div3A_613 : vector<400x1xf32>
    %sub3A_615 = vector.broadcast %div3A_614 : vector<400x1xf32> to vector<400x256xf32>
    %sub3A_616 = arith.subf %add3A_608, %sub3A_615 : vector<400x256xf32>
    %sub3A_617 = vector.broadcast %div3A_614 : vector<400x1xf32> to vector<400x256xf32>
    %sub3A_618 = arith.subf %add3A_608, %sub3A_617 : vector<400x256xf32>
    %mul3A_619 = arith.mulf %sub3A_616, %sub3A_618 : vector<400x256xf32>
    %reduce_sum3A_620 = arith.constant dense<0.000000e+00> : vector<400xf32>
    %reduce_sum3A_621 = vector.multi_reduction <add>, %mul3A_619, %reduce_sum3A_620 [1] : vector<400x256xf32> to vector<400xf32>
    %broadcast_in_dim3A_622 = vector.shape_cast %reduce_sum3A_621 : vector<400xf32> to vector<400x1xf32>
    %div3A_623 = arith.constant 2.560000e+02 : f32
    %div3A_624 = vector.broadcast %div3A_623 : f32 to vector<400x1xf32>
    %div3A_625 = arith.divf %broadcast_in_dim3A_622, %div3A_624 : vector<400x1xf32>
    %sub3A_626 = vector.broadcast %div3A_614 : vector<400x1xf32> to vector<400x256xf32>
    %sub3A_627 = arith.subf %add3A_608, %sub3A_626 : vector<400x256xf32>
    %add3A_628 = arith.constant 9.99999974E-6 : f32
    %add3A_629 = vector.broadcast %add3A_628 : f32 to vector<400x1xf32>
    %add3A_630 = arith.addf %div3A_625, %add3A_629 : vector<400x1xf32>
    %sqrt3A_631 = math.sqrt %add3A_630 : vector<400x1xf32>
    %div3A_632 = vector.broadcast %sqrt3A_631 : vector<400x1xf32> to vector<400x256xf32>
    %div3A_633 = arith.divf %sub3A_627, %div3A_632 : vector<400x256xf32>
    %get3A_634 = arith.constant 0 : index
    %get3A_635 = arith.constant 0 : index
    %get3A_636 = vector.load %arg16[%get3A_634, %get3A_635] : memref<1x256xf32, #tpu.memory_space<vmem>>, vector<1x256xf32>
    %get3A_637 = vector.shape_cast %get3A_636 : vector<1x256xf32> to vector<256xf32>
    %broadcast_in_dim3A_638 = vector.shape_cast %get3A_637 : vector<256xf32> to vector<1x256xf32>
    %mul3A_639 = vector.broadcast %broadcast_in_dim3A_638 : vector<1x256xf32> to vector<400x256xf32>
    %mul3A_640 = arith.mulf %div3A_633, %mul3A_639 : vector<400x256xf32>
    %get3A_641 = arith.constant 0 : index
    %get3A_642 = arith.constant 0 : index
    %get3A_643 = vector.load %arg17[%get3A_641, %get3A_642] : memref<1x256xf32, #tpu.memory_space<vmem>>, vector<1x256xf32>
    %get3A_644 = vector.shape_cast %get3A_643 : vector<1x256xf32> to vector<256xf32>
    %broadcast_in_dim3A_645 = vector.shape_cast %get3A_644 : vector<256xf32> to vector<1x256xf32>
    %add3A_646 = vector.broadcast %broadcast_in_dim3A_645 : vector<1x256xf32> to vector<400x256xf32>
    %add3A_647 = arith.addf %mul3A_640, %add3A_646 : vector<400x256xf32>
    %swap3A_648 = arith.constant 1 : index
    %swap3A_649 = arith.constant 0 : index
    %swap3A_650 = arith.constant 0 : index
    %swap3A_651 = vector.load %arg19[%swap3A_648, %swap3A_649, %swap3A_650] : memref<4x400x256xf32, #tpu.memory_space<vmem>>, vector<1x400x256xf32>
    %swap3A_652 = vector.shape_cast %swap3A_651 : vector<1x400x256xf32> to vector<400x256xf32>
    %swap3A_653 = vector.shape_cast %add3A_647 : vector<400x256xf32> to vector<1x400x256xf32>
    tpu.vector_store %arg19[%swap3A_648, %swap3A_649, %swap3A_650], %swap3A_653 {strides = array<i32>} : memref<4x400x256xf32, #tpu.memory_space<vmem>>, vector<1x400x256xf32>,
    %mul3A_654 = arith.mulf %dot_general3A_285, %dot_general3A_108 : vector<400x256xf32>
    %reduce_sum3A_655 = arith.constant dense<0.000000e+00> : vector<400xf32>
    %reduce_sum3A_656 = vector.multi_reduction <add>, %mul3A_654, %reduce_sum3A_655 [1] : vector<400x256xf32> to vector<400xf32>
    %broadcast_in_dim3A_657 = vector.shape_cast %reduce_sum3A_656 : vector<400xf32> to vector<400x1xf32>
    %mul3A_658 = arith.mulf %dot_general3A_285, %dot_general3A_199 : vector<400x256xf32>
    %reduce_sum3A_659 = arith.constant dense<0.000000e+00> : vector<400xf32>
    %reduce_sum3A_660 = vector.multi_reduction <add>, %mul3A_658, %reduce_sum3A_659 [1] : vector<400x256xf32> to vector<400xf32>
    %broadcast_in_dim3A_661 = vector.shape_cast %reduce_sum3A_660 : vector<400xf32> to vector<400x1xf32>
    %mul3A_662 = arith.mulf %dot_general3A_285, %dot_general3A_290 : vector<400x256xf32>
    %reduce_sum3A_663 = arith.constant dense<0.000000e+00> : vector<400xf32>
    %reduce_sum3A_664 = vector.multi_reduction <add>, %mul3A_662, %reduce_sum3A_663 [1] : vector<400x256xf32> to vector<400xf32>
    %broadcast_in_dim3A_665 = vector.shape_cast %reduce_sum3A_664 : vector<400xf32> to vector<400x1xf32>
    %mul3A_666 = arith.mulf %dot_general3A_285, %dot_general3A_381 : vector<400x256xf32>
    %reduce_sum3A_667 = arith.constant dense<0.000000e+00> : vector<400xf32>
    %reduce_sum3A_668 = vector.multi_reduction <add>, %mul3A_666, %reduce_sum3A_667 [1] : vector<400x256xf32> to vector<400xf32>
    %broadcast_in_dim3A_669 = vector.shape_cast %reduce_sum3A_668 : vector<400xf32> to vector<400x1xf32>
    %concatenate3A_670 = tpu.concatenate %broadcast_in_dim3A_657, %broadcast_in_dim3A_661, %broadcast_in_dim3A_665, %broadcast_in_dim3A_669 in 1 : vector<400x1xf32>, vector<400x1xf32>, vector<400x1xf32>, vector<400x1xf32> -> vector<400x4xf32>
    %reduce_max3A_671 = arith.constant dense<0xFF800000> : vector<400xf32>
    %reduce_max3A_672 = vector.multi_reduction <maximumf>, %concatenate3A_670, %reduce_max3A_671 [1] : vector<400x4xf32> to vector<400xf32>
    %broadcast_in_dim3A_673 = vector.shape_cast %reduce_max3A_672 : vector<400xf32> to vector<400x1xf32>
    %sub3A_674 = vector.broadcast %broadcast_in_dim3A_673 : vector<400x1xf32> to vector<400x4xf32>
    %sub3A_675 = arith.subf %concatenate3A_670, %sub3A_674 : vector<400x4xf32>
    %exp3A_676 = math.exp %sub3A_675 : vector<400x4xf32>
    %reduce_sum3A_677 = arith.constant dense<0.000000e+00> : vector<400xf32>
    %reduce_sum3A_678 = vector.multi_reduction <add>, %exp3A_676, %reduce_sum3A_677 [1] : vector<400x4xf32> to vector<400xf32>
    %broadcast_in_dim3A_679 = vector.shape_cast %reduce_sum3A_678 : vector<400xf32> to vector<400x1xf32>
    %div3A_680 = vector.broadcast %broadcast_in_dim3A_679 : vector<400x1xf32> to vector<400x4xf32>
    %div3A_681 = arith.divf %exp3A_676, %div3A_680 : vector<400x4xf32>
    %slice3A_682 = vector.extract_strided_slice %div3A_681 {offsets = [0, 0], sizes = [400, 1], strides = [1, 1]} : vector<400x4xf32> to vector<400x1xf32>
    %mul3A_683 = vector.broadcast %slice3A_682 : vector<400x1xf32> to vector<400x256xf32>
    %mul3A_684 = arith.mulf %mul3A_683, %dot_general3A_113 : vector<400x256xf32>
    %add3A_685 = arith.constant 0.000000e+00 : f32
    %add3A_686 = vector.broadcast %add3A_685 : f32 to vector<400x256xf32>
    %add3A_687 = arith.addf %add3A_686, %mul3A_684 : vector<400x256xf32>
    %slice3A_688 = vector.extract_strided_slice %div3A_681 {offsets = [0, 1], sizes = [400, 1], strides = [1, 1]} : vector<400x4xf32> to vector<400x1xf32>
    %mul3A_689 = vector.broadcast %slice3A_688 : vector<400x1xf32> to vector<400x256xf32>
    %mul3A_690 = arith.mulf %mul3A_689, %dot_general3A_204 : vector<400x256xf32>
    %add3A_691 = arith.addf %add3A_687, %mul3A_690 : vector<400x256xf32>
    %slice3A_692 = vector.extract_strided_slice %div3A_681 {offsets = [0, 2], sizes = [400, 1], strides = [1, 1]} : vector<400x4xf32> to vector<400x1xf32>
    %mul3A_693 = vector.broadcast %slice3A_692 : vector<400x1xf32> to vector<400x256xf32>
    %mul3A_694 = arith.mulf %mul3A_693, %dot_general3A_295 : vector<400x256xf32>
    %add3A_695 = arith.addf %add3A_691, %mul3A_694 : vector<400x256xf32>
    %slice3A_696 = vector.extract_strided_slice %div3A_681 {offsets = [0, 3], sizes = [400, 1], strides = [1, 1]} : vector<400x4xf32> to vector<400x1xf32>
    %mul3A_697 = vector.broadcast %slice3A_696 : vector<400x1xf32> to vector<400x256xf32>
    %mul3A_698 = arith.mulf %mul3A_697, %dot_general3A_386 : vector<400x256xf32>
    %add3A_699 = arith.addf %add3A_695, %mul3A_698 : vector<400x256xf32>
    %get3A_700 = arith.constant 0 : index
    %get3A_701 = arith.constant 0 : index
    %get3A_702 = vector.load %arg11[%get3A_700, %get3A_701] : memref<256x256xf32, #tpu.memory_space<vmem>>, vector<256x256xf32>
    %dot_general3A_703 = arith.constant dense<0.000000e+00> : vector<400x256xf32>
    %dot_general3A_704 = tpu.matmul %add3A_699, %get3A_702, %dot_general3A_703 {dimension_numbers = #tpu.dot_dimension_numbers<[1], [0], [0], [1], [0, 0, 1, 1], [], []>, transpose_lhs_hint = false} : vector<400x256xf32>, vector<256x256xf32>, vector<400x256xf32> -> vector<400x256xf32>
    %get3A_705 = arith.constant 0 : index
    %get3A_706 = arith.constant 0 : index
    %get3A_707 = vector.load %arg12[%get3A_705, %get3A_706] : memref<1x256xf32, #tpu.memory_space<vmem>>, vector<1x256xf32>
    %get3A_708 = vector.shape_cast %get3A_707 : vector<1x256xf32> to vector<256xf32>
    %broadcast_in_dim3A_709 = vector.shape_cast %get3A_708 : vector<256xf32> to vector<1x256xf32>
    %add3A_710 = vector.broadcast %broadcast_in_dim3A_709 : vector<1x256xf32> to vector<400x256xf32>
    %add3A_711 = arith.addf %dot_general3A_704, %add3A_710 : vector<400x256xf32>
    %max3A_712 = arith.constant 0.000000e+00 : f32
    %max3A_713 = vector.broadcast %max3A_712 : f32 to vector<400x256xf32>
    %max3A_714 = arith.maximumf %add3A_711, %max3A_713 : vector<400x256xf32>
    %get3A_715 = arith.constant 2 : index
    %get3A_716 = arith.constant 0 : index
    %get3A_717 = arith.constant 0 : index
    %get3A_718 = vector.load %arg5[%get3A_715, %get3A_716, %get3A_717] : memref<4x400x256xf32, #tpu.memory_space<vmem>>, vector<1x400x256xf32>
    %get3A_719 = vector.shape_cast %get3A_718 : vector<1x400x256xf32> to vector<400x256xf32>
    %get3A_720 = arith.constant 0 : index
    %get3A_721 = arith.constant 0 : index
    %get3A_722 = vector.load %arg13[%get3A_720, %get3A_721] : memref<256x256xf32, #tpu.memory_space<vmem>>, vector<256x256xf32>
    %dot_general3A_723 = arith.constant dense<0.000000e+00> : vector<400x256xf32>
    %dot_general3A_724 = tpu.matmul %get3A_719, %get3A_722, %dot_general3A_723 {dimension_numbers = #tpu.dot_dimension_numbers<[1], [0], [0], [1], [0, 0, 1, 1], [], []>, transpose_lhs_hint = false} : vector<400x256xf32>, vector<256x256xf32>, vector<400x256xf32> -> vector<400x256xf32>
    %get3A_725 = arith.constant 0 : index
    %get3A_726 = arith.constant 0 : index
    %get3A_727 = vector.load %arg14[%get3A_725, %get3A_726] : memref<1x256xf32, #tpu.memory_space<vmem>>, vector<1x256xf32>
    %get3A_728 = vector.shape_cast %get3A_727 : vector<1x256xf32> to vector<256xf32>
    %broadcast_in_dim3A_729 = vector.shape_cast %get3A_728 : vector<256xf32> to vector<1x256xf32>
    %add3A_730 = vector.broadcast %broadcast_in_dim3A_729 : vector<1x256xf32> to vector<400x256xf32>
    %add3A_731 = arith.addf %dot_general3A_724, %add3A_730 : vector<400x256xf32>
    %mul3A_732 = vector.broadcast %div3A_396 : f32 to vector<400x256xf32>
    %mul3A_733 = arith.mulf %max3A_714, %mul3A_732 : vector<400x256xf32>
    %sub3A_734 = arith.constant 1.000000e+00 : f32
    %sub3A_735 = arith.subf %sub3A_734, %div3A_396 : f32
    %mul3A_736 = vector.broadcast %sub3A_735 : f32 to vector<400x256xf32>
    %mul3A_737 = arith.mulf %add3A_731, %mul3A_736 : vector<400x256xf32>
    %add3A_738 = arith.addf %mul3A_733, %mul3A_737 : vector<400x256xf32>
    %reduce_sum3A_739 = arith.constant dense<0.000000e+00> : vector<400xf32>
    %reduce_sum3A_740 = vector.multi_reduction <add>, %add3A_738, %reduce_sum3A_739 [1] : vector<400x256xf32> to vector<400xf32>
    %broadcast_in_dim3A_741 = vector.shape_cast %reduce_sum3A_740 : vector<400xf32> to vector<400x1xf32>
    %div3A_742 = arith.constant 2.560000e+02 : f32
    %div3A_743 = vector.broadcast %div3A_742 : f32 to vector<400x1xf32>
    %div3A_744 = arith.divf %broadcast_in_dim3A_741, %div3A_743 : vector<400x1xf32>
    %sub3A_745 = vector.broadcast %div3A_744 : vector<400x1xf32> to vector<400x256xf32>
    %sub3A_746 = arith.subf %add3A_738, %sub3A_745 : vector<400x256xf32>
    %sub3A_747 = vector.broadcast %div3A_744 : vector<400x1xf32> to vector<400x256xf32>
    %sub3A_748 = arith.subf %add3A_738, %sub3A_747 : vector<400x256xf32>
    %mul3A_749 = arith.mulf %sub3A_746, %sub3A_748 : vector<400x256xf32>
    %reduce_sum3A_750 = arith.constant dense<0.000000e+00> : vector<400xf32>
    %reduce_sum3A_751 = vector.multi_reduction <add>, %mul3A_749, %reduce_sum3A_750 [1] : vector<400x256xf32> to vector<400xf32>
    %broadcast_in_dim3A_752 = vector.shape_cast %reduce_sum3A_751 : vector<400xf32> to vector<400x1xf32>
    %div3A_753 = arith.constant 2.560000e+02 : f32
    %div3A_754 = vector.broadcast %div3A_753 : f32 to vector<400x1xf32>
    %div3A_755 = arith.divf %broadcast_in_dim3A_752, %div3A_754 : vector<400x1xf32>
    %sub3A_756 = vector.broadcast %div3A_744 : vector<400x1xf32> to vector<400x256xf32>
    %sub3A_757 = arith.subf %add3A_738, %sub3A_756 : vector<400x256xf32>
    %add3A_758 = arith.constant 9.99999974E-6 : f32
    %add3A_759 = vector.broadcast %add3A_758 : f32 to vector<400x1xf32>
    %add3A_760 = arith.addf %div3A_755, %add3A_759 : vector<400x1xf32>
    %sqrt3A_761 = math.sqrt %add3A_760 : vector<400x1xf32>
    %div3A_762 = vector.broadcast %sqrt3A_761 : vector<400x1xf32> to vector<400x256xf32>
    %div3A_763 = arith.divf %sub3A_757, %div3A_762 : vector<400x256xf32>
    %get3A_764 = arith.constant 0 : index
    %get3A_765 = arith.constant 0 : index
    %get3A_766 = vector.load %arg16[%get3A_764, %get3A_765] : memref<1x256xf32, #tpu.memory_space<vmem>>, vector<1x256xf32>
    %get3A_767 = vector.shape_cast %get3A_766 : vector<1x256xf32> to vector<256xf32>
    %broadcast_in_dim3A_768 = vector.shape_cast %get3A_767 : vector<256xf32> to vector<1x256xf32>
    %mul3A_769 = vector.broadcast %broadcast_in_dim3A_768 : vector<1x256xf32> to vector<400x256xf32>
    %mul3A_770 = arith.mulf %div3A_763, %mul3A_769 : vector<400x256xf32>
    %get3A_771 = arith.constant 0 : index
    %get3A_772 = arith.constant 0 : index
    %get3A_773 = vector.load %arg17[%get3A_771, %get3A_772] : memref<1x256xf32, #tpu.memory_space<vmem>>, vector<1x256xf32>
    %get3A_774 = vector.shape_cast %get3A_773 : vector<1x256xf32> to vector<256xf32>
    %broadcast_in_dim3A_775 = vector.shape_cast %get3A_774 : vector<256xf32> to vector<1x256xf32>
    %add3A_776 = vector.broadcast %broadcast_in_dim3A_775 : vector<1x256xf32> to vector<400x256xf32>
    %add3A_777 = arith.addf %mul3A_770, %add3A_776 : vector<400x256xf32>
    %swap3A_778 = arith.constant 2 : index
    %swap3A_779 = arith.constant 0 : index
    %swap3A_780 = arith.constant 0 : index
    %swap3A_781 = vector.load %arg19[%swap3A_778, %swap3A_779, %swap3A_780] : memref<4x400x256xf32, #tpu.memory_space<vmem>>, vector<1x400x256xf32>
    %swap3A_782 = vector.shape_cast %swap3A_781 : vector<1x400x256xf32> to vector<400x256xf32>
    %swap3A_783 = vector.shape_cast %add3A_777 : vector<400x256xf32> to vector<1x400x256xf32>
    tpu.vector_store %arg19[%swap3A_778, %swap3A_779, %swap3A_780], %swap3A_783 {strides = array<i32>} : memref<4x400x256xf32, #tpu.memory_space<vmem>>, vector<1x400x256xf32>,
    %mul3A_784 = arith.mulf %dot_general3A_376, %dot_general3A_108 : vector<400x256xf32>
    %reduce_sum3A_785 = arith.constant dense<0.000000e+00> : vector<400xf32>
    %reduce_sum3A_786 = vector.multi_reduction <add>, %mul3A_784, %reduce_sum3A_785 [1] : vector<400x256xf32> to vector<400xf32>
    %broadcast_in_dim3A_787 = vector.shape_cast %reduce_sum3A_786 : vector<400xf32> to vector<400x1xf32>
    %mul3A_788 = arith.mulf %dot_general3A_376, %dot_general3A_199 : vector<400x256xf32>
    %reduce_sum3A_789 = arith.constant dense<0.000000e+00> : vector<400xf32>
    %reduce_sum3A_790 = vector.multi_reduction <add>, %mul3A_788, %reduce_sum3A_789 [1] : vector<400x256xf32> to vector<400xf32>
    %broadcast_in_dim3A_791 = vector.shape_cast %reduce_sum3A_790 : vector<400xf32> to vector<400x1xf32>
    %mul3A_792 = arith.mulf %dot_general3A_376, %dot_general3A_290 : vector<400x256xf32>
    %reduce_sum3A_793 = arith.constant dense<0.000000e+00> : vector<400xf32>
    %reduce_sum3A_794 = vector.multi_reduction <add>, %mul3A_792, %reduce_sum3A_793 [1] : vector<400x256xf32> to vector<400xf32>
    %broadcast_in_dim3A_795 = vector.shape_cast %reduce_sum3A_794 : vector<400xf32> to vector<400x1xf32>
    %mul3A_796 = arith.mulf %dot_general3A_376, %dot_general3A_381 : vector<400x256xf32>
    %reduce_sum3A_797 = arith.constant dense<0.000000e+00> : vector<400xf32>
    %reduce_sum3A_798 = vector.multi_reduction <add>, %mul3A_796, %reduce_sum3A_797 [1] : vector<400x256xf32> to vector<400xf32>
    %broadcast_in_dim3A_799 = vector.shape_cast %reduce_sum3A_798 : vector<400xf32> to vector<400x1xf32>
    %concatenate3A_800 = tpu.concatenate %broadcast_in_dim3A_787, %broadcast_in_dim3A_791, %broadcast_in_dim3A_795, %broadcast_in_dim3A_799 in 1 : vector<400x1xf32>, vector<400x1xf32>, vector<400x1xf32>, vector<400x1xf32> -> vector<400x4xf32>
    %reduce_max3A_801 = arith.constant dense<0xFF800000> : vector<400xf32>
    %reduce_max3A_802 = vector.multi_reduction <maximumf>, %concatenate3A_800, %reduce_max3A_801 [1] : vector<400x4xf32> to vector<400xf32>
    %broadcast_in_dim3A_803 = vector.shape_cast %reduce_max3A_802 : vector<400xf32> to vector<400x1xf32>
    %sub3A_804 = vector.broadcast %broadcast_in_dim3A_803 : vector<400x1xf32> to vector<400x4xf32>
    %sub3A_805 = arith.subf %concatenate3A_800, %sub3A_804 : vector<400x4xf32>
    %exp3A_806 = math.exp %sub3A_805 : vector<400x4xf32>
    %reduce_sum3A_807 = arith.constant dense<0.000000e+00> : vector<400xf32>
    %reduce_sum3A_808 = vector.multi_reduction <add>, %exp3A_806, %reduce_sum3A_807 [1] : vector<400x4xf32> to vector<400xf32>
    %broadcast_in_dim3A_809 = vector.shape_cast %reduce_sum3A_808 : vector<400xf32> to vector<400x1xf32>
    %div3A_810 = vector.broadcast %broadcast_in_dim3A_809 : vector<400x1xf32> to vector<400x4xf32>
    %div3A_811 = arith.divf %exp3A_806, %div3A_810 : vector<400x4xf32>
    %slice3A_812 = vector.extract_strided_slice %div3A_811 {offsets = [0, 0], sizes = [400, 1], strides = [1, 1]} : vector<400x4xf32> to vector<400x1xf32>
    %mul3A_813 = vector.broadcast %slice3A_812 : vector<400x1xf32> to vector<400x256xf32>
    %mul3A_814 = arith.mulf %mul3A_813, %dot_general3A_113 : vector<400x256xf32>
    %add3A_815 = arith.constant 0.000000e+00 : f32
    %add3A_816 = vector.broadcast %add3A_815 : f32 to vector<400x256xf32>
    %add3A_817 = arith.addf %add3A_816, %mul3A_814 : vector<400x256xf32>
    %slice3A_818 = vector.extract_strided_slice %div3A_811 {offsets = [0, 1], sizes = [400, 1], strides = [1, 1]} : vector<400x4xf32> to vector<400x1xf32>
    %mul3A_819 = vector.broadcast %slice3A_818 : vector<400x1xf32> to vector<400x256xf32>
    %mul3A_820 = arith.mulf %mul3A_819, %dot_general3A_204 : vector<400x256xf32>
    %add3A_821 = arith.addf %add3A_817, %mul3A_820 : vector<400x256xf32>
    %slice3A_822 = vector.extract_strided_slice %div3A_811 {offsets = [0, 2], sizes = [400, 1], strides = [1, 1]} : vector<400x4xf32> to vector<400x1xf32>
    %mul3A_823 = vector.broadcast %slice3A_822 : vector<400x1xf32> to vector<400x256xf32>
    %mul3A_824 = arith.mulf %mul3A_823, %dot_general3A_295 : vector<400x256xf32>
    %add3A_825 = arith.addf %add3A_821, %mul3A_824 : vector<400x256xf32>
    %slice3A_826 = vector.extract_strided_slice %div3A_811 {offsets = [0, 3], sizes = [400, 1], strides = [1, 1]} : vector<400x4xf32> to vector<400x1xf32>
    %mul3A_827 = vector.broadcast %slice3A_826 : vector<400x1xf32> to vector<400x256xf32>
    %mul3A_828 = arith.mulf %mul3A_827, %dot_general3A_386 : vector<400x256xf32>
    %add3A_829 = arith.addf %add3A_825, %mul3A_828 : vector<400x256xf32>
    %get3A_830 = arith.constant 0 : index
    %get3A_831 = arith.constant 0 : index
    %get3A_832 = vector.load %arg11[%get3A_830, %get3A_831] : memref<256x256xf32, #tpu.memory_space<vmem>>, vector<256x256xf32>
    %dot_general3A_833 = arith.constant dense<0.000000e+00> : vector<400x256xf32>
    %dot_general3A_834 = tpu.matmul %add3A_829, %get3A_832, %dot_general3A_833 {dimension_numbers = #tpu.dot_dimension_numbers<[1], [0], [0], [1], [0, 0, 1, 1], [], []>, transpose_lhs_hint = false} : vector<400x256xf32>, vector<256x256xf32>, vector<400x256xf32> -> vector<400x256xf32>
    %get3A_835 = arith.constant 0 : index
    %get3A_836 = arith.constant 0 : index
    %get3A_837 = vector.load %arg12[%get3A_835, %get3A_836] : memref<1x256xf32, #tpu.memory_space<vmem>>, vector<1x256xf32>
    %get3A_838 = vector.shape_cast %get3A_837 : vector<1x256xf32> to vector<256xf32>
    %broadcast_in_dim3A_839 = vector.shape_cast %get3A_838 : vector<256xf32> to vector<1x256xf32>
    %add3A_840 = vector.broadcast %broadcast_in_dim3A_839 : vector<1x256xf32> to vector<400x256xf32>
    %add3A_841 = arith.addf %dot_general3A_834, %add3A_840 : vector<400x256xf32>
    %max3A_842 = arith.constant 0.000000e+00 : f32
    %max3A_843 = vector.broadcast %max3A_842 : f32 to vector<400x256xf32>
    %max3A_844 = arith.maximumf %add3A_841, %max3A_843 : vector<400x256xf32>
    %get3A_845 = arith.constant 3 : index
    %get3A_846 = arith.constant 0 : index
    %get3A_847 = arith.constant 0 : index
    %get3A_848 = vector.load %arg5[%get3A_845, %get3A_846, %get3A_847] : memref<4x400x256xf32, #tpu.memory_space<vmem>>, vector<1x400x256xf32>
    %get3A_849 = vector.shape_cast %get3A_848 : vector<1x400x256xf32> to vector<400x256xf32>
    %get3A_850 = arith.constant 0 : index
    %get3A_851 = arith.constant 0 : index
    %get3A_852 = vector.load %arg13[%get3A_850, %get3A_851] : memref<256x256xf32, #tpu.memory_space<vmem>>, vector<256x256xf32>
    %dot_general3A_853 = arith.constant dense<0.000000e+00> : vector<400x256xf32>
    %dot_general3A_854 = tpu.matmul %get3A_849, %get3A_852, %dot_general3A_853 {dimension_numbers = #tpu.dot_dimension_numbers<[1], [0], [0], [1], [0, 0, 1, 1], [], []>, transpose_lhs_hint = false} : vector<400x256xf32>, vector<256x256xf32>, vector<400x256xf32> -> vector<400x256xf32>
    %get3A_855 = arith.constant 0 : index
    %get3A_856 = arith.constant 0 : index
    %get3A_857 = vector.load %arg14[%get3A_855, %get3A_856] : memref<1x256xf32, #tpu.memory_space<vmem>>, vector<1x256xf32>
    %get3A_858 = vector.shape_cast %get3A_857 : vector<1x256xf32> to vector<256xf32>
    %broadcast_in_dim3A_859 = vector.shape_cast %get3A_858 : vector<256xf32> to vector<1x256xf32>
    %add3A_860 = vector.broadcast %broadcast_in_dim3A_859 : vector<1x256xf32> to vector<400x256xf32>
    %add3A_861 = arith.addf %dot_general3A_854, %add3A_860 : vector<400x256xf32>
    %mul3A_862 = vector.broadcast %div3A_396 : f32 to vector<400x256xf32>
    %mul3A_863 = arith.mulf %max3A_844, %mul3A_862 : vector<400x256xf32>
    %sub3A_864 = arith.constant 1.000000e+00 : f32
    %sub3A_865 = arith.subf %sub3A_864, %div3A_396 : f32
    %mul3A_866 = vector.broadcast %sub3A_865 : f32 to vector<400x256xf32>
    %mul3A_867 = arith.mulf %add3A_861, %mul3A_866 : vector<400x256xf32>
    %add3A_868 = arith.addf %mul3A_863, %mul3A_867 : vector<400x256xf32>
    %reduce_sum3A_869 = arith.constant dense<0.000000e+00> : vector<400xf32>
    %reduce_sum3A_870 = vector.multi_reduction <add>, %add3A_868, %reduce_sum3A_869 [1] : vector<400x256xf32> to vector<400xf32>
    %broadcast_in_dim3A_871 = vector.shape_cast %reduce_sum3A_870 : vector<400xf32> to vector<400x1xf32>
    %div3A_872 = arith.constant 2.560000e+02 : f32
    %div3A_873 = vector.broadcast %div3A_872 : f32 to vector<400x1xf32>
    %div3A_874 = arith.divf %broadcast_in_dim3A_871, %div3A_873 : vector<400x1xf32>
    %sub3A_875 = vector.broadcast %div3A_874 : vector<400x1xf32> to vector<400x256xf32>
    %sub3A_876 = arith.subf %add3A_868, %sub3A_875 : vector<400x256xf32>
    %sub3A_877 = vector.broadcast %div3A_874 : vector<400x1xf32> to vector<400x256xf32>
    %sub3A_878 = arith.subf %add3A_868, %sub3A_877 : vector<400x256xf32>
    %mul3A_879 = arith.mulf %sub3A_876, %sub3A_878 : vector<400x256xf32>
    %reduce_sum3A_880 = arith.constant dense<0.000000e+00> : vector<400xf32>
    %reduce_sum3A_881 = vector.multi_reduction <add>, %mul3A_879, %reduce_sum3A_880 [1] : vector<400x256xf32> to vector<400xf32>
    %broadcast_in_dim3A_882 = vector.shape_cast %reduce_sum3A_881 : vector<400xf32> to vector<400x1xf32>
    %div3A_883 = arith.constant 2.560000e+02 : f32
    %div3A_884 = vector.broadcast %div3A_883 : f32 to vector<400x1xf32>
    %div3A_885 = arith.divf %broadcast_in_dim3A_882, %div3A_884 : vector<400x1xf32>
    %sub3A_886 = vector.broadcast %div3A_874 : vector<400x1xf32> to vector<400x256xf32>
    %sub3A_887 = arith.subf %add3A_868, %sub3A_886 : vector<400x256xf32>
    %add3A_888 = arith.constant 9.99999974E-6 : f32
    %add3A_889 = vector.broadcast %add3A_888 : f32 to vector<400x1xf32>
    %add3A_890 = arith.addf %div3A_885, %add3A_889 : vector<400x1xf32>
    %sqrt3A_891 = math.sqrt %add3A_890 : vector<400x1xf32>
    %div3A_892 = vector.broadcast %sqrt3A_891 : vector<400x1xf32> to vector<400x256xf32>
    %div3A_893 = arith.divf %sub3A_887, %div3A_892 : vector<400x256xf32>
    %get3A_894 = arith.constant 0 : index
    %get3A_895 = arith.constant 0 : index
    %get3A_896 = vector.load %arg16[%get3A_894, %get3A_895] : memref<1x256xf32, #tpu.memory_space<vmem>>, vector<1x256xf32>
    %get3A_897 = vector.shape_cast %get3A_896 : vector<1x256xf32> to vector<256xf32>
    %broadcast_in_dim3A_898 = vector.shape_cast %get3A_897 : vector<256xf32> to vector<1x256xf32>
    %mul3A_899 = vector.broadcast %broadcast_in_dim3A_898 : vector<1x256xf32> to vector<400x256xf32>
    %mul3A_900 = arith.mulf %div3A_893, %mul3A_899 : vector<400x256xf32>
    %get3A_901 = arith.constant 0 : index
    %get3A_902 = arith.constant 0 : index
    %get3A_903 = vector.load %arg17[%get3A_901, %get3A_902] : memref<1x256xf32, #tpu.memory_space<vmem>>, vector<1x256xf32>
    %get3A_904 = vector.shape_cast %get3A_903 : vector<1x256xf32> to vector<256xf32>
    %broadcast_in_dim3A_905 = vector.shape_cast %get3A_904 : vector<256xf32> to vector<1x256xf32>
    %add3A_906 = vector.broadcast %broadcast_in_dim3A_905 : vector<1x256xf32> to vector<400x256xf32>
    %add3A_907 = arith.addf %mul3A_900, %add3A_906 : vector<400x256xf32>
    %swap3A_908 = arith.constant 3 : index
    %swap3A_909 = arith.constant 0 : index
    %swap3A_910 = arith.constant 0 : index
    %swap3A_911 = vector.load %arg19[%swap3A_908, %swap3A_909, %swap3A_910] : memref<4x400x256xf32, #tpu.memory_space<vmem>>, vector<1x400x256xf32>
    %swap3A_912 = vector.shape_cast %swap3A_911 : vector<1x400x256xf32> to vector<400x256xf32>
    %swap3A_913 = vector.shape_cast %add3A_907 : vector<400x256xf32> to vector<1x400x256xf32>
    tpu.vector_store %arg19[%swap3A_908, %swap3A_909, %swap3A_910], %swap3A_913 {strides = array<i32>} : memref<4x400x256xf32, #tpu.memory_space<vmem>>, vector<1x400x256xf32>,
    return
  }
  func.func @transform_0(%arg0: i32) -> (i32, i32, i32, i32) {
    %c0_i32 = arith.constant 0 : i32
    %c0_i32_0 = arith.constant 0 : i32
    %c0_i32_1 = arith.constant 0 : i32
    %c0_i32_2 = arith.constant 0 : i32
    return %c0_i32, %c0_i32_0, %arg0, %c0_i32_1 : i32, i32, i32, i32
  }
  func.func @transform_1(%arg0: i32) -> (i32, i32, i32, i32) {
    %c0_i32 = arith.constant 0 : i32
    %c0_i32_0 = arith.constant 0 : i32
    %c0_i32_1 = arith.constant 0 : i32
    %c0_i32_2 = arith.constant 0 : i32
    return %c0_i32, %c0_i32_0, %arg0, %c0_i32_1 : i32, i32, i32, i32
  }
  func.func @transform_2(%arg0: i32) -> (i32, i32, i32, i32) {
    %c0_i32 = arith.constant 0 : i32
    %c0_i32_0 = arith.constant 0 : i32
    %c0_i32_1 = arith.constant 0 : i32
    %c0_i32_2 = arith.constant 0 : i32
    return %c0_i32, %c0_i32_0, %arg0, %c0_i32_1 : i32, i32, i32, i32
  }
  func.func @transform_3(%arg0: i32) -> (i32, i32, i32, i32) {
    %c0_i32 = arith.constant 0 : i32
    %c0_i32_0 = arith.constant 0 : i32
    %c0_i32_1 = arith.constant 0 : i32
    %c0_i32_2 = arith.constant 0 : i32
    %c0_i32_3 = arith.constant 0 : i32
    return %c0_i32, %c0_i32_0, %c0_i32_1, %c0_i32_2 : i32, i32, i32, i32
  }
  func.func @transform_4(%arg0: i32) -> (i32, i32, i32) {
    %c0_i32 = arith.constant 0 : i32
    %c0_i32_0 = arith.constant 0 : i32
    %c0_i32_1 = arith.constant 0 : i32
    return %c0_i32, %arg0, %c0_i32_0 : i32, i32, i32
  }
  func.func @transform_5(%arg0: i32) -> (i32, i32) {
    %c0_i32 = arith.constant 0 : i32
    %c0_i32_0 = arith.constant 0 : i32
    %c0_i32_1 = arith.constant 0 : i32
    return %c0_i32, %c0_i32_0 : i32, i32
  }
  func.func @transform_6(%arg0: i32) -> (i32, i32) {
    %c0_i32 = arith.constant 0 : i32
    %c0_i32_0 = arith.constant 0 : i32
    %c0_i32_1 = arith.constant 0 : i32
    return %c0_i32, %c0_i32_0 : i32, i32
  }
  func.func @transform_7(%arg0: i32) -> (i32, i32) {
    %c0_i32 = arith.constant 0 : i32
    %c0_i32_0 = arith.constant 0 : i32
    %c0_i32_1 = arith.constant 0 : i32
    return %c0_i32, %c0_i32_0 : i32, i32
  }
  func.func @transform_8(%arg0: i32) -> (i32, i32) {
    %c0_i32 = arith.constant 0 : i32
    %c0_i32_0 = arith.constant 0 : i32
    %c0_i32_1 = arith.constant 0 : i32
    return %c0_i32, %c0_i32_0 : i32, i32
  }
  func.func @transform_9(%arg0: i32) -> (i32, i32) {
    %c0_i32 = arith.constant 0 : i32
    %c0_i32_0 = arith.constant 0 : i32
    %c0_i32_1 = arith.constant 0 : i32
    return %c0_i32, %c0_i32_0 : i32, i32
  }
  func.func @transform_10(%arg0: i32) -> (i32, i32) {
    %c0_i32 = arith.constant 0 : i32
    %c0_i32_0 = arith.constant 0 : i32
    %c0_i32_1 = arith.constant 0 : i32
    return %c0_i32, %c0_i32_0 : i32, i32
  }
  func.func @transform_11(%arg0: i32) -> (i32, i32) {
    %c0_i32 = arith.constant 0 : i32
    %c0_i32_0 = arith.constant 0 : i32
    %c0_i32_1 = arith.constant 0 : i32
    return %c0_i32, %c0_i32_0 : i32, i32
  }
  func.func @transform_12(%arg0: i32) -> (i32, i32) {
    %c0_i32 = arith.constant 0 : i32
    %c0_i32_0 = arith.constant 0 : i32
    %c0_i32_1 = arith.constant 0 : i32
    return %c0_i32, %c0_i32_0 : i32, i32
  }
  func.func @transform_13(%arg0: i32) -> (i32, i32) {
    %c0_i32 = arith.constant 0 : i32
    %c0_i32_0 = arith.constant 0 : i32
    %c0_i32_1 = arith.constant 0 : i32
    return %c0_i32, %c0_i32_0 : i32, i32
  }
  func.func @transform_14(%arg0: i32) -> (i32, i32) {
    %c0_i32 = arith.constant 0 : i32
    %c0_i32_0 = arith.constant 0 : i32
    %c0_i32_1 = arith.constant 0 : i32
    return %c0_i32, %c0_i32_0 : i32, i32
  }
  func.func @transform_15(%arg0: i32) -> (i32, i32) {
    %c0_i32 = arith.constant 0 : i32
    %c0_i32_0 = arith.constant 0 : i32
    %c0_i32_1 = arith.constant 0 : i32
    return %c0_i32, %c0_i32_0 : i32, i32
  }
  func.func @transform_16(%arg0: i32) -> (i32, i32) {
    %c0_i32 = arith.constant 0 : i32
    %c0_i32_0 = arith.constant 0 : i32
    %c0_i32_1 = arith.constant 0 : i32
    return %c0_i32, %c0_i32_0 : i32, i32
  }
  func.func @transform_17(%arg0: i32) -> (i32, i32) {
    %c0_i32 = arith.constant 0 : i32
    %c0_i32_0 = arith.constant 0 : i32
    %c0_i32_1 = arith.constant 0 : i32
    return %c0_i32, %c0_i32_0 : i32, i32
  }
  func.func @transform_18(%arg0: i32) -> (i32, i32, i32) {
    %c0_i32 = arith.constant 0 : i32
    %c0_i32_0 = arith.constant 0 : i32
    %c0_i32_1 = arith.constant 0 : i32
    return %c0_i32, %arg0, %c0_i32_0 : i32, i32, i32
  }
}

</mosaic_0001>

<sc_bundles>
// kernel: kernel.12.cloned.1.call-start
scs
__scs_entry_jumppad:
0x0: {  	(pc) =	sbr.rel $0x88, $3  }
0x1: {  	(tag) =	ssettag $0x0;
	lr =	simm.s32 $0x1  }
0x2: {  	[smem:$0x3F8D] =	sst lr;
	_ =	strace $0xD0000000  }
0x3: {  	_ = 	snop  }
0x4: {  	_ = 	snop  }
0x5: {  	_ = 	snop  }
0x6: {  	_ = 	snop  }
0x7: {  	_ = 	snop  }
__scs_overlays_trampoline_lowered:
0x8: {  	[smem:$0x3F9C] =	sst s0  }
0x9: {  	[smem:$0x3F9D] =	sst s1  }
0xa: {  	[smem:$0x3F9E] =	sst s2  }
0xb: {  	[smem:$0x3F9F] =	sst s3  }
0xc: {  	[smem:$0x3FA0] =	sst s4  }
0xd: {  	[smem:$0x3FA1] =	sst s5  }
0xe: {  	[smem:$0x3FA2] =	sst s6  }
0xf: {  	[smem:$0x3FA3] =	sst s7  }
0x10: {  	[smem:$0x3FA4] =	sst s8  }
0x11: {  	[smem:$0x3FA5] =	sst s9;
	s0 =	simm.s32 @!p0 $0x0  }
0x12: {  	s1 =	sld [smem:$0x3F8B];
	s0 =	simm.s32 @p0 $0x1  }
0x13: {  	[smem:$0x3FA6] =	sst s0;
	s0 =	simm.s32 @!p1 $0x0  }
0x14: {  	s2 =	sld [smem:$0x3F8A];
	s0 =	simm.s32 @p1 $0x1  }
0x15: {  	[smem:$0x3FA7] =	sst s0;
	s0 =	simm.s32 @!p2 $0x0  }
0x16: {  	s3 =	sld [smem:$0x3FDB];
	s0 =	simm.s32 @p2 $0x1  }
0x17: {  	s4 =	simm.s32 $0x1BF5;
	[smem:$0x3FA9] =	sst s0  }
0x18: {  	s0 =	sld [smem:$0x3F8C];
	_ =	swait.ge [sflag:s4], $0x0  }
0x19: {  	s7 =	sld [smem:$0x3F8D]  }
0x1a: {  	s8 =	sadd.s32 $0xFFFFE003, lr  }
0x1b: {  	s9 =	sadd.s32 $0xFFFFFEF7, lr;
	s5 =	simm.s32 $0xFFFFFFFF;
	p2 =	slt.u32 s8, $0xFFFFF086  }
0x1c: {  	p1 =	slt.u32 s9, $0xF7A;
	s5 =	simm.s32 @!p2 $0x0  }
0x1d: {  	s5 =	simm.s32 @p1 $0x1;
	p0 =	seq.s32 s7, s2  }
0x1e: {  	s7 =	smul.u32 @!p0 $0xF7A, s2;
	p2 =	seq.s32 @!p0 s5, $0x0  }
0x1f: {  	s9 =	smul.u32 $0xF7A, s1;
	s8 =	simm.s32 @!p0 $0x1BF5;
	p2 =	por !p2, p0  }
0x20: {  	[sflag:s8] =	ssyncset.s32 @!p0 $0xFFFFF086;
	s6 =	sadd.s32 @!p0 s3, s7;
	s7 =	simm.s32 @!p0 $0x108  }
0x21: {  	s3 =	sadd.s32 s3, s9;
	s6 =	sadd.s32 @!p0 $0x88, s6;
	s7 =	simm.s32 @p2 $0x1082  }
0x22: {  	[simem:s7], [sflag:s8] =	dma.local @!p0 [hbm:s6], $0xF7A  }
0x23: {  	s9 =	sor.u32 $0xD0000000, s2;
	s6 =	simm.s32 $0x108;
	_ =	swait.ge @!p0 [sflag:s8], $0x0  }
0x24: {  	s3 =	sadd.s32 $0x88, s3;
	s6 =	simm.s32 @!p1 $0x1082;
	[sflag:s4] =	ssyncset.s32 $0xFFFFF086  }
0x25: {  	[simem:s6], [sflag:s4] =	dma.local [hbm:s3], $0xF7A  }
0x26: {  	[smem:$0x3F8D] =	sst s1;
	(tag) =	ssettag s2;
	_ =	strace s9  }
0x27: {  	s1 =	sld [smem:$0x3F9D]  }
0x28: {  	s2 =	sld [smem:$0x3F9E]  }
0x29: {  	s4 =	sld [smem:$0x3FA0]  }
0x2a: {  	p0 =	seq.s32 s5, $0x0;
	s5 =	sld [smem:$0x3FA1]  }
0x2b: {  	s6 =	sld [smem:$0x3FA2]  }
0x2c: {  	s7 =	sld [smem:$0x3FA3]  }
0x2d: {  	s3 =	simm.s32 $0x108;
	s8 =	sld [smem:$0x3FA4]  }
0x2e: {  	s3 =	simm.s32 @!p0 $0x1082;
	s9 =	sld [smem:$0x3FA5]  }
0x2f: {  	lr =	sadd.s32 s0, s3;
	s0 =	sld [smem:$0x3F9C]  }
0x30: {  	s3 =	sld [smem:$0x3F9F]  }
0x31: {  	[smem:$0x3FA8] =	sst s10  }
0x32: {  	s10 =	sld [smem:$0x3FA6];
	_ =	sdelay $0x3  }
0x33: {  	p0 =	seq.s32 s10, $0x1;
	s10 =	sld [smem:$0x3FA8];
	_ =	sdelay $0x3  }
0x34: {  	[smem:$0x3FA8] =	sst s10  }
0x35: {  	s10 =	sld [smem:$0x3FA7];
	_ =	sdelay $0x3  }
0x36: {  	p1 =	seq.s32 s10, $0x1;
	s10 =	sld [smem:$0x3FA8];
	_ =	sdelay $0x3  }
0x37: {  	[smem:$0x3FA8] =	sst s10  }
0x38: {  	s10 =	sld [smem:$0x3FA9]  }
0x39: {  	_ = 	snop;
	(pc) =	sbr.ind lr, $3  }
0x3a: {  	_ = 	snop  }
0x3b: {  	_ = 	snop  }
0x3c: {  	p2 =	seq.s32 s10, $0x1;
	s10 =	sld [smem:$0x3FA8]  }
0x3d: {  	_ =	shalt  }
0x3e: {  	_ =	shalt  }
0x3f: {  	_ =	shalt  }
0x40: {  	_ =	shalt  }
0x41: {  	_ =	shalt  }
0x42: {  	_ =	shalt  }
0x43: {  	_ =	shalt  }
0x44: {  	_ =	shalt  }
0x45: {  	_ =	shalt  }
0x46: {  	_ =	shalt  }
0x47: {  	_ =	shalt  }
0x48: {  	_ =	shalt  }
0x49: {  	_ =	shalt  }
0x4a: {  	_ =	shalt  }
0x4b: {  	_ =	shalt  }
0x4c: {  	_ =	shalt  }
0x4d: {  	_ =	shalt  }
0x4e: {  	_ =	shalt  }
0x4f: {  	_ =	shalt  }
0x50: {  	_ =	shalt  }
0x51: {  	_ =	shalt  }
0x52: {  	_ =	shalt  }
0x53: {  	_ =	shalt  }
0x54: {  	_ =	shalt  }
0x55: {  	_ =	shalt  }
0x56: {  	_ =	shalt  }
0x57: {  	_ =	shalt  }
0x58: {  	_ =	shalt  }
0x59: {  	_ =	shalt  }
0x5a: {  	_ =	shalt  }
0x5b: {  	_ =	shalt  }
0x5c: {  	_ =	shalt  }
0x5d: {  	_ =	shalt  }
0x5e: {  	_ =	shalt  }
0x5f: {  	_ =	shalt  }
0x60: {  	_ =	shalt  }
0x61: {  	_ =	shalt  }
0x62: {  	_ =	shalt  }
0x63: {  	_ =	shalt  }
0x64: {  	_ =	shalt  }
0x65: {  	_ =	shalt  }
0x66: {  	_ =	shalt  }
0x67: {  	_ =	shalt  }
0x68: {  	_ =	shalt  }
0x69: {  	_ =	shalt  }
0x6a: {  	_ =	shalt  }
0x6b: {  	_ =	shalt  }
0x6c: {  	_ =	shalt  }
0x6d: {  	_ =	shalt  }
0x6e: {  	_ =	shalt  }
0x6f: {  	_ =	shalt  }
0x70: {  	_ =	shalt  }
0x71: {  	_ =	shalt  }
0x72: {  	_ =	shalt  }
0x73: {  	_ =	shalt  }
0x74: {  	_ =	shalt  }
0x75: {  	_ =	shalt  }
0x76: {  	_ =	shalt  }
0x77: {  	_ =	shalt  }
0x78: {  	_ =	shalt  }
0x79: {  	_ =	shalt  }
0x7a: {  	_ =	shalt  }
0x7b: {  	_ =	shalt  }
0x7c: {  	_ =	shalt  }
0x7d: {  	_ =	shalt  }
0x7e: {  	_ =	shalt  }
0x7f: {  	_ =	shalt  }
0x80: {  	_ =	shalt  }
0x81: {  	_ =	shalt  }
0x82: {  	_ =	shalt  }
0x83: {  	_ =	shalt  }
0x84: {  	_ =	shalt  }
0x85: {  	_ =	shalt  }
0x86: {  	_ =	shalt  }
0x87: {  	_ =	shalt  }
.Lfunc_end0:
.L_simem_size_0:
called_computation_lowered:
.L_overlay_start_0:
0x88: {  	s2 =	sld [smem:$0x3FD9]  }
0x89: {  	s3 =	sld [smem:$0x3FFE];
	_ =	sdelay $0x1  }
0x8a: {  	s1 =	srdreg.scid  }
0x8b: {  	s0 =	sand.u32 $0x1, s1  }
0x8c: {  	s16 =	sshll.u32 s0, $0xA;
	s2 =	sadd.s32 s3, s2  }
0x8d: {  	s2 =	sadd.s32 s2, s16  }
0x8e: {  	[smem:$0x3FB4] =	sst s2  }
0x8f: {  	_ = 	snop  }
0x90: {  	(tm) =	ssettm $0x1  }
0x91: {  	s17 =	sld [smem:$0x3FFB];
	_ =	sdelay $0x3  }
0x92: {  	_ =	strace s17  }
0x93: {  	s2 =	sld [smem:$0x3FFC];
	_ =	sdelay $0x3  }
0x94: {  	_ =	strace s2  }
0x95: {  	s2 =	sld [smem:$0x3FFD];
	_ =	sdelay $0x3  }
0x96: {  	_ =	strace s2  }
0x97: {  	_ =	strace $0x8FFFFFFF  }
0x98: {  	s18 =	sld [smem:$0x3FDB];
	_ =	sdelay $0x1  }
0x99: {  	s19 =	simm.s32 $_scs_section_size  }
0x9a: {  	s4 =	simm.s32 $_size__tile_overlayer_lowered;
	s5 =	simm.s32 $_tile_overlayer_lowered  }
0x9b: {  	s22 =	simm.s32 $0x1BFF;
	s21 =	sshll.u32 s5, $0x1;
	s2 =	sadd.s32 s19, s18  }
0x9c: {  	s6 =	simm.s32 $0x0;
	s20 =	sshll.u32 s4, $0x1;
	s4 =	sadd.s32 s21, s2  }
0x9d: {  	[timem:s6], [sflag:s22] =	dma.local [hbm:s4], s20  }
0x9e: {  	_ =	swait.ge [sflag:s22], s20  }
0x9f: {  	s3 =	ssub.s32 $0x0, s20;
	[sflag:s22] =	ssyncset.done $0x0  }
0xa0: {  	[sflag:s22] =	ssyncadd.s32 s3;
	_ =	sdelay $0x1  }
0xa1: {  	s23 =	simm.s32 $0x1B8B  }
0xa2: {  	_ =	swait.ge [sflag:s23], $0x1  }
0xa3: {  	[sflag:s23] =	ssyncset.done $0x0  }
0xa4: {  	s25 =	simm.s32 $0x1B8E;
	s24 =	sld [smem:$0x3FFE];
	[sflag:s23] =	ssyncadd.s32 $0xFFFFFFFF  }
0xa5: {  	s26 =	simm.s32 $execute0_lowered;
	[smem:$0x3FD2] =	sst s25  }
0xa6: {  	s4 =	sshll.u32 s26, $0x1;
	_ =	strace $0x80000046;
	[dreg:$0x1] =	wrdreg $0xFFFFFFFF  }
0xa7: {  	s28 =	simm.s32 $_size_execute0_lowered;
	s2 =	sadd.s32 s2, s4;
	[dreg:$0x0] =	wrdreg $0x0  }
0xa8: {  	s4 =	sshll.u32 s28, $0x1;
	[dreg:$0x2] =	wrdreg s2  }
0xa9: {  	[dreg:$0x3] =	wrdreg s4  }
0xaa: {  	[dreg:$0x4] =	wrdreg $0xC0  }
0xab: {  	_ =	task [dreg:s6], $0x5FFFF  }
0xac: {  	[dreg:$0x1] =	wrdreg $0xFFFFFFFF  }
0xad: {  	[dreg:$0x0] =	wrdreg $0x60  }
0xae: {  	[dreg:$0x2] =	wrdreg s24  }
0xaf: {  	[dreg:$0x3] =	wrdreg $0x9  }
0xb0: {  	_ =	task.clear_ibuf [dreg:s6], $0x4FFFF;
	_ =	strace $0x90000046  }
0xb1: {  	s29 =	simm.s32 $0x9;
	_ =	strace $0x80000048  }
0xb2: {  	_ =	swait.ge [sflag:s29], $0x1  }
0xb3: {  	[sflag:s29] =	ssyncadd.s32 $0xFFFFFFFF  }
0xb4: {  	_ =	strace $0x90000048  }
0xb5: {  	_ =	sfence  }
0xb6: {  	s30 =	sld [smem:$0x0];
	_ =	sdelay $0x2  }
0xb7: {  	s31 =	sshll.u32 s1, $0xD;
	s1 =	sshrl.u32 s1, $0x2  }
0xb8: {  	s3 =	sand.u32 $0x4000, s31;
	s1 =	sadd.s32 s1, s30  }
0xb9: {  	s0 =	sor.u32 s3, s0;
	s1 =	sshll.u32 s1, $0x11  }
0xba: {  	s0 =	sor.u32 s1, s0  }
0xbb: {  	s0 =	sadd.s32 $0x8F2B, s0  }
0xbc: {  	[sflag:s0] =	ssyncadd.remote.s32 $0x1  }
0xbd: {  	_ =	sfence.sel $0xFFFF  }
0xbe: {  	[dreg:$0x0] =	wrdreg $0xFFFFFFFF;
	(pc) =	sbr.abs _section_cstart, $3  }
0xbf: {  	[dreg:$0x1] =	wrdreg $0xFFFFFFFF  }
0xc0: {  	_ =	task.clear_ibuf [dreg:s6], $0x2FFFF;
	_ =	strace $0x9FFFFFFF  }
0xc1: {  	(tm) =	ssettm $0x7FFFFFFF  }
tec
execute0_lowered:
.L_overlay_start_1:
0x0: {  	(tag) =	ssettag $0x1  }
0x1: {  	s0 =	rddreg [dreg:$0x0]  }
0x2: {  	s3 =	srdreg.scid;
	s1 =	stileid.u32;
	s2 =	simm.s32 $0x0  }
0x3: {  	s9 =	simm.s32 $0x900;
	s10 =	simm.s32 $0x1100;
	s11 =	simm.s32 $0x1900  }
0x4: {  	s12 =	simm.s32 $0x2100;
	s13 =	simm.s32 $0x2900;
	s14 =	simm.s32 $0x3100  }
0x5: {  	s15 =	simm.s32 $0x3900;
	s16 =	simm.s32 $0x4100;
	s17 =	simm.s32 $0x4900  }
0x6: {  	s18 =	simm.s32 $0x5100;
	s19 =	simm.s32 $0x5900;
	s20 =	simm.s32 $0x6100  }
0x7: {  	s21 =	simm.s32 $0x6900;
	s22 =	simm.s32 $0x7100;
	s23 =	simm.s32 $0x7900  }
0x8: {  	s24 =	simm.s32 $0x8100;
	s25 =	simm.s32 $0x8900;
	s28 =	simm.s32 $0x9900  }
0x9: {  	s29 =	simm.s32 $0x1;
	s30 =	simm.s32 $0x0;
	s5 =	smul.u32 $0x13880, s1  }
0xa: {  	s4 =	sand.u32 $0x1, s3;
	[smem:$0x7FF] =	sst s2;
	s7 =	smul.u32 $0x271000, s1  }
0xb: {  	s3 =	sadd.s32 $0x52400, s0;
	s6 =	smul.u32 $0x9C40, s4;
	s8 =	ssub.s32 $0x2, s4  }
0xc: {  	_ =	strace $0x80000047;
	s4 =	smul.u32 $0x138800, s4;
	s31 =	sshrl.u32 s8, $0x1  }
0xd: {  	s26 =	sadd.s32 s7, s0;
	s5 =	sadd.s32 s6, s5;
	s7 =	ssub.s32 s8, s31  }
0xe: {  	v2 =	vlaneseq.u32;
	s6 =	sadd.s32 s4, s26;
	s8 =	simm.s32 $0x100;
	s5 =	sshrl.u32 s5, $0x3  }
0xf: {  	vm0 =	vmmov $0xffff;
	v1 =	vshrl.u32 v2, $0x3;
	s26 =	simm.s32 $0x9100;
	s4 =	smax.u32 s7, $0x1;
	s0 =	sadd.s32 s5, s0  }
0x10: {  	v0 =	vand.u32 $0x7, v2;
	v2 =	vor.u32 $0x8, v2;
	v1 =	vmul.u32 $0x8, v1;
	s7 =	simm.s32 $0x2;
	s5 =	sadd.s32 $0x2C3400, s6;
	s6 =	sadd.s32 $0x4000, s0  }
.LBB2_1:
0x11: {  	s31 =	smov.u32 s5;
	s0 =	simm.s32 $0x0  }
.LBB2_2:
0x12: {  	s1 =	sadd.s32 s0, s6  }
0x13: {  	[tilespmem:s2], [sflag:$0x2] =	stream.linear.gather [hbm4b:s1+s2], $0xA0, $0x38;
	[tilespmem:$0xA100] =	vst v63  }
0x14: {  	_ =	swait.ge [sflag:s7], $0xA0  }
0x15: {  	[sflag:s7] =	ssyncset.done $0x0  }
0x16: {  	[sflag:s7] =	ssyncadd.s32 $0xFFFFFF60  }
0x17: {  	v3 =	vld [tilespmem:$0x0];
	_ =	sdelay $0x4  }
0x18: {  	v4 =	vshll.u32 v3, $0x1  }
0x19: {  	v3 =	vand.u32 $0x7, v3;
	v4 =	vand.u32 $0xFFFFFFF0, v4  }
0x1a: {  	v3 =	vor.u32 v3, v4  }
0x1b: {  	v4 =	vperm.xlane v3, v0;
	_ =	sdelay $0x1  }
0x1c: {  	v3 =	vperm.xlane v3, v2;
	v4 =	vadd.s32 v1, v4;
	_ =	sdelay $0x1  }
0x1d: {  	v3 =	vadd.s32 v1, v3;
	_ =	sdelay $0x2  }
0x1e: {  	[tilespmem:s8], [sflag:$0x1] =	stream.indirect_vreg.gather [hbm4b:s3+s2], $0x80, v4, vm0, $0xb8;
	[tilespmem:$0xA100] =	vst v63  }
0x1f: {  	_ = 	snop  }
0x20: {  	[tilespmem:s9], [sflag:$0x1] =	stream.indirect_vreg.gather [hbm4b:s3+s2], $0x80, v3, vm0, $0xb8;
	[tilespmem:$0xA100] =	vst v63  }
0x21: {  	v3 =	vld [tilespmem:$0x10];
	_ =	sdelay $0x4  }
0x22: {  	v55 =	vshll.u32 v3, $0x1  }
0x23: {  	v3 =	vand.u32 $0x7, v3;
	v4 =	vand.u32 $0xFFFFFFF0, v55  }
0x24: {  	v3 =	vor.u32 v3, v4  }
0x25: {  	v4 =	vperm.xlane v3, v0;
	_ =	sdelay $0x1  }
0x26: {  	v3 =	vperm.xlane v3, v2;
	v4 =	vadd.s32 v1, v4;
	_ =	sdelay $0x1  }
0x27: {  	v3 =	vadd.s32 v1, v3;
	_ =	sdelay $0x2  }
0x28: {  	[tilespmem:s10], [sflag:$0x1] =	stream.indirect_vreg.gather [hbm4b:s3+s2], $0x80, v4, vm0, $0xb8;
	[tilespmem:$0xA100] =	vst v63  }
0x29: {  	_ = 	snop  }
0x2a: {  	[tilespmem:s11], [sflag:$0x1] =	stream.indirect_vreg.gather [hbm4b:s3+s2], $0x80, v3, vm0, $0xb8;
	[tilespmem:$0xA100] =	vst v63  }
0x2b: {  	v3 =	vld [tilespmem:$0x20];
	_ =	sdelay $0x4  }
0x2c: {  	v56 =	vshll.u32 v3, $0x1  }
0x2d: {  	v3 =	vand.u32 $0x7, v3;
	v4 =	vand.u32 $0xFFFFFFF0, v56  }
0x2e: {  	v3 =	vor.u32 v3, v4  }
0x2f: {  	v4 =	vperm.xlane v3, v0;
	_ =	sdelay $0x1  }
0x30: {  	v3 =	vperm.xlane v3, v2;
	v4 =	vadd.s32 v1, v4;
	_ =	sdelay $0x1  }
0x31: {  	v3 =	vadd.s32 v1, v3;
	_ =	sdelay $0x2  }
0x32: {  	[tilespmem:s12], [sflag:$0x1] =	stream.indirect_vreg.gather [hbm4b:s3+s2], $0x80, v4, vm0, $0xb8;
	[tilespmem:$0xA100] =	vst v63  }
0x33: {  	_ = 	snop  }
0x34: {  	[tilespmem:s13], [sflag:$0x1] =	stream.indirect_vreg.gather [hbm4b:s3+s2], $0x80, v3, vm0, $0xb8;
	[tilespmem:$0xA100] =	vst v63  }
0x35: {  	v3 =	vld [tilespmem:$0x30];
	_ =	sdelay $0x4  }
0x36: {  	v57 =	vshll.u32 v3, $0x1  }
0x37: {  	v3 =	vand.u32 $0x7, v3;
	v4 =	vand.u32 $0xFFFFFFF0, v57  }
0x38: {  	v3 =	vor.u32 v3, v4  }
0x39: {  	v4 =	vperm.xlane v3, v0;
	_ =	sdelay $0x1  }
0x3a: {  	v3 =	vperm.xlane v3, v2;
	v4 =	vadd.s32 v1, v4;
	_ =	sdelay $0x1  }
0x3b: {  	v3 =	vadd.s32 v1, v3;
	_ =	sdelay $0x2  }
0x3c: {  	[tilespmem:s14], [sflag:$0x1] =	stream.indirect_vreg.gather [hbm4b:s3+s2], $0x80, v4, vm0, $0xb8;
	[tilespmem:$0xA100] =	vst v63  }
0x3d: {  	_ = 	snop  }
0x3e: {  	[tilespmem:s15], [sflag:$0x1] =	stream.indirect_vreg.gather [hbm4b:s3+s2], $0x80, v3, vm0, $0xb8;
	[tilespmem:$0xA100] =	vst v63  }
0x3f: {  	v3 =	vld [tilespmem:$0x40];
	_ =	sdelay $0x4  }
0x40: {  	v58 =	vshll.u32 v3, $0x1  }
0x41: {  	v3 =	vand.u32 $0x7, v3;
	v4 =	vand.u32 $0xFFFFFFF0, v58  }
0x42: {  	v3 =	vor.u32 v3, v4  }
0x43: {  	v4 =	vperm.xlane v3, v0;
	_ =	sdelay $0x1  }
0x44: {  	v3 =	vperm.xlane v3, v2;
	v4 =	vadd.s32 v1, v4;
	_ =	sdelay $0x1  }
0x45: {  	v3 =	vadd.s32 v1, v3;
	_ =	sdelay $0x2  }
0x46: {  	[tilespmem:s16], [sflag:$0x1] =	stream.indirect_vreg.gather [hbm4b:s3+s2], $0x80, v4, vm0, $0xb8;
	[tilespmem:$0xA100] =	vst v63  }
0x47: {  	_ = 	snop  }
0x48: {  	[tilespmem:s17], [sflag:$0x1] =	stream.indirect_vreg.gather [hbm4b:s3+s2], $0x80, v3, vm0, $0xb8;
	[tilespmem:$0xA100] =	vst v63  }
0x49: {  	v3 =	vld [tilespmem:$0x50];
	_ =	sdelay $0x4  }
0x4a: {  	v59 =	vshll.u32 v3, $0x1  }
0x4b: {  	v3 =	vand.u32 $0x7, v3;
	v4 =	vand.u32 $0xFFFFFFF0, v59  }
0x4c: {  	v3 =	vor.u32 v3, v4  }
0x4d: {  	v4 =	vperm.xlane v3, v0;
	_ =	sdelay $0x1  }
0x4e: {  	v3 =	vperm.xlane v3, v2;
	v4 =	vadd.s32 v1, v4;
	_ =	sdelay $0x1  }
0x4f: {  	v3 =	vadd.s32 v1, v3;
	_ =	sdelay $0x2  }
0x50: {  	[tilespmem:s18], [sflag:$0x1] =	stream.indirect_vreg.gather [hbm4b:s3+s2], $0x80, v4, vm0, $0xb8;
	[tilespmem:$0xA100] =	vst v63  }
0x51: {  	_ = 	snop  }
0x52: {  	[tilespmem:s19], [sflag:$0x1] =	stream.indirect_vreg.gather [hbm4b:s3+s2], $0x80, v3, vm0, $0xb8;
	[tilespmem:$0xA100] =	vst v63  }
0x53: {  	v3 =	vld [tilespmem:$0x60];
	_ =	sdelay $0x4  }
0x54: {  	v60 =	vshll.u32 v3, $0x1  }
0x55: {  	v3 =	vand.u32 $0x7, v3;
	v4 =	vand.u32 $0xFFFFFFF0, v60  }
0x56: {  	v3 =	vor.u32 v3, v4  }
0x57: {  	v4 =	vperm.xlane v3, v0;
	_ =	sdelay $0x1  }
0x58: {  	v3 =	vperm.xlane v3, v2;
	v4 =	vadd.s32 v1, v4;
	_ =	sdelay $0x1  }
0x59: {  	v3 =	vadd.s32 v1, v3;
	_ =	sdelay $0x2  }
0x5a: {  	[tilespmem:s20], [sflag:$0x1] =	stream.indirect_vreg.gather [hbm4b:s3+s2], $0x80, v4, vm0, $0xb8;
	[tilespmem:$0xA100] =	vst v63  }
0x5b: {  	_ = 	snop  }
0x5c: {  	[tilespmem:s21], [sflag:$0x1] =	stream.indirect_vreg.gather [hbm4b:s3+s2], $0x80, v3, vm0, $0xb8;
	[tilespmem:$0xA100] =	vst v63  }
0x5d: {  	v3 =	vld [tilespmem:$0x70];
	_ =	sdelay $0x4  }
0x5e: {  	v61 =	vshll.u32 v3, $0x1  }
0x5f: {  	v3 =	vand.u32 $0x7, v3;
	v4 =	vand.u32 $0xFFFFFFF0, v61  }
0x60: {  	v3 =	vor.u32 v3, v4  }
0x61: {  	v4 =	vperm.xlane v3, v0;
	_ =	sdelay $0x1  }
0x62: {  	v3 =	vperm.xlane v3, v2;
	v4 =	vadd.s32 v1, v4;
	_ =	sdelay $0x1  }
0x63: {  	v3 =	vadd.s32 v1, v3;
	_ =	sdelay $0x2  }
0x64: {  	[tilespmem:s22], [sflag:$0x1] =	stream.indirect_vreg.gather [hbm4b:s3+s2], $0x80, v4, vm0, $0xb8;
	[tilespmem:$0xA100] =	vst v63  }
0x65: {  	_ = 	snop  }
0x66: {  	[tilespmem:s23], [sflag:$0x1] =	stream.indirect_vreg.gather [hbm4b:s3+s2], $0x80, v3, vm0, $0xb8;
	[tilespmem:$0xA100] =	vst v63  }
0x67: {  	v3 =	vld [tilespmem:$0x80];
	_ =	sdelay $0x4  }
0x68: {  	v62 =	vshll.u32 v3, $0x1  }
0x69: {  	v3 =	vand.u32 $0x7, v3;
	v4 =	vand.u32 $0xFFFFFFF0, v62  }
0x6a: {  	v3 =	vor.u32 v3, v4  }
0x6b: {  	v4 =	vperm.xlane v3, v0;
	_ =	sdelay $0x1  }
0x6c: {  	v3 =	vperm.xlane v3, v2;
	v4 =	vadd.s32 v1, v4;
	_ =	sdelay $0x1  }
0x6d: {  	v3 =	vadd.s32 v1, v3;
	_ =	sdelay $0x2  }
0x6e: {  	[tilespmem:s24], [sflag:$0x1] =	stream.indirect_vreg.gather [hbm4b:s3+s2], $0x80, v4, vm0, $0xb8;
	[tilespmem:$0xA100] =	vst v63  }
0x6f: {  	_ = 	snop  }
0x70: {  	[tilespmem:s25], [sflag:$0x1] =	stream.indirect_vreg.gather [hbm4b:s3+s2], $0x80, v3, vm0, $0xb8;
	[tilespmem:$0xA100] =	vst v63  }
0x71: {  	v3 =	vld [tilespmem:$0x90];
	_ =	sdelay $0x4  }
0x72: {  	v63 =	vshll.u32 v3, $0x1  }
0x73: {  	v3 =	vand.u32 $0x7, v3;
	v4 =	vand.u32 $0xFFFFFFF0, v63  }
0x74: {  	v3 =	vor.u32 v3, v4  }
0x75: {  	v4 =	vperm.xlane v3, v0;
	_ =	sdelay $0x1  }
0x76: {  	v3 =	vperm.xlane v3, v2;
	v4 =	vadd.s32 v1, v4;
	_ =	sdelay $0x1  }
0x77: {  	v3 =	vadd.s32 v1, v3;
	_ =	sdelay $0x2  }
0x78: {  	[tilespmem:s26], [sflag:$0x1] =	stream.indirect_vreg.gather [hbm4b:s3+s2], $0x80, v4, vm0, $0xb8;
	[tilespmem:$0xA100] =	vst v63  }
0x79: {  	_ = 	snop  }
0x7a: {  	[tilespmem:s28], [sflag:$0x1] =	stream.indirect_vreg.gather [hbm4b:s3+s2], $0x80, v3, vm0, $0xb8;
	[tilespmem:$0xA100] =	vst v63  }
0x7b: {  	_ =	swait.ge [sflag:s29], $0xA000  }
0x7c: {  	p0 =	sne.s32 s0, $0x1374;
	[sflag:s29] =	ssyncset.done $0x0  }
.Ltmp0:
0x7d: {  	[sflag:s29] =	ssyncadd.s32 $0xFFFF6000;
	(pc) =	sbr.rel @p0 .LBB2_2-.Ltmp0, $4  }
0x7e: {  	[hbm4b:s31+s2] =	stream.linear.scatter [tilespmem:s8], [sflag:$0x2], $0xA000, $0x38;
	[tilespmem:$0xA100] =	vst v63  }
0x7f: {  	_ =	swait.ge [sflag:s7], $0xA000  }
0x80: {  	[sflag:s7] =	ssyncset.done $0x0  }
0x81: {  	s0 =	sadd.s32 $0x14, s0;
	s31 =	sadd.s32 $0x1400, s31;
	[sflag:s7] =	ssyncadd.s32 $0xFFFF6000  }
0x82: {  	s30 =	sadd.s32 $0x1, s30  }
0x83: {  	p0 =	sne.s32 s30, s4  }
.Ltmp1:
0x84: {  	_ = 	snop;
	(pc) =	sbr.rel @p0 .LBB2_1-.Ltmp1, $1  }
0x85: {  	_ =	sdelay $0x3  }
0x86: {  	_ =	sfence.sel $0x180000  }
0x87: {  	[bflag:$0x0] =	sbarrier.arrive $0xFFFF  }
0x88: {  	_ =	strace $0x90000047  }
0x89: {  	s0 =	stileid.u32;
	[bflag:$0x2] =	sbarrier.arrive $0xFFFF  }
0x8a: {  	p0 =	sne.s32 s0, $0x0;
	s0 =	rddreg [dreg:$0x1]  }
0x8b: {  	s0 =	sadd.s32 @!p0 $0x100000, s0  }
0x8c: {  	[sflag:s0] =	ssyncadd.tile.s32 @!p0 $0x1;
	_ =	shalt  }
.Lfunc_end2:
_tile_overlayer_lowered:
.L_overlay_start_2:
0x8d: {  	(tag) =	ssettag $0x2  }
0x8e: {  	s0 =	rddreg [dreg:$0x0];
	s2 =	stileid.u32  }
0x8f: {  	s1 =	rddreg [dreg:$0x1];
	p0 =	sne.s32 s2, $0x0  }
0x90: {  	s3 =	rddreg [dreg:$0x2];
	[bflag:$0x3] =	sbarrier.arrive $0xFFFF;
	s2 =	simm.s32 @!p0 $0x1C02  }
0x91: {  	[timem:s3], [sflag:s2] =	dma.local @!p0 [hbm:s0], s1  }
0x92: {  	s0 =	simm.s32 @!p0 $0x2  }
0x93: {  	_ =	swait.ge @!p0 [sflag:s0], s1  }
0x94: {  	s1 =	ssub.s32 @!p0 $0x0, s1;
	[sflag:s0] =	ssyncset.done @!p0 $0x0  }
0x95: {  	[sflag:s0] =	ssyncadd.s32 @!p0 s1  }
0x96: {  	[bflag:$0x3] =	sbarrier.arrive $0xFFFF  }
0x97: {  	_ =	shalt  }

// kernel: kernel.15.cloned.1.call-start
scs
__scs_entry_jumppad:
0x0: {  	(pc) =	sbr.rel $0x88, $3  }
0x1: {  	(tag) =	ssettag $0x0;
	lr =	simm.s32 $0x1  }
0x2: {  	[smem:$0x3F8D] =	sst lr;
	_ =	strace $0xD0000000  }
0x3: {  	_ = 	snop  }
0x4: {  	_ = 	snop  }
0x5: {  	_ = 	snop  }
0x6: {  	_ = 	snop  }
0x7: {  	_ = 	snop  }
__scs_overlays_trampoline_lowered:
0x8: {  	[smem:$0x3F9C] =	sst s0  }
0x9: {  	[smem:$0x3F9D] =	sst s1  }
0xa: {  	[smem:$0x3F9E] =	sst s2  }
0xb: {  	[smem:$0x3F9F] =	sst s3  }
0xc: {  	[smem:$0x3FA0] =	sst s4  }
0xd: {  	[smem:$0x3FA1] =	sst s5  }
0xe: {  	[smem:$0x3FA2] =	sst s6  }
0xf: {  	[smem:$0x3FA3] =	sst s7  }
0x10: {  	[smem:$0x3FA4] =	sst s8  }
0x11: {  	[smem:$0x3FA5] =	sst s9;
	s0 =	simm.s32 @!p0 $0x0  }
0x12: {  	s1 =	sld [smem:$0x3F8B];
	s0 =	simm.s32 @p0 $0x1  }
0x13: {  	[smem:$0x3FA6] =	sst s0;
	s0 =	simm.s32 @!p1 $0x0  }
0x14: {  	s2 =	sld [smem:$0x3F8A];
	s0 =	simm.s32 @p1 $0x1  }
0x15: {  	[smem:$0x3FA7] =	sst s0;
	s0 =	simm.s32 @!p2 $0x0  }
0x16: {  	s3 =	sld [smem:$0x3FDB];
	s0 =	simm.s32 @p2 $0x1  }
0x17: {  	s4 =	simm.s32 $0x1BF5;
	[smem:$0x3FA9] =	sst s0  }
0x18: {  	s0 =	sld [smem:$0x3F8C];
	_ =	swait.ge [sflag:s4], $0x0  }
0x19: {  	s7 =	sld [smem:$0x3F8D]  }
0x1a: {  	s8 =	sadd.s32 $0xFFFFE003, lr  }
0x1b: {  	s9 =	sadd.s32 $0xFFFFFEF7, lr;
	s5 =	simm.s32 $0xFFFFFFFF;
	p2 =	slt.u32 s8, $0xFFFFF086  }
0x1c: {  	p1 =	slt.u32 s9, $0xF7A;
	s5 =	simm.s32 @!p2 $0x0  }
0x1d: {  	s5 =	simm.s32 @p1 $0x1;
	p0 =	seq.s32 s7, s2  }
0x1e: {  	s7 =	smul.u32 @!p0 $0xF7A, s2;
	p2 =	seq.s32 @!p0 s5, $0x0  }
0x1f: {  	s9 =	smul.u32 $0xF7A, s1;
	s8 =	simm.s32 @!p0 $0x1BF5;
	p2 =	por !p2, p0  }
0x20: {  	[sflag:s8] =	ssyncset.s32 @!p0 $0xFFFFF086;
	s6 =	sadd.s32 @!p0 s3, s7;
	s7 =	simm.s32 @!p0 $0x108  }
0x21: {  	s3 =	sadd.s32 s3, s9;
	s6 =	sadd.s32 @!p0 $0x88, s6;
	s7 =	simm.s32 @p2 $0x1082  }
0x22: {  	[simem:s7], [sflag:s8] =	dma.local @!p0 [hbm:s6], $0xF7A  }
0x23: {  	s9 =	sor.u32 $0xD0000000, s2;
	s6 =	simm.s32 $0x108;
	_ =	swait.ge @!p0 [sflag:s8], $0x0  }
0x24: {  	s3 =	sadd.s32 $0x88, s3;
	s6 =	simm.s32 @!p1 $0x1082;
	[sflag:s4] =	ssyncset.s32 $0xFFFFF086  }
0x25: {  	[simem:s6], [sflag:s4] =	dma.local [hbm:s3], $0xF7A  }
0x26: {  	[smem:$0x3F8D] =	sst s1;
	(tag) =	ssettag s2;
	_ =	strace s9  }
0x27: {  	s1 =	sld [smem:$0x3F9D]  }
0x28: {  	s2 =	sld [smem:$0x3F9E]  }
0x29: {  	s4 =	sld [smem:$0x3FA0]  }
0x2a: {  	p0 =	seq.s32 s5, $0x0;
	s5 =	sld [smem:$0x3FA1]  }
0x2b: {  	s6 =	sld [smem:$0x3FA2]  }
0x2c: {  	s7 =	sld [smem:$0x3FA3]  }
0x2d: {  	s3 =	simm.s32 $0x108;
	s8 =	sld [smem:$0x3FA4]  }
0x2e: {  	s3 =	simm.s32 @!p0 $0x1082;
	s9 =	sld [smem:$0x3FA5]  }
0x2f: {  	lr =	sadd.s32 s0, s3;
	s0 =	sld [smem:$0x3F9C]  }
0x30: {  	s3 =	sld [smem:$0x3F9F]  }
0x31: {  	[smem:$0x3FA8] =	sst s10  }
0x32: {  	s10 =	sld [smem:$0x3FA6];
	_ =	sdelay $0x3  }
0x33: {  	p0 =	seq.s32 s10, $0x1;
	s10 =	sld [smem:$0x3FA8];
	_ =	sdelay $0x3  }
0x34: {  	[smem:$0x3FA8] =	sst s10  }
0x35: {  	s10 =	sld [smem:$0x3FA7];
	_ =	sdelay $0x3  }
0x36: {  	p1 =	seq.s32 s10, $0x1;
	s10 =	sld [smem:$0x3FA8];
	_ =	sdelay $0x3  }
0x37: {  	[smem:$0x3FA8] =	sst s10  }
0x38: {  	s10 =	sld [smem:$0x3FA9]  }
0x39: {  	_ = 	snop;
	(pc) =	sbr.ind lr, $3  }
0x3a: {  	_ = 	snop  }
0x3b: {  	_ = 	snop  }
0x3c: {  	p2 =	seq.s32 s10, $0x1;
	s10 =	sld [smem:$0x3FA8]  }
0x3d: {  	_ =	shalt  }
0x3e: {  	_ =	shalt  }
0x3f: {  	_ =	shalt  }
0x40: {  	_ =	shalt  }
0x41: {  	_ =	shalt  }
0x42: {  	_ =	shalt  }
0x43: {  	_ =	shalt  }
0x44: {  	_ =	shalt  }
0x45: {  	_ =	shalt  }
0x46: {  	_ =	shalt  }
0x47: {  	_ =	shalt  }
0x48: {  	_ =	shalt  }
0x49: {  	_ =	shalt  }
0x4a: {  	_ =	shalt  }
0x4b: {  	_ =	shalt  }
0x4c: {  	_ =	shalt  }
0x4d: {  	_ =	shalt  }
0x4e: {  	_ =	shalt  }
0x4f: {  	_ =	shalt  }
0x50: {  	_ =	shalt  }
0x51: {  	_ =	shalt  }
0x52: {  	_ =	shalt  }
0x53: {  	_ =	shalt  }
0x54: {  	_ =	shalt  }
0x55: {  	_ =	shalt  }
0x56: {  	_ =	shalt  }
0x57: {  	_ =	shalt  }
0x58: {  	_ =	shalt  }
0x59: {  	_ =	shalt  }
0x5a: {  	_ =	shalt  }
0x5b: {  	_ =	shalt  }
0x5c: {  	_ =	shalt  }
0x5d: {  	_ =	shalt  }
0x5e: {  	_ =	shalt  }
0x5f: {  	_ =	shalt  }
0x60: {  	_ =	shalt  }
0x61: {  	_ =	shalt  }
0x62: {  	_ =	shalt  }
0x63: {  	_ =	shalt  }
0x64: {  	_ =	shalt  }
0x65: {  	_ =	shalt  }
0x66: {  	_ =	shalt  }
0x67: {  	_ =	shalt  }
0x68: {  	_ =	shalt  }
0x69: {  	_ =	shalt  }
0x6a: {  	_ =	shalt  }
0x6b: {  	_ =	shalt  }
0x6c: {  	_ =	shalt  }
0x6d: {  	_ =	shalt  }
0x6e: {  	_ =	shalt  }
0x6f: {  	_ =	shalt  }
0x70: {  	_ =	shalt  }
0x71: {  	_ =	shalt  }
0x72: {  	_ =	shalt  }
0x73: {  	_ =	shalt  }
0x74: {  	_ =	shalt  }
0x75: {  	_ =	shalt  }
0x76: {  	_ =	shalt  }
0x77: {  	_ =	shalt  }
0x78: {  	_ =	shalt  }
0x79: {  	_ =	shalt  }
0x7a: {  	_ =	shalt  }
0x7b: {  	_ =	shalt  }
0x7c: {  	_ =	shalt  }
0x7d: {  	_ =	shalt  }
0x7e: {  	_ =	shalt  }
0x7f: {  	_ =	shalt  }
0x80: {  	_ =	shalt  }
0x81: {  	_ =	shalt  }
0x82: {  	_ =	shalt  }
0x83: {  	_ =	shalt  }
0x84: {  	_ =	shalt  }
0x85: {  	_ =	shalt  }
0x86: {  	_ =	shalt  }
0x87: {  	_ =	shalt  }
.Lfunc_end0:
.L_simem_size_0:
called_computation.1_lowered:
.L_overlay_start_0:
0x88: {  	s2 =	sld [smem:$0x3FD9]  }
0x89: {  	s3 =	sld [smem:$0x3FFE];
	_ =	sdelay $0x1  }
0x8a: {  	s1 =	srdreg.scid  }
0x8b: {  	s0 =	sand.u32 $0x1, s1  }
0x8c: {  	s17 =	sshll.u32 s0, $0xA;
	s2 =	sadd.s32 s3, s2  }
0x8d: {  	s2 =	sadd.s32 s2, s17  }
0x8e: {  	[smem:$0x3FB4] =	sst s2  }
0x8f: {  	_ = 	snop  }
0x90: {  	s18 =	sld [smem:$0x3FD0];
	(tm) =	ssettm $0x1  }
0x91: {  	s19 =	sld [smem:$0x3FFB];
	_ =	sdelay $0x3  }
0x92: {  	_ =	strace s19  }
0x93: {  	s2 =	sld [smem:$0x3FFC];
	_ =	sdelay $0x3  }
0x94: {  	_ =	strace s2  }
0x95: {  	s2 =	sld [smem:$0x3FFD];
	_ =	sdelay $0x3  }
0x96: {  	_ =	strace s2  }
0x97: {  	_ =	strace $0x8FFFFFFF  }
0x98: {  	s20 =	sld [smem:$0x3FDB];
	_ =	sdelay $0x1  }
0x99: {  	s4 =	simm.s32 $_scs_section_size  }
0x9a: {  	s5 =	simm.s32 $_size__tile_overlayer_lowered;
	s6 =	simm.s32 $_tile_overlayer_lowered  }
0x9b: {  	s7 =	simm.s32 $0x1BFF;
	s21 =	sshll.u32 s6, $0x1;
	s4 =	sadd.s32 s4, s20  }
0x9c: {  	s22 =	simm.s32 $0x0;
	s5 =	sshll.u32 s5, $0x1;
	s6 =	sadd.s32 s21, s4  }
0x9d: {  	[timem:s22], [sflag:s7] =	dma.local [hbm:s6], s5  }
0x9e: {  	_ =	swait.ge [sflag:s7], s5  }
0x9f: {  	s5 =	ssub.s32 $0x0, s5;
	[sflag:s7] =	ssyncset.done $0x0  }
0xa0: {  	[sflag:s7] =	ssyncadd.s32 s5;
	_ =	sdelay $0x1  }
0xa1: {  	s23 =	simm.s32 $0x1B8B  }
0xa2: {  	_ =	swait.ge [sflag:s23], $0x1  }
0xa3: {  	[sflag:s23] =	ssyncset.done $0x0  }
0xa4: {  	[sflag:s23] =	ssyncadd.s32 $0xFFFFFFFF  }
0xa5: {  	s5 =	sld [smem:$0x0]  }
0xa6: {  	s6 =	sand.u32 $0xFFFFFFFE, s1  }
0xa7: {  	p0 =	sne.s32 s1, s6  }
0xa8: {  	s6 =	sshll.u32 @p0 s6, $0xE  }
0xa9: {  	s6 =	sadd.s32 @p0 $0x11B8D, s6;
	s7 =	sshll.u32 @p0 s5, $0x11  }
0xaa: {  	s6 =	sor.u32 @p0 s7, s6  }
0xab: {  	[sflag:s6] =	ssyncadd.remote.s32 @p0 $0x1;
	_ =	sdelay $0x1  }
0xac: {  	s6 =	simm.s32 @p0 $0x1B8D  }
0xad: {  	_ =	swait.eq @p0 [sflag:s6], $0x1  }
0xae: {  	[sflag:s6] =	ssyncadd.s32 @p0 $0xFFFFFFFF  }
0xaf: {  	s7 =	sshll.u32 @!p0 s1, $0xE  }
0xb0: {  	s7 =	sor.u32 @!p0 $0x4000, s7;
	s6 =	simm.s32 @!p0 $0x1B8D  }
0xb1: {  	s5 =	sshll.u32 @!p0 s5, $0x11;
	s7 =	sadd.s32 @!p0 $0x11B8D, s7;
	_ =	swait.eq @!p0 [sflag:s6], $0x1  }
0xb2: {  	s5 =	sor.u32 @!p0 s5, s7;
	[sflag:s6] =	ssyncadd.s32 @!p0 $0xFFFFFFFF  }
0xb3: {  	s25 =	simm.s32 $0x1B8E;
	s24 =	sld [smem:$0x3FFE];
	[sflag:s5] =	ssyncadd.remote.s32 @!p0 $0x1  }
0xb4: {  	s26 =	simm.s32 $execute0_lowered;
	[smem:$0x3FD2] =	sst s25  }
0xb5: {  	s6 =	sshll.u32 s26, $0x1;
	_ =	strace $0x80000049;
	[dreg:$0x1] =	wrdreg $0xFFFFFFFF  }
0xb6: {  	s28 =	simm.s32 $_size_execute0_lowered;
	s4 =	sadd.s32 s4, s6;
	[dreg:$0x0] =	wrdreg $0x0  }
0xb7: {  	s6 =	sshll.u32 s28, $0x1;
	[dreg:$0x2] =	wrdreg s4  }
0xb8: {  	[dreg:$0x3] =	wrdreg s6  }
0xb9: {  	[dreg:$0x4] =	wrdreg $0xC0  }
0xba: {  	_ =	task [dreg:s22], $0x5FFFF  }
0xbb: {  	[dreg:$0x1] =	wrdreg $0xFFFFFFFF  }
0xbc: {  	[dreg:$0x0] =	wrdreg $0x60  }
0xbd: {  	[dreg:$0x2] =	wrdreg s18  }
0xbe: {  	[dreg:$0x3] =	wrdreg s24  }
0xbf: {  	[dreg:$0x4] =	wrdreg $0xA  }
0xc0: {  	_ =	task.clear_ibuf [dreg:s22], $0x5FFFF;
	_ =	strace $0x90000049  }
0xc1: {  	s29 =	simm.s32 $0xA;
	_ =	strace $0x8000004B  }
0xc2: {  	_ =	swait.ge [sflag:s29], $0x1  }
0xc3: {  	[sflag:s29] =	ssyncadd.s32 $0xFFFFFFFF  }
0xc4: {  	_ =	strace $0x9000004B  }
0xc5: {  	_ =	sfence  }
0xc6: {  	s30 =	sld [smem:$0x0];
	_ =	sdelay $0x2  }
0xc7: {  	s31 =	sshll.u32 s1, $0xD;
	s1 =	sshrl.u32 s1, $0x2  }
0xc8: {  	s4 =	sand.u32 $0x4000, s31;
	s1 =	sadd.s32 s1, s30  }
0xc9: {  	s0 =	sor.u32 s4, s0;
	s1 =	sshll.u32 s1, $0x11  }
0xca: {  	s0 =	sor.u32 s1, s0  }
0xcb: {  	s0 =	sadd.s32 $0x8F2B, s0  }
0xcc: {  	[sflag:s0] =	ssyncadd.remote.s32 $0x1  }
0xcd: {  	_ =	sfence.sel $0xFFFF  }
0xce: {  	[dreg:$0x0] =	wrdreg $0xFFFFFFFF;
	(pc) =	sbr.abs _section_cstart, $3  }
0xcf: {  	[dreg:$0x1] =	wrdreg $0xFFFFFFFF  }
0xd0: {  	_ =	task.clear_ibuf [dreg:s22], $0x2FFFF;
	_ =	strace $0x9FFFFFFF  }
0xd1: {  	(tm) =	ssettm $0x7FFFFFFF  }
tec
execute0_lowered:
.L_overlay_start_1:
0x0: {  	(tag) =	ssettag $0x1  }
0x1: {  	s2 =	rddreg [dreg:$0x0];
	s1 =	srdreg.scid  }
0x2: {  	s0 =	stileid.u32;
	s4 =	rddreg [dreg:$0x1];
	s3 =	simm.s32 $0x0  }
0x3: {  	s10 =	simm.s32 $0x1;
	s11 =	simm.s32 $0x0;
	s6 =	smul.u32 $0x13880, s0  }
0x4: {  	s5 =	sand.u32 $0x1, s1;
	s1 =	rddreg [dreg:$0x2];
	s8 =	smul.u32 $0x138800, s0  }
0x5: {  	[smem:$0x7FF] =	sst s3;
	s7 =	smul.u32 $0x9C40, s5;
	s9 =	ssub.s32 $0x2, s5  }
0x6: {  	_ =	strace $0x8000004A;
	s5 =	smul.u32 $0x9C400, s5;
	s31 =	sshrl.u32 s9, $0x1  }
0x7: {  	s30 =	sadd.s32 s8, s4;
	s6 =	sadd.s32 s7, s6;
	s8 =	ssub.s32 s9, s31  }
0x8: {  	s5 =	sadd.s32 s5, s30;
	s7 =	simm.s32 $0x2;
	s6 =	sshrl.u32 s6, $0x3  }
0x9: {  	s9 =	simm.s32 $0x100;
	s5 =	sadd.s32 $0x29D3400, s5;
	s6 =	sadd.s32 s6, s4  }
0xa: {  	s4 =	smax.u32 s8, $0x1;
	s8 =	simm.s32 $0xA0;
	s6 =	sadd.s32 $0x2B200, s6  }
.LBB2_1:
0xb: {  	s12 =	sadd.s32 $0x0, s6  }
0xc: {  	[tilespmem:s3], [sflag:$0x2] =	stream.linear.gather [hbm4b:s12+s3], $0xA0, $0x38;
	[tilespmem:$0x5100] =	vst v63  }
0xd: {  	_ =	swait.ge [sflag:s7], $0xA0  }
0xe: {  	[sflag:s7] =	ssyncset.done $0x0  }
0xf: {  	[sflag:s7] =	ssyncadd.s32 $0xFFFFFF60  }
0x10: {  	[tilespmem:s9], [sflag:$0x1] =	stream.indirect.gather [hbm4b:s2+s8], $0x80, s3, s8, $0xb8;
	[tilespmem:$0x5100] =	vst v63  }
0x11: {  	_ =	swait.ge [sflag:s10], $0x5000  }
0x12: {  	[sflag:s10] =	ssyncset.done $0x0  }
0x13: {  	[sflag:s10] =	ssyncadd.s32 $0xFFFFB000  }
0x14: {  	[hbm4b:s5+s3] =	stream.linear.scatter [tilespmem:s9], [sflag:$0x2], $0x5000, $0x38;
	[tilespmem:$0x5100] =	vst v63  }
0x15: {  	s13 =	simm.s32 $0x14;
	_ =	swait.ge [sflag:s7], $0x5000  }
0x16: {  	s14 =	simm.s32 $0x28;
	s12 =	sadd.s32 $0xA00, s5;
	[sflag:s7] =	ssyncset.done $0x0  }
.LBB2_2:
0x17: {  	s15 =	sadd.s32 s13, s6  }
0x18: {  	[sflag:s7] =	ssyncadd.s32 $0xFFFFB000;
	s13 =	smov.u32 s14;
	s16 =	sadd.s32 $0x14, s14  }
0x19: {  	[tilespmem:s3], [sflag:$0x2] =	stream.linear.gather [hbm4b:s15+s3], $0xA0, $0x38;
	[tilespmem:$0x5100] =	vst v63  }
0x1a: {  	p0 =	sne.s32 s14, $0x1374;
	_ =	swait.ge [sflag:s7], $0xA0  }
0x1b: {  	[sflag:s7] =	ssyncset.done $0x0  }
0x1c: {  	[sflag:s7] =	ssyncadd.s32 $0xFFFFFF60  }
0x1d: {  	[tilespmem:s9], [sflag:$0x1] =	stream.indirect.gather [hbm4b:s2+s8], $0x80, s3, s8, $0xb8;
	[tilespmem:$0x5100] =	vst v63  }
0x1e: {  	_ =	swait.ge [sflag:s10], $0x5000  }
.Ltmp0:
0x1f: {  	[sflag:s10] =	ssyncset.done $0x0;
	(pc) =	sbr.rel @p0 .LBB2_2-.Ltmp0, $4  }
0x20: {  	[sflag:s10] =	ssyncadd.s32 $0xFFFFB000  }
0x21: {  	[hbm4b:s12+s3] =	stream.linear.scatter [tilespmem:s9], [sflag:$0x2], $0x5000, $0x38;
	[tilespmem:$0x5100] =	vst v63  }
0x22: {  	_ =	swait.ge [sflag:s7], $0x5000  }
0x23: {  	s14 =	smov.u32 s16;
	s12 =	sadd.s32 $0xA00, s12;
	[sflag:s7] =	ssyncset.done $0x0  }
0x24: {  	s13 =	sadd.s32 s13, s6;
	[sflag:s7] =	ssyncadd.s32 $0xFFFFB000  }
0x25: {  	[tilespmem:s3], [sflag:$0x2] =	stream.linear.gather [hbm4b:s13+s3], $0xA0, $0x38;
	[tilespmem:$0x5100] =	vst v63  }
0x26: {  	_ =	swait.ge [sflag:s7], $0xA0  }
0x27: {  	[sflag:s7] =	ssyncset.done $0x0  }
0x28: {  	[sflag:s7] =	ssyncadd.s32 $0xFFFFFF60  }
0x29: {  	[tilespmem:s9], [sflag:$0x1] =	stream.indirect.gather [hbm4b:s2+s8], $0x80, s3, s8, $0xb8;
	[tilespmem:$0x5100] =	vst v63  }
0x2a: {  	s11 =	sadd.s32 $0x1, s11;
	_ =	swait.ge [sflag:s10], $0x5000  }
0x2b: {  	p0 =	sne.s32 s11, s4;
	[sflag:s10] =	ssyncset.done $0x0  }
.Ltmp1:
0x2c: {  	[sflag:s10] =	ssyncadd.s32 $0xFFFFB000;
	(pc) =	sbr.rel @p0 .LBB2_1-.Ltmp1, $4  }
0x2d: {  	[hbm4b:s12+s3] =	stream.linear.scatter [tilespmem:s9], [sflag:$0x2], $0x5000, $0x38;
	[tilespmem:$0x5100] =	vst v63  }
0x2e: {  	_ =	swait.ge [sflag:s7], $0x5000  }
0x2f: {  	[sflag:s7] =	ssyncset.done $0x0  }
0x30: {  	[sflag:s7] =	ssyncadd.s32 $0xFFFFB000  }
0x31: {  	_ =	sfence.sel $0x180000  }
0x32: {  	[bflag:$0x0] =	sbarrier.arrive $0xFFFF  }
0x33: {  	p0 =	sne.s32 s0, $0x0;
	_ =	strace $0x9000004A  }
0x34: {  	s0 =	sadd.s32 @!p0 $0x100000, s1;
	[bflag:$0x2] =	sbarrier.arrive $0xFFFF  }
0x35: {  	[sflag:s0] =	ssyncadd.tile.s32 @!p0 $0x1;
	_ =	shalt  }
.Lfunc_end2:
_tile_overlayer_lowered:
.L_overlay_start_2:
0x36: {  	(tag) =	ssettag $0x2  }
0x37: {  	s0 =	rddreg [dreg:$0x0];
	s2 =	stileid.u32  }
0x38: {  	s1 =	rddreg [dreg:$0x1];
	p0 =	sne.s32 s2, $0x0  }
0x39: {  	s3 =	rddreg [dreg:$0x2];
	[bflag:$0x3] =	sbarrier.arrive $0xFFFF;
	s2 =	simm.s32 @!p0 $0x1C02  }
0x3a: {  	[timem:s3], [sflag:s2] =	dma.local @!p0 [hbm:s0], s1  }
0x3b: {  	s0 =	simm.s32 @!p0 $0x2  }
0x3c: {  	_ =	swait.ge @!p0 [sflag:s0], s1  }
0x3d: {  	s1 =	ssub.s32 @!p0 $0x0, s1;
	[sflag:s0] =	ssyncset.done @!p0 $0x0  }
0x3e: {  	[sflag:s0] =	ssyncadd.s32 @!p0 s1  }
0x3f: {  	[bflag:$0x3] =	sbarrier.arrive $0xFFFF  }
0x40: {  	_ =	shalt  }

// kernel: kernel.18.cloned.1.call-start
scs
__scs_entry_jumppad:
0x0: {  	(pc) =	sbr.rel $0x88, $3  }
0x1: {  	(tag) =	ssettag $0x0;
	lr =	simm.s32 $0x1  }
0x2: {  	[smem:$0x3F8D] =	sst lr;
	_ =	strace $0xD0000000  }
0x3: {  	_ = 	snop  }
0x4: {  	_ = 	snop  }
0x5: {  	_ = 	snop  }
0x6: {  	_ = 	snop  }
0x7: {  	_ = 	snop  }
__scs_overlays_trampoline_lowered:
0x8: {  	[smem:$0x3F9C] =	sst s0  }
0x9: {  	[smem:$0x3F9D] =	sst s1  }
0xa: {  	[smem:$0x3F9E] =	sst s2  }
0xb: {  	[smem:$0x3F9F] =	sst s3  }
0xc: {  	[smem:$0x3FA0] =	sst s4  }
0xd: {  	[smem:$0x3FA1] =	sst s5  }
0xe: {  	[smem:$0x3FA2] =	sst s6  }
0xf: {  	[smem:$0x3FA3] =	sst s7  }
0x10: {  	[smem:$0x3FA4] =	sst s8  }
0x11: {  	[smem:$0x3FA5] =	sst s9;
	s0 =	simm.s32 @!p0 $0x0  }
0x12: {  	s1 =	sld [smem:$0x3F8B];
	s0 =	simm.s32 @p0 $0x1  }
0x13: {  	[smem:$0x3FA6] =	sst s0;
	s0 =	simm.s32 @!p1 $0x0  }
0x14: {  	s2 =	sld [smem:$0x3F8A];
	s0 =	simm.s32 @p1 $0x1  }
0x15: {  	[smem:$0x3FA7] =	sst s0;
	s0 =	simm.s32 @!p2 $0x0  }
0x16: {  	s3 =	sld [smem:$0x3FDB];
	s0 =	simm.s32 @p2 $0x1  }
0x17: {  	s4 =	simm.s32 $0x1BF5;
	[smem:$0x3FA9] =	sst s0  }
0x18: {  	s0 =	sld [smem:$0x3F8C];
	_ =	swait.ge [sflag:s4], $0x0  }
0x19: {  	s7 =	sld [smem:$0x3F8D]  }
0x1a: {  	s8 =	sadd.s32 $0xFFFFE003, lr  }
0x1b: {  	s9 =	sadd.s32 $0xFFFFFEF7, lr;
	s5 =	simm.s32 $0xFFFFFFFF;
	p2 =	slt.u32 s8, $0xFFFFF086  }
0x1c: {  	p1 =	slt.u32 s9, $0xF7A;
	s5 =	simm.s32 @!p2 $0x0  }
0x1d: {  	s5 =	simm.s32 @p1 $0x1;
	p0 =	seq.s32 s7, s2  }
0x1e: {  	s7 =	smul.u32 @!p0 $0xF7A, s2;
	p2 =	seq.s32 @!p0 s5, $0x0  }
0x1f: {  	s9 =	smul.u32 $0xF7A, s1;
	s8 =	simm.s32 @!p0 $0x1BF5;
	p2 =	por !p2, p0  }
0x20: {  	[sflag:s8] =	ssyncset.s32 @!p0 $0xFFFFF086;
	s6 =	sadd.s32 @!p0 s3, s7;
	s7 =	simm.s32 @!p0 $0x108  }
0x21: {  	s3 =	sadd.s32 s3, s9;
	s6 =	sadd.s32 @!p0 $0x88, s6;
	s7 =	simm.s32 @p2 $0x1082  }
0x22: {  	[simem:s7], [sflag:s8] =	dma.local @!p0 [hbm:s6], $0xF7A  }
0x23: {  	s9 =	sor.u32 $0xD0000000, s2;
	s6 =	simm.s32 $0x108;
	_ =	swait.ge @!p0 [sflag:s8], $0x0  }
0x24: {  	s3 =	sadd.s32 $0x88, s3;
	s6 =	simm.s32 @!p1 $0x1082;
	[sflag:s4] =	ssyncset.s32 $0xFFFFF086  }
0x25: {  	[simem:s6], [sflag:s4] =	dma.local [hbm:s3], $0xF7A  }
0x26: {  	[smem:$0x3F8D] =	sst s1;
	(tag) =	ssettag s2;
	_ =	strace s9  }
0x27: {  	s1 =	sld [smem:$0x3F9D]  }
0x28: {  	s2 =	sld [smem:$0x3F9E]  }
0x29: {  	s4 =	sld [smem:$0x3FA0]  }
0x2a: {  	p0 =	seq.s32 s5, $0x0;
	s5 =	sld [smem:$0x3FA1]  }
0x2b: {  	s6 =	sld [smem:$0x3FA2]  }
0x2c: {  	s7 =	sld [smem:$0x3FA3]  }
0x2d: {  	s3 =	simm.s32 $0x108;
	s8 =	sld [smem:$0x3FA4]  }
0x2e: {  	s3 =	simm.s32 @!p0 $0x1082;
	s9 =	sld [smem:$0x3FA5]  }
0x2f: {  	lr =	sadd.s32 s0, s3;
	s0 =	sld [smem:$0x3F9C]  }
0x30: {  	s3 =	sld [smem:$0x3F9F]  }
0x31: {  	[smem:$0x3FA8] =	sst s10  }
0x32: {  	s10 =	sld [smem:$0x3FA6];
	_ =	sdelay $0x3  }
0x33: {  	p0 =	seq.s32 s10, $0x1;
	s10 =	sld [smem:$0x3FA8];
	_ =	sdelay $0x3  }
0x34: {  	[smem:$0x3FA8] =	sst s10  }
0x35: {  	s10 =	sld [smem:$0x3FA7];
	_ =	sdelay $0x3  }
0x36: {  	p1 =	seq.s32 s10, $0x1;
	s10 =	sld [smem:$0x3FA8];
	_ =	sdelay $0x3  }
0x37: {  	[smem:$0x3FA8] =	sst s10  }
0x38: {  	s10 =	sld [smem:$0x3FA9]  }
0x39: {  	_ = 	snop;
	(pc) =	sbr.ind lr, $3  }
0x3a: {  	_ = 	snop  }
0x3b: {  	_ = 	snop  }
0x3c: {  	p2 =	seq.s32 s10, $0x1;
	s10 =	sld [smem:$0x3FA8]  }
0x3d: {  	_ =	shalt  }
0x3e: {  	_ =	shalt  }
0x3f: {  	_ =	shalt  }
0x40: {  	_ =	shalt  }
0x41: {  	_ =	shalt  }
0x42: {  	_ =	shalt  }
0x43: {  	_ =	shalt  }
0x44: {  	_ =	shalt  }
0x45: {  	_ =	shalt  }
0x46: {  	_ =	shalt  }
0x47: {  	_ =	shalt  }
0x48: {  	_ =	shalt  }
0x49: {  	_ =	shalt  }
0x4a: {  	_ =	shalt  }
0x4b: {  	_ =	shalt  }
0x4c: {  	_ =	shalt  }
0x4d: {  	_ =	shalt  }
0x4e: {  	_ =	shalt  }
0x4f: {  	_ =	shalt  }
0x50: {  	_ =	shalt  }
0x51: {  	_ =	shalt  }
0x52: {  	_ =	shalt  }
0x53: {  	_ =	shalt  }
0x54: {  	_ =	shalt  }
0x55: {  	_ =	shalt  }
0x56: {  	_ =	shalt  }
0x57: {  	_ =	shalt  }
0x58: {  	_ =	shalt  }
0x59: {  	_ =	shalt  }
0x5a: {  	_ =	shalt  }
0x5b: {  	_ =	shalt  }
0x5c: {  	_ =	shalt  }
0x5d: {  	_ =	shalt  }
0x5e: {  	_ =	shalt  }
0x5f: {  	_ =	shalt  }
0x60: {  	_ =	shalt  }
0x61: {  	_ =	shalt  }
0x62: {  	_ =	shalt  }
0x63: {  	_ =	shalt  }
0x64: {  	_ =	shalt  }
0x65: {  	_ =	shalt  }
0x66: {  	_ =	shalt  }
0x67: {  	_ =	shalt  }
0x68: {  	_ =	shalt  }
0x69: {  	_ =	shalt  }
0x6a: {  	_ =	shalt  }
0x6b: {  	_ =	shalt  }
0x6c: {  	_ =	shalt  }
0x6d: {  	_ =	shalt  }
0x6e: {  	_ =	shalt  }
0x6f: {  	_ =	shalt  }
0x70: {  	_ =	shalt  }
0x71: {  	_ =	shalt  }
0x72: {  	_ =	shalt  }
0x73: {  	_ =	shalt  }
0x74: {  	_ =	shalt  }
0x75: {  	_ =	shalt  }
0x76: {  	_ =	shalt  }
0x77: {  	_ =	shalt  }
0x78: {  	_ =	shalt  }
0x79: {  	_ =	shalt  }
0x7a: {  	_ =	shalt  }
0x7b: {  	_ =	shalt  }
0x7c: {  	_ =	shalt  }
0x7d: {  	_ =	shalt  }
0x7e: {  	_ =	shalt  }
0x7f: {  	_ =	shalt  }
0x80: {  	_ =	shalt  }
0x81: {  	_ =	shalt  }
0x82: {  	_ =	shalt  }
0x83: {  	_ =	shalt  }
0x84: {  	_ =	shalt  }
0x85: {  	_ =	shalt  }
0x86: {  	_ =	shalt  }
0x87: {  	_ =	shalt  }
.Lfunc_end0:
.L_simem_size_0:
called_computation.2_lowered:
.L_overlay_start_0:
0x88: {  	s2 =	sld [smem:$0x3FD9]  }
0x89: {  	s3 =	sld [smem:$0x3FFE];
	_ =	sdelay $0x1  }
0x8a: {  	s1 =	srdreg.scid  }
0x8b: {  	s0 =	sand.u32 $0x1, s1  }
0x8c: {  	s17 =	sshll.u32 s0, $0xA;
	s2 =	sadd.s32 s3, s2  }
0x8d: {  	s2 =	sadd.s32 s2, s17  }
0x8e: {  	[smem:$0x3FB4] =	sst s2  }
0x8f: {  	_ = 	snop  }
0x90: {  	s2 =	sld [smem:$0x3FD0];
	(tm) =	ssettm $0x1  }
0x91: {  	s18 =	sld [smem:$0x3FFB];
	_ =	sdelay $0x3  }
0x92: {  	_ =	strace s18  }
0x93: {  	s3 =	sld [smem:$0x3FFC];
	_ =	sdelay $0x3  }
0x94: {  	_ =	strace s3  }
0x95: {  	s3 =	sld [smem:$0x3FFD];
	_ =	sdelay $0x3  }
0x96: {  	_ =	strace s3  }
0x97: {  	_ =	strace $0x8FFFFFFF  }
0x98: {  	s19 =	sld [smem:$0x3FDB];
	_ =	sdelay $0x1  }
0x99: {  	s4 =	simm.s32 $_scs_section_size  }
0x9a: {  	s5 =	simm.s32 $_size__tile_overlayer_lowered;
	s6 =	simm.s32 $_tile_overlayer_lowered  }
0x9b: {  	s22 =	simm.s32 $0x1BFF;
	s21 =	sshll.u32 s6, $0x1;
	s3 =	sadd.s32 s4, s19  }
0x9c: {  	s7 =	simm.s32 $0x0;
	s20 =	sshll.u32 s5, $0x1;
	s5 =	sadd.s32 s21, s3  }
0x9d: {  	[timem:s7], [sflag:s22] =	dma.local [hbm:s5], s20  }
0x9e: {  	_ =	swait.ge [sflag:s22], s20  }
0x9f: {  	s4 =	ssub.s32 $0x0, s20;
	[sflag:s22] =	ssyncset.done $0x0  }
0xa0: {  	[sflag:s22] =	ssyncadd.s32 s4;
	_ =	sdelay $0x1  }
0xa1: {  	s23 =	simm.s32 $0x1B8B  }
0xa2: {  	_ =	swait.ge [sflag:s23], $0x1  }
0xa3: {  	[sflag:s23] =	ssyncset.done $0x0  }
0xa4: {  	s25 =	simm.s32 $0x1B8E;
	s24 =	sld [smem:$0x3FFE];
	[sflag:s23] =	ssyncadd.s32 $0xFFFFFFFF  }
0xa5: {  	s26 =	simm.s32 $execute0_lowered;
	[smem:$0x3FD2] =	sst s25  }
0xa6: {  	s5 =	sshll.u32 s26, $0x1;
	_ =	strace $0x8000004C;
	[dreg:$0x1] =	wrdreg $0xFFFFFFFF  }
0xa7: {  	s28 =	simm.s32 $_size_execute0_lowered;
	s3 =	sadd.s32 s3, s5;
	[dreg:$0x0] =	wrdreg $0x0  }
0xa8: {  	s5 =	sshll.u32 s28, $0x1;
	[dreg:$0x2] =	wrdreg s3  }
0xa9: {  	[dreg:$0x3] =	wrdreg s5  }
0xaa: {  	[dreg:$0x4] =	wrdreg $0xC0  }
0xab: {  	_ =	task [dreg:s7], $0x5FFFF  }
0xac: {  	[dreg:$0x1] =	wrdreg $0xFFFFFFFF  }
0xad: {  	[dreg:$0x0] =	wrdreg $0x60  }
0xae: {  	[dreg:$0x2] =	wrdreg s24  }
0xaf: {  	[dreg:$0x3] =	wrdreg s2  }
0xb0: {  	[dreg:$0x4] =	wrdreg $0x54000  }
0xb1: {  	[dreg:$0x5] =	wrdreg $0x9  }
0xb2: {  	_ =	task.clear_ibuf [dreg:s7], $0x6FFFF;
	_ =	strace $0x9000004C  }
0xb3: {  	s29 =	simm.s32 $0x9;
	_ =	strace $0x8000004E  }
0xb4: {  	_ =	swait.ge [sflag:s29], $0x1  }
0xb5: {  	[sflag:s29] =	ssyncadd.s32 $0xFFFFFFFF  }
0xb6: {  	_ =	strace $0x9000004E  }
0xb7: {  	_ =	sfence  }
0xb8: {  	s30 =	sld [smem:$0x0];
	_ =	sdelay $0x2  }
0xb9: {  	s31 =	sshll.u32 s1, $0xD;
	s1 =	sshrl.u32 s1, $0x2  }
0xba: {  	s3 =	sand.u32 $0x4000, s31;
	s1 =	sadd.s32 s1, s30  }
0xbb: {  	s0 =	sor.u32 s3, s0;
	s1 =	sshll.u32 s1, $0x11  }
0xbc: {  	s0 =	sor.u32 s1, s0  }
0xbd: {  	s0 =	sadd.s32 $0x8F2B, s0  }
0xbe: {  	[sflag:s0] =	ssyncadd.remote.s32 $0x1  }
0xbf: {  	_ =	sfence.sel $0xFFFF  }
0xc0: {  	[dreg:$0x0] =	wrdreg $0xFFFFFFFF;
	(pc) =	sbr.abs _section_cstart, $3  }
0xc1: {  	[dreg:$0x1] =	wrdreg $0xFFFFFFFF  }
0xc2: {  	_ =	task.clear_ibuf [dreg:s7], $0x2FFFF;
	_ =	strace $0x9FFFFFFF  }
0xc3: {  	(tm) =	ssettm $0x7FFFFFFF  }
tec
execute0_lowered:
.L_overlay_start_1:
0x0: {  	(tag) =	ssettag $0x1  }
0x1: {  	s4 =	rddreg [dreg:$0x0]  }
0x2: {  	s1 =	rddreg [dreg:$0x1]  }
0x3: {  	s2 =	rddreg [dreg:$0x2]  }
0x4: {  	s0 =	rddreg [dreg:$0x3];
	s3 =	simm.s32 $0x0  }
0x5: {  	s5 =	srdreg.scid;
	s8 =	stileid.u32;
	s12 =	simm.s32 $0x28  }
0x6: {  	s13 =	simm.s32 $0x0;
	[smem:$0x7FF] =	sst s3;
	s6 =	sand.u32 $0x1, s5  }
0x7: {  	s28 =	smul.u32 $0x27100, s8;
	s7 =	sshll.u32 s8, $0xC;
	p0 =	sne.s32 s8, $0x0  }
0x8: {  	s9 =	sshll.u32 s6, $0xB;
	_ =	strace $0x8000004D;
	s11 =	smul.u32 $0x13880, s6  }
0x9: {  	s31 =	ssub.s32 $0x2, s6;
	s6 =	smul.u32 $0x138800, s6;
	s7 =	sor.u32 s9, s7  }
0xa: {  	s29 =	sadd.s32 s28, s4;
	s10 =	sshrl.u32 s31, $0x1;
	s30 =	sadd.s32 s7, s4  }
0xb: {  	s4 =	sadd.s32 $0x4000, s4;
	s7 =	ssub.s32 s31, s10;
	s9 =	sadd.s32 s11, s29  }
0xc: {  	s10 =	simm.s32 $0x1;
	s11 =	simm.s32 $0x4000;
	s5 =	sadd.s32 $0x3D5B400, s30  }
0xd: {  	s7 =	smax.u32 s7, $0x1;
	s8 =	sadd.s32 $0x3DDB400, s9;
	s9 =	sshrl.u32 @!p0 s2, $0x3  }
.LBB2_1:
0xe: {  	s14 =	smov.u32 s8;
	s15 =	simm.s32 $0x0  }
.LBB2_2:
0xf: {  	s16 =	simm.s32 @!p0 $0x1C01  }
0x10: {  	[spmem:s9], [sflag:s16] =	dma.local @!p0 [hbm:s1], $0x27100  }
0x11: {  	s16 =	simm.s32 @!p0 $0x1  }
0x12: {  	_ =	swait.ge @!p0 [sflag:s16], $0x27100  }
0x13: {  	[sflag:s16] =	ssyncset.done @!p0 $0x0  }
0x14: {  	s30 =	sshll.u32 s15, $0x10;
	[sflag:s16] =	ssyncadd.s32 @!p0 $0xFFFD8F00  }
0x15: {  	s17 =	simm.s32 $0x0;
	s16 =	sadd.s32 s30, s5;
	[bflag:$0x0] =	sbarrier.arrive $0xFFFF  }
0x16: {  	[tilespmem:s17], [sflag:$0x1] =	stream.linear.gather [hbm4b:s16+s17], $0x3E80, $0x38;
	[tilespmem:$0x18C80] =	vst v63  }
0x17: {  	_ =	swait.ge [sflag:s10], $0x3E80  }
0x18: {  	[sflag:s10] =	ssyncset.done $0x0  }
0x19: {  	[sflag:s10] =	ssyncadd.s32 $0xFFFFC180  }
0x1a: {  	[tilespmem:s11], [sflag:$0x1] =	stream.linear.gather [hbm4b:s14+s3], $0x1400, $0x38;
	[tilespmem:$0x18C80] =	vst v63  }
0x1b: {  	_ =	swait.ge [sflag:s10], $0x1400  }
0x1c: {  	[sflag:s10] =	ssyncset.done $0x0  }
0x1d: {  	s31 =	simm.s32 $0x0;
	[sflag:s10] =	ssyncadd.s32 $0xFFFFEC00  }
0x1e: {  	[spmem:s2] =	stream.indirect.scatter.add.f32 [tilespmem:s11], [sflag:$0x1], $0x80, s31, s12, $0xb8;
	[tilespmem:$0x18C80] =	vst v63  }
0x1f: {  	_ =	swait.ge [sflag:s10], $0x1400  }
0x20: {  	s16 =	simm.s32 $0x200;
	s17 =	smov.u32 s14;
	[sflag:s10] =	ssyncset.done $0x0  }
.LBB2_3:
0x21: {  	p1 =	sne.s32 s16, $0xF800;
	[sflag:s10] =	ssyncadd.s32 $0xFFFFEC00;
	s17 =	sadd.s32 $0x280, s17  }
0x22: {  	[tilespmem:s11], [sflag:$0x1] =	stream.linear.gather [hbm4b:s17+s3], $0x1400, $0x38;
	[tilespmem:$0x18C80] =	vst v63  }
0x23: {  	s18 =	smov.u32 s16;
	s16 =	sadd.s32 $0x200, s16;
	_ =	swait.ge [sflag:s10], $0x1400  }
.Ltmp0:
0x24: {  	[sflag:s10] =	ssyncset.done $0x0;
	(pc) =	sbr.rel @p1 .LBB2_3-.Ltmp0, $4  }
0x25: {  	s18 =	sshra.s32 s18, $0x2;
	[sflag:s10] =	ssyncadd.s32 $0xFFFFEC00  }
0x26: {  	[spmem:s2] =	stream.indirect.scatter.add.f32 [tilespmem:s11], [sflag:$0x1], $0x80, s18, s12, $0xb8;
	[tilespmem:$0x18C80] =	vst v63  }
0x27: {  	_ =	swait.ge [sflag:s10], $0x1400  }
0x28: {  	[sflag:s10] =	ssyncset.done $0x0  }
0x29: {  	s16 =	smul.u32 @!p0 $0x271000, s15;
	_ =	sdelay $0x1  }
0x2a: {  	s16 =	sadd.s32 @!p0 s6, s16  }
0x2b: {  	[sflag:s10] =	ssyncadd.s32 $0xFFFFEC00;
	s17 =	simm.s32 @!p0 $0x1C01;
	s16 =	sshrl.u32 @!p0 s16, $0x3  }
0x2c: {  	s15 =	sadd.s32 $0x1, s15;
	[bflag:$0x0] =	sbarrier.arrive $0xFFFF;
	s16 =	sadd.s32 @!p0 s4, s16  }
0x2d: {  	[hbm:s16], [sflag:s17] =	dma.local @!p0 [spmem:s9], $0x27100  }
0x2e: {  	p1 =	sne.s32 s15, $0x8;
	s16 =	simm.s32 @!p0 $0x1  }
.Ltmp1:
0x2f: {  	_ =	swait.ge @!p0 [sflag:s16], $0x27100;
	(pc) =	sbr.rel @p1 .LBB2_2-.Ltmp1, $4  }
0x30: {  	[sflag:s16] =	ssyncset.done @!p0 $0x0  }
0x31: {  	[sflag:s16] =	ssyncadd.s32 @!p0 $0xFFFD8F00  }
0x32: {  	[bflag:$0x0] =	sbarrier.arrive $0xFFFF  }
0x33: {  	s14 =	sadd.s32 $0x271000, s14  }
0x34: {  	s13 =	sadd.s32 $0x1, s13  }
0x35: {  	p1 =	sne.s32 s13, s7  }
.Ltmp2:
0x36: {  	_ = 	snop;
	(pc) =	sbr.rel @p1 .LBB2_1-.Ltmp2, $1  }
0x37: {  	_ =	sdelay $0x3  }
0x38: {  	_ =	sfence.sel $0x180000  }
0x39: {  	[bflag:$0x0] =	sbarrier.arrive $0xFFFF  }
0x3a: {  	_ =	strace $0x9000004D  }
0x3b: {  	s0 =	sadd.s32 @!p0 $0x100000, s0;
	[bflag:$0x2] =	sbarrier.arrive $0xFFFF  }
0x3c: {  	[sflag:s0] =	ssyncadd.tile.s32 @!p0 $0x1;
	_ =	shalt  }
.Lfunc_end2:
_tile_overlayer_lowered:
.L_overlay_start_2:
0x3d: {  	(tag) =	ssettag $0x2  }
0x3e: {  	s0 =	rddreg [dreg:$0x0];
	s2 =	stileid.u32  }
0x3f: {  	s1 =	rddreg [dreg:$0x1];
	p0 =	sne.s32 s2, $0x0  }
0x40: {  	s3 =	rddreg [dreg:$0x2];
	[bflag:$0x3] =	sbarrier.arrive $0xFFFF;
	s2 =	simm.s32 @!p0 $0x1C01  }
0x41: {  	[timem:s3], [sflag:s2] =	dma.local @!p0 [hbm:s0], s1  }
0x42: {  	s0 =	simm.s32 @!p0 $0x1  }
0x43: {  	_ =	swait.ge @!p0 [sflag:s0], s1  }
0x44: {  	s1 =	ssub.s32 @!p0 $0x0, s1;
	[sflag:s0] =	ssyncset.done @!p0 $0x0  }
0x45: {  	[sflag:s0] =	ssyncadd.s32 @!p0 s1  }
0x46: {  	[bflag:$0x3] =	sbarrier.arrive $0xFFFF  }
0x47: {  	_ =	shalt  }

// kernel: kernel.21.cloned.1.call-start
scs
__scs_entry_jumppad:
0x0: {  	(pc) =	sbr.rel $0x88, $3  }
0x1: {  	(tag) =	ssettag $0x0;
	lr =	simm.s32 $0x1  }
0x2: {  	[smem:$0x3F8D] =	sst lr;
	_ =	strace $0xD0000000  }
0x3: {  	_ = 	snop  }
0x4: {  	_ = 	snop  }
0x5: {  	_ = 	snop  }
0x6: {  	_ = 	snop  }
0x7: {  	_ = 	snop  }
__scs_overlays_trampoline_lowered:
0x8: {  	[smem:$0x3F9C] =	sst s0  }
0x9: {  	[smem:$0x3F9D] =	sst s1  }
0xa: {  	[smem:$0x3F9E] =	sst s2  }
0xb: {  	[smem:$0x3F9F] =	sst s3  }
0xc: {  	[smem:$0x3FA0] =	sst s4  }
0xd: {  	[smem:$0x3FA1] =	sst s5  }
0xe: {  	[smem:$0x3FA2] =	sst s6  }
0xf: {  	[smem:$0x3FA3] =	sst s7  }
0x10: {  	[smem:$0x3FA4] =	sst s8  }
0x11: {  	[smem:$0x3FA5] =	sst s9;
	s0 =	simm.s32 @!p0 $0x0  }
0x12: {  	s1 =	sld [smem:$0x3F8B];
	s0 =	simm.s32 @p0 $0x1  }
0x13: {  	[smem:$0x3FA6] =	sst s0;
	s0 =	simm.s32 @!p1 $0x0  }
0x14: {  	s2 =	sld [smem:$0x3F8A];
	s0 =	simm.s32 @p1 $0x1  }
0x15: {  	[smem:$0x3FA7] =	sst s0;
	s0 =	simm.s32 @!p2 $0x0  }
0x16: {  	s3 =	sld [smem:$0x3FDB];
	s0 =	simm.s32 @p2 $0x1  }
0x17: {  	s4 =	simm.s32 $0x1BF5;
	[smem:$0x3FA9] =	sst s0  }
0x18: {  	s0 =	sld [smem:$0x3F8C];
	_ =	swait.ge [sflag:s4], $0x0  }
0x19: {  	s7 =	sld [smem:$0x3F8D]  }
0x1a: {  	s8 =	sadd.s32 $0xFFFFE003, lr  }
0x1b: {  	s9 =	sadd.s32 $0xFFFFFEF7, lr;
	s5 =	simm.s32 $0xFFFFFFFF;
	p2 =	slt.u32 s8, $0xFFFFF086  }
0x1c: {  	p1 =	slt.u32 s9, $0xF7A;
	s5 =	simm.s32 @!p2 $0x0  }
0x1d: {  	s5 =	simm.s32 @p1 $0x1;
	p0 =	seq.s32 s7, s2  }
0x1e: {  	s7 =	smul.u32 @!p0 $0xF7A, s2;
	p2 =	seq.s32 @!p0 s5, $0x0  }
0x1f: {  	s9 =	smul.u32 $0xF7A, s1;
	s8 =	simm.s32 @!p0 $0x1BF5;
	p2 =	por !p2, p0  }
0x20: {  	[sflag:s8] =	ssyncset.s32 @!p0 $0xFFFFF086;
	s6 =	sadd.s32 @!p0 s3, s7;
	s7 =	simm.s32 @!p0 $0x108  }
0x21: {  	s3 =	sadd.s32 s3, s9;
	s6 =	sadd.s32 @!p0 $0x88, s6;
	s7 =	simm.s32 @p2 $0x1082  }
0x22: {  	[simem:s7], [sflag:s8] =	dma.local @!p0 [hbm:s6], $0xF7A  }
0x23: {  	s9 =	sor.u32 $0xD0000000, s2;
	s6 =	simm.s32 $0x108;
	_ =	swait.ge @!p0 [sflag:s8], $0x0  }
0x24: {  	s3 =	sadd.s32 $0x88, s3;
	s6 =	simm.s32 @!p1 $0x1082;
	[sflag:s4] =	ssyncset.s32 $0xFFFFF086  }
0x25: {  	[simem:s6], [sflag:s4] =	dma.local [hbm:s3], $0xF7A  }
0x26: {  	[smem:$0x3F8D] =	sst s1;
	(tag) =	ssettag s2;
	_ =	strace s9  }
0x27: {  	s1 =	sld [smem:$0x3F9D]  }
0x28: {  	s2 =	sld [smem:$0x3F9E]  }
0x29: {  	s4 =	sld [smem:$0x3FA0]  }
0x2a: {  	p0 =	seq.s32 s5, $0x0;
	s5 =	sld [smem:$0x3FA1]  }
0x2b: {  	s6 =	sld [smem:$0x3FA2]  }
0x2c: {  	s7 =	sld [smem:$0x3FA3]  }
0x2d: {  	s3 =	simm.s32 $0x108;
	s8 =	sld [smem:$0x3FA4]  }
0x2e: {  	s3 =	simm.s32 @!p0 $0x1082;
	s9 =	sld [smem:$0x3FA5]  }
0x2f: {  	lr =	sadd.s32 s0, s3;
	s0 =	sld [smem:$0x3F9C]  }
0x30: {  	s3 =	sld [smem:$0x3F9F]  }
0x31: {  	[smem:$0x3FA8] =	sst s10  }
0x32: {  	s10 =	sld [smem:$0x3FA6];
	_ =	sdelay $0x3  }
0x33: {  	p0 =	seq.s32 s10, $0x1;
	s10 =	sld [smem:$0x3FA8];
	_ =	sdelay $0x3  }
0x34: {  	[smem:$0x3FA8] =	sst s10  }
0x35: {  	s10 =	sld [smem:$0x3FA7];
	_ =	sdelay $0x3  }
0x36: {  	p1 =	seq.s32 s10, $0x1;
	s10 =	sld [smem:$0x3FA8];
	_ =	sdelay $0x3  }
0x37: {  	[smem:$0x3FA8] =	sst s10  }
0x38: {  	s10 =	sld [smem:$0x3FA9]  }
0x39: {  	_ = 	snop;
	(pc) =	sbr.ind lr, $3  }
0x3a: {  	_ = 	snop  }
0x3b: {  	_ = 	snop  }
0x3c: {  	p2 =	seq.s32 s10, $0x1;
	s10 =	sld [smem:$0x3FA8]  }
0x3d: {  	_ =	shalt  }
0x3e: {  	_ =	shalt  }
0x3f: {  	_ =	shalt  }
0x40: {  	_ =	shalt  }
0x41: {  	_ =	shalt  }
0x42: {  	_ =	shalt  }
0x43: {  	_ =	shalt  }
0x44: {  	_ =	shalt  }
0x45: {  	_ =	shalt  }
0x46: {  	_ =	shalt  }
0x47: {  	_ =	shalt  }
0x48: {  	_ =	shalt  }
0x49: {  	_ =	shalt  }
0x4a: {  	_ =	shalt  }
0x4b: {  	_ =	shalt  }
0x4c: {  	_ =	shalt  }
0x4d: {  	_ =	shalt  }
0x4e: {  	_ =	shalt  }
0x4f: {  	_ =	shalt  }
0x50: {  	_ =	shalt  }
0x51: {  	_ =	shalt  }
0x52: {  	_ =	shalt  }
0x53: {  	_ =	shalt  }
0x54: {  	_ =	shalt  }
0x55: {  	_ =	shalt  }
0x56: {  	_ =	shalt  }
0x57: {  	_ =	shalt  }
0x58: {  	_ =	shalt  }
0x59: {  	_ =	shalt  }
0x5a: {  	_ =	shalt  }
0x5b: {  	_ =	shalt  }
0x5c: {  	_ =	shalt  }
0x5d: {  	_ =	shalt  }
0x5e: {  	_ =	shalt  }
0x5f: {  	_ =	shalt  }
0x60: {  	_ =	shalt  }
0x61: {  	_ =	shalt  }
0x62: {  	_ =	shalt  }
0x63: {  	_ =	shalt  }
0x64: {  	_ =	shalt  }
0x65: {  	_ =	shalt  }
0x66: {  	_ =	shalt  }
0x67: {  	_ =	shalt  }
0x68: {  	_ =	shalt  }
0x69: {  	_ =	shalt  }
0x6a: {  	_ =	shalt  }
0x6b: {  	_ =	shalt  }
0x6c: {  	_ =	shalt  }
0x6d: {  	_ =	shalt  }
0x6e: {  	_ =	shalt  }
0x6f: {  	_ =	shalt  }
0x70: {  	_ =	shalt  }
0x71: {  	_ =	shalt  }
0x72: {  	_ =	shalt  }
0x73: {  	_ =	shalt  }
0x74: {  	_ =	shalt  }
0x75: {  	_ =	shalt  }
0x76: {  	_ =	shalt  }
0x77: {  	_ =	shalt  }
0x78: {  	_ =	shalt  }
0x79: {  	_ =	shalt  }
0x7a: {  	_ =	shalt  }
0x7b: {  	_ =	shalt  }
0x7c: {  	_ =	shalt  }
0x7d: {  	_ =	shalt  }
0x7e: {  	_ =	shalt  }
0x7f: {  	_ =	shalt  }
0x80: {  	_ =	shalt  }
0x81: {  	_ =	shalt  }
0x82: {  	_ =	shalt  }
0x83: {  	_ =	shalt  }
0x84: {  	_ =	shalt  }
0x85: {  	_ =	shalt  }
0x86: {  	_ =	shalt  }
0x87: {  	_ =	shalt  }
.Lfunc_end0:
.L_simem_size_0:
called_computation.3_lowered:
.L_overlay_start_0:
0x88: {  	s2 =	sld [smem:$0x3FD9]  }
0x89: {  	s3 =	sld [smem:$0x3FFE];
	_ =	sdelay $0x1  }
0x8a: {  	s1 =	srdreg.scid  }
0x8b: {  	s0 =	sand.u32 $0x1, s1  }
0x8c: {  	s17 =	sshll.u32 s0, $0xA;
	s2 =	sadd.s32 s3, s2  }
0x8d: {  	s2 =	sadd.s32 s2, s17  }
0x8e: {  	[smem:$0x3FB4] =	sst s2  }
0x8f: {  	_ = 	snop  }
0x90: {  	s18 =	sld [smem:$0x3FD0];
	(tm) =	ssettm $0x1  }
0x91: {  	s19 =	sld [smem:$0x3FFB];
	_ =	sdelay $0x3  }
0x92: {  	_ =	strace s19  }
0x93: {  	s2 =	sld [smem:$0x3FFC];
	_ =	sdelay $0x3  }
0x94: {  	_ =	strace s2  }
0x95: {  	s2 =	sld [smem:$0x3FFD];
	_ =	sdelay $0x3  }
0x96: {  	_ =	strace s2  }
0x97: {  	_ =	strace $0x8FFFFFFF  }
0x98: {  	s20 =	sld [smem:$0x3FDB];
	_ =	sdelay $0x1  }
0x99: {  	s4 =	simm.s32 $_scs_section_size  }
0x9a: {  	s5 =	simm.s32 $_size__tile_overlayer_lowered;
	s6 =	simm.s32 $_tile_overlayer_lowered  }
0x9b: {  	s7 =	simm.s32 $0x1BFF;
	s21 =	sshll.u32 s6, $0x1;
	s4 =	sadd.s32 s4, s20  }
0x9c: {  	s22 =	simm.s32 $0x0;
	s5 =	sshll.u32 s5, $0x1;
	s6 =	sadd.s32 s21, s4  }
0x9d: {  	[timem:s22], [sflag:s7] =	dma.local [hbm:s6], s5  }
0x9e: {  	_ =	swait.ge [sflag:s7], s5  }
0x9f: {  	s5 =	ssub.s32 $0x0, s5;
	[sflag:s7] =	ssyncset.done $0x0  }
0xa0: {  	[sflag:s7] =	ssyncadd.s32 s5;
	_ =	sdelay $0x1  }
0xa1: {  	s23 =	simm.s32 $0x1B8B  }
0xa2: {  	_ =	swait.ge [sflag:s23], $0x1  }
0xa3: {  	[sflag:s23] =	ssyncset.done $0x0  }
0xa4: {  	[sflag:s23] =	ssyncadd.s32 $0xFFFFFFFF  }
0xa5: {  	s5 =	sld [smem:$0x0]  }
0xa6: {  	s6 =	sand.u32 $0xFFFFFFFE, s1  }
0xa7: {  	p0 =	sne.s32 s1, s6  }
0xa8: {  	s6 =	sshll.u32 @p0 s6, $0xE  }
0xa9: {  	s6 =	sadd.s32 @p0 $0x11B8D, s6;
	s7 =	sshll.u32 @p0 s5, $0x11  }
0xaa: {  	s6 =	sor.u32 @p0 s7, s6  }
0xab: {  	[sflag:s6] =	ssyncadd.remote.s32 @p0 $0x1;
	_ =	sdelay $0x1  }
0xac: {  	s6 =	simm.s32 @p0 $0x1B8D  }
0xad: {  	_ =	swait.eq @p0 [sflag:s6], $0x1  }
0xae: {  	[sflag:s6] =	ssyncadd.s32 @p0 $0xFFFFFFFF  }
0xaf: {  	s7 =	sshll.u32 @!p0 s1, $0xE  }
0xb0: {  	s7 =	sor.u32 @!p0 $0x4000, s7;
	s6 =	simm.s32 @!p0 $0x1B8D  }
0xb1: {  	s5 =	sshll.u32 @!p0 s5, $0x11;
	s7 =	sadd.s32 @!p0 $0x11B8D, s7;
	_ =	swait.eq @!p0 [sflag:s6], $0x1  }
0xb2: {  	s5 =	sor.u32 @!p0 s5, s7;
	[sflag:s6] =	ssyncadd.s32 @!p0 $0xFFFFFFFF  }
0xb3: {  	s25 =	simm.s32 $0x1B8E;
	s24 =	sld [smem:$0x3FFE];
	[sflag:s5] =	ssyncadd.remote.s32 @!p0 $0x1  }
0xb4: {  	s26 =	simm.s32 $execute0_lowered;
	[smem:$0x3FD2] =	sst s25  }
0xb5: {  	s6 =	sshll.u32 s26, $0x1;
	_ =	strace $0x8000004F;
	[dreg:$0x1] =	wrdreg $0xFFFFFFFF  }
0xb6: {  	s28 =	simm.s32 $_size_execute0_lowered;
	s4 =	sadd.s32 s4, s6;
	[dreg:$0x0] =	wrdreg $0x0  }
0xb7: {  	s6 =	sshll.u32 s28, $0x1;
	[dreg:$0x2] =	wrdreg s4  }
0xb8: {  	[dreg:$0x3] =	wrdreg s6  }
0xb9: {  	[dreg:$0x4] =	wrdreg $0xC0  }
0xba: {  	_ =	task [dreg:s22], $0x5FFFF  }
0xbb: {  	[dreg:$0x1] =	wrdreg $0xFFFFFFFF  }
0xbc: {  	[dreg:$0x0] =	wrdreg $0x60  }
0xbd: {  	[dreg:$0x2] =	wrdreg s24  }
0xbe: {  	[dreg:$0x3] =	wrdreg s18  }
0xbf: {  	[dreg:$0x4] =	wrdreg $0x54000  }
0xc0: {  	[dreg:$0x5] =	wrdreg $0xA  }
0xc1: {  	_ =	task.clear_ibuf [dreg:s22], $0x6FFFF;
	_ =	strace $0x9000004F  }
0xc2: {  	s29 =	simm.s32 $0xA;
	_ =	strace $0x80000051  }
0xc3: {  	_ =	swait.ge [sflag:s29], $0x1  }
0xc4: {  	[sflag:s29] =	ssyncadd.s32 $0xFFFFFFFF  }
0xc5: {  	_ =	strace $0x90000051  }
0xc6: {  	_ =	sfence  }
0xc7: {  	s30 =	sld [smem:$0x0];
	_ =	sdelay $0x2  }
0xc8: {  	s31 =	sshll.u32 s1, $0xD;
	s1 =	sshrl.u32 s1, $0x2  }
0xc9: {  	s4 =	sand.u32 $0x4000, s31;
	s1 =	sadd.s32 s1, s30  }
0xca: {  	s0 =	sor.u32 s4, s0;
	s1 =	sshll.u32 s1, $0x11  }
0xcb: {  	s0 =	sor.u32 s1, s0  }
0xcc: {  	s0 =	sadd.s32 $0x8F2B, s0  }
0xcd: {  	[sflag:s0] =	ssyncadd.remote.s32 $0x1  }
0xce: {  	_ =	sfence.sel $0xFFFF  }
0xcf: {  	[dreg:$0x0] =	wrdreg $0xFFFFFFFF;
	(pc) =	sbr.abs _section_cstart, $3  }
0xd0: {  	[dreg:$0x1] =	wrdreg $0xFFFFFFFF  }
0xd1: {  	_ =	task.clear_ibuf [dreg:s22], $0x2FFFF;
	_ =	strace $0x9FFFFFFF  }
0xd2: {  	(tm) =	ssettm $0x7FFFFFFF  }
0xd3: {  	_ =	shalt  }
tec
execute0_lowered:
.L_overlay_start_1:
0x0: {  	(tag) =	ssettag $0x1  }
0x1: {  	s4 =	rddreg [dreg:$0x0]  }
0x2: {  	s1 =	rddreg [dreg:$0x1]  }
0x3: {  	s2 =	rddreg [dreg:$0x2]  }
0x4: {  	s0 =	rddreg [dreg:$0x3];
	s3 =	simm.s32 $0x0  }
0x5: {  	s5 =	srdreg.scid;
	s8 =	stileid.u32;
	s12 =	simm.s32 $0x28  }
0x6: {  	s13 =	simm.s32 $0x0;
	[smem:$0x7FF] =	sst s3;
	s6 =	sand.u32 $0x1, s5  }
0x7: {  	s28 =	smul.u32 $0x27100, s8;
	s7 =	sshll.u32 s8, $0xC;
	p0 =	sne.s32 s8, $0x0  }
0x8: {  	s9 =	sshll.u32 s6, $0xB;
	_ =	strace $0x80000050;
	s11 =	smul.u32 $0x13880, s6  }
0x9: {  	s31 =	ssub.s32 $0x2, s6;
	s6 =	smul.u32 $0x138800, s6;
	s7 =	sor.u32 s9, s7  }
0xa: {  	s29 =	sadd.s32 s28, s4;
	s10 =	sshrl.u32 s31, $0x1;
	s30 =	sadd.s32 s7, s4  }
0xb: {  	s4 =	sadd.s32 $0x275000, s4;
	s7 =	ssub.s32 s31, s10;
	s9 =	sadd.s32 s11, s29  }
0xc: {  	s10 =	simm.s32 $0x1;
	s11 =	simm.s32 $0x4000;
	s5 =	sadd.s32 $0x3D5B400, s30  }
0xd: {  	s7 =	smax.u32 s7, $0x1;
	s8 =	sadd.s32 $0x5163400, s9;
	s9 =	sshrl.u32 @!p0 s2, $0x3  }
.LBB2_1:
0xe: {  	s14 =	smov.u32 s8;
	s15 =	simm.s32 $0x0  }
.LBB2_2:
0xf: {  	s16 =	simm.s32 @!p0 $0x1C01  }
0x10: {  	[spmem:s9], [sflag:s16] =	dma.local @!p0 [hbm:s1], $0x27100  }
0x11: {  	s16 =	simm.s32 @!p0 $0x1  }
0x12: {  	_ =	swait.ge @!p0 [sflag:s16], $0x27100  }
0x13: {  	[sflag:s16] =	ssyncset.done @!p0 $0x0  }
0x14: {  	s30 =	sshll.u32 s15, $0x10;
	[sflag:s16] =	ssyncadd.s32 @!p0 $0xFFFD8F00  }
0x15: {  	s17 =	simm.s32 $0x0;
	s16 =	sadd.s32 s30, s5;
	[bflag:$0x0] =	sbarrier.arrive $0xFFFF  }
0x16: {  	[tilespmem:s17], [sflag:$0x1] =	stream.linear.gather [hbm4b:s16+s17], $0x3E80, $0x38;
	[tilespmem:$0x18C80] =	vst v63  }
0x17: {  	_ =	swait.ge [sflag:s10], $0x3E80  }
0x18: {  	[sflag:s10] =	ssyncset.done $0x0  }
0x19: {  	[sflag:s10] =	ssyncadd.s32 $0xFFFFC180  }
0x1a: {  	[tilespmem:s11], [sflag:$0x1] =	stream.linear.gather [hbm4b:s14+s3], $0x1400, $0x38;
	[tilespmem:$0x18C80] =	vst v63  }
0x1b: {  	_ =	swait.ge [sflag:s10], $0x1400  }
0x1c: {  	[sflag:s10] =	ssyncset.done $0x0  }
0x1d: {  	s31 =	simm.s32 $0x0;
	[sflag:s10] =	ssyncadd.s32 $0xFFFFEC00  }
0x1e: {  	[spmem:s2] =	stream.indirect.scatter.add.f32 [tilespmem:s11], [sflag:$0x1], $0x80, s31, s12, $0xb8;
	[tilespmem:$0x18C80] =	vst v63  }
0x1f: {  	_ =	swait.ge [sflag:s10], $0x1400  }
0x20: {  	s16 =	simm.s32 $0x200;
	s17 =	smov.u32 s14;
	[sflag:s10] =	ssyncset.done $0x0  }
.LBB2_3:
0x21: {  	p1 =	sne.s32 s16, $0xF800;
	[sflag:s10] =	ssyncadd.s32 $0xFFFFEC00;
	s17 =	sadd.s32 $0x280, s17  }
0x22: {  	[tilespmem:s11], [sflag:$0x1] =	stream.linear.gather [hbm4b:s17+s3], $0x1400, $0x38;
	[tilespmem:$0x18C80] =	vst v63  }
0x23: {  	s18 =	smov.u32 s16;
	s16 =	sadd.s32 $0x200, s16;
	_ =	swait.ge [sflag:s10], $0x1400  }
.Ltmp0:
0x24: {  	[sflag:s10] =	ssyncset.done $0x0;
	(pc) =	sbr.rel @p1 .LBB2_3-.Ltmp0, $4  }
0x25: {  	s18 =	sshra.s32 s18, $0x2;
	[sflag:s10] =	ssyncadd.s32 $0xFFFFEC00  }
0x26: {  	[spmem:s2] =	stream.indirect.scatter.add.f32 [tilespmem:s11], [sflag:$0x1], $0x80, s18, s12, $0xb8;
	[tilespmem:$0x18C80] =	vst v63  }
0x27: {  	_ =	swait.ge [sflag:s10], $0x1400  }
0x28: {  	[sflag:s10] =	ssyncset.done $0x0  }
0x29: {  	s16 =	smul.u32 @!p0 $0x271000, s15;
	_ =	sdelay $0x1  }
0x2a: {  	s16 =	sadd.s32 @!p0 s6, s16  }
0x2b: {  	[sflag:s10] =	ssyncadd.s32 $0xFFFFEC00;
	s17 =	simm.s32 @!p0 $0x1C01;
	s16 =	sshrl.u32 @!p0 s16, $0x3  }
0x2c: {  	s15 =	sadd.s32 $0x1, s15;
	[bflag:$0x0] =	sbarrier.arrive $0xFFFF;
	s16 =	sadd.s32 @!p0 s4, s16  }
0x2d: {  	[hbm:s16], [sflag:s17] =	dma.local @!p0 [spmem:s9], $0x27100  }
0x2e: {  	p1 =	sne.s32 s15, $0x8;
	s16 =	simm.s32 @!p0 $0x1  }
.Ltmp1:
0x2f: {  	_ =	swait.ge @!p0 [sflag:s16], $0x27100;
	(pc) =	sbr.rel @p1 .LBB2_2-.Ltmp1, $4  }
0x30: {  	[sflag:s16] =	ssyncset.done @!p0 $0x0  }
0x31: {  	[sflag:s16] =	ssyncadd.s32 @!p0 $0xFFFD8F00  }
0x32: {  	[bflag:$0x0] =	sbarrier.arrive $0xFFFF  }
0x33: {  	s14 =	sadd.s32 $0x271000, s14  }
0x34: {  	s13 =	sadd.s32 $0x1, s13  }
0x35: {  	p1 =	sne.s32 s13, s7  }
.Ltmp2:
0x36: {  	_ = 	snop;
	(pc) =	sbr.rel @p1 .LBB2_1-.Ltmp2, $1  }
0x37: {  	_ =	sdelay $0x3  }
0x38: {  	_ =	sfence.sel $0x180000  }
0x39: {  	[bflag:$0x0] =	sbarrier.arrive $0xFFFF  }
0x3a: {  	_ =	strace $0x90000050  }
0x3b: {  	s0 =	sadd.s32 @!p0 $0x100000, s0;
	[bflag:$0x2] =	sbarrier.arrive $0xFFFF  }
0x3c: {  	[sflag:s0] =	ssyncadd.tile.s32 @!p0 $0x1;
	_ =	shalt  }
.Lfunc_end2:
_tile_overlayer_lowered:
.L_overlay_start_2:
0x3d: {  	(tag) =	ssettag $0x2  }
0x3e: {  	s0 =	rddreg [dreg:$0x0];
	s2 =	stileid.u32  }
0x3f: {  	s1 =	rddreg [dreg:$0x1];
	p0 =	sne.s32 s2, $0x0  }
0x40: {  	s3 =	rddreg [dreg:$0x2];
	[bflag:$0x3] =	sbarrier.arrive $0xFFFF;
	s2 =	simm.s32 @!p0 $0x1C01  }
0x41: {  	[timem:s3], [sflag:s2] =	dma.local @!p0 [hbm:s0], s1  }
0x42: {  	s0 =	simm.s32 @!p0 $0x1  }
0x43: {  	_ =	swait.ge @!p0 [sflag:s0], s1  }
0x44: {  	s1 =	ssub.s32 @!p0 $0x0, s1;
	[sflag:s0] =	ssyncset.done @!p0 $0x0  }
0x45: {  	[sflag:s0] =	ssyncadd.s32 @!p0 s1  }
0x46: {  	[bflag:$0x3] =	sbarrier.arrive $0xFFFF  }
0x47: {  	_ =	shalt  }

// kernel: kernel.24.cloned.1.call-start
scs
__scs_entry_jumppad:
0x0: {  	(pc) =	sbr.rel $0x88, $3  }
0x1: {  	(tag) =	ssettag $0x0;
	lr =	simm.s32 $0x1  }
0x2: {  	[smem:$0x3F8D] =	sst lr;
	_ =	strace $0xD0000000  }
0x3: {  	_ = 	snop  }
0x4: {  	_ = 	snop  }
0x5: {  	_ = 	snop  }
0x6: {  	_ = 	snop  }
0x7: {  	_ = 	snop  }
__scs_overlays_trampoline_lowered:
0x8: {  	[smem:$0x3F9C] =	sst s0  }
0x9: {  	[smem:$0x3F9D] =	sst s1  }
0xa: {  	[smem:$0x3F9E] =	sst s2  }
0xb: {  	[smem:$0x3F9F] =	sst s3  }
0xc: {  	[smem:$0x3FA0] =	sst s4  }
0xd: {  	[smem:$0x3FA1] =	sst s5  }
0xe: {  	[smem:$0x3FA2] =	sst s6  }
0xf: {  	[smem:$0x3FA3] =	sst s7  }
0x10: {  	[smem:$0x3FA4] =	sst s8  }
0x11: {  	[smem:$0x3FA5] =	sst s9;
	s0 =	simm.s32 @!p0 $0x0  }
0x12: {  	s1 =	sld [smem:$0x3F8B];
	s0 =	simm.s32 @p0 $0x1  }
0x13: {  	[smem:$0x3FA6] =	sst s0;
	s0 =	simm.s32 @!p1 $0x0  }
0x14: {  	s2 =	sld [smem:$0x3F8A];
	s0 =	simm.s32 @p1 $0x1  }
0x15: {  	[smem:$0x3FA7] =	sst s0;
	s0 =	simm.s32 @!p2 $0x0  }
0x16: {  	s3 =	sld [smem:$0x3FDB];
	s0 =	simm.s32 @p2 $0x1  }
0x17: {  	s4 =	simm.s32 $0x1BF5;
	[smem:$0x3FA9] =	sst s0  }
0x18: {  	s0 =	sld [smem:$0x3F8C];
	_ =	swait.ge [sflag:s4], $0x0  }
0x19: {  	s7 =	sld [smem:$0x3F8D]  }
0x1a: {  	s8 =	sadd.s32 $0xFFFFE003, lr  }
0x1b: {  	s9 =	sadd.s32 $0xFFFFFEF7, lr;
	s5 =	simm.s32 $0xFFFFFFFF;
	p2 =	slt.u32 s8, $0xFFFFF086  }
0x1c: {  	p1 =	slt.u32 s9, $0xF7A;
	s5 =	simm.s32 @!p2 $0x0  }
0x1d: {  	s5 =	simm.s32 @p1 $0x1;
	p0 =	seq.s32 s7, s2  }
0x1e: {  	s7 =	smul.u32 @!p0 $0xF7A, s2;
	p2 =	seq.s32 @!p0 s5, $0x0  }
0x1f: {  	s9 =	smul.u32 $0xF7A, s1;
	s8 =	simm.s32 @!p0 $0x1BF5;
	p2 =	por !p2, p0  }
0x20: {  	[sflag:s8] =	ssyncset.s32 @!p0 $0xFFFFF086;
	s6 =	sadd.s32 @!p0 s3, s7;
	s7 =	simm.s32 @!p0 $0x108  }
0x21: {  	s3 =	sadd.s32 s3, s9;
	s6 =	sadd.s32 @!p0 $0x88, s6;
	s7 =	simm.s32 @p2 $0x1082  }
0x22: {  	[simem:s7], [sflag:s8] =	dma.local @!p0 [hbm:s6], $0xF7A  }
0x23: {  	s9 =	sor.u32 $0xD0000000, s2;
	s6 =	simm.s32 $0x108;
	_ =	swait.ge @!p0 [sflag:s8], $0x0  }
0x24: {  	s3 =	sadd.s32 $0x88, s3;
	s6 =	simm.s32 @!p1 $0x1082;
	[sflag:s4] =	ssyncset.s32 $0xFFFFF086  }
0x25: {  	[simem:s6], [sflag:s4] =	dma.local [hbm:s3], $0xF7A  }
0x26: {  	[smem:$0x3F8D] =	sst s1;
	(tag) =	ssettag s2;
	_ =	strace s9  }
0x27: {  	s1 =	sld [smem:$0x3F9D]  }
0x28: {  	s2 =	sld [smem:$0x3F9E]  }
0x29: {  	s4 =	sld [smem:$0x3FA0]  }
0x2a: {  	p0 =	seq.s32 s5, $0x0;
	s5 =	sld [smem:$0x3FA1]  }
0x2b: {  	s6 =	sld [smem:$0x3FA2]  }
0x2c: {  	s7 =	sld [smem:$0x3FA3]  }
0x2d: {  	s3 =	simm.s32 $0x108;
	s8 =	sld [smem:$0x3FA4]  }
0x2e: {  	s3 =	simm.s32 @!p0 $0x1082;
	s9 =	sld [smem:$0x3FA5]  }
0x2f: {  	lr =	sadd.s32 s0, s3;
	s0 =	sld [smem:$0x3F9C]  }
0x30: {  	s3 =	sld [smem:$0x3F9F]  }
0x31: {  	[smem:$0x3FA8] =	sst s10  }
0x32: {  	s10 =	sld [smem:$0x3FA6];
	_ =	sdelay $0x3  }
0x33: {  	p0 =	seq.s32 s10, $0x1;
	s10 =	sld [smem:$0x3FA8];
	_ =	sdelay $0x3  }
0x34: {  	[smem:$0x3FA8] =	sst s10  }
0x35: {  	s10 =	sld [smem:$0x3FA7];
	_ =	sdelay $0x3  }
0x36: {  	p1 =	seq.s32 s10, $0x1;
	s10 =	sld [smem:$0x3FA8];
	_ =	sdelay $0x3  }
0x37: {  	[smem:$0x3FA8] =	sst s10  }
0x38: {  	s10 =	sld [smem:$0x3FA9]  }
0x39: {  	_ = 	snop;
	(pc) =	sbr.ind lr, $3  }
0x3a: {  	_ = 	snop  }
0x3b: {  	_ = 	snop  }
0x3c: {  	p2 =	seq.s32 s10, $0x1;
	s10 =	sld [smem:$0x3FA8]  }
0x3d: {  	_ =	shalt  }
0x3e: {  	_ =	shalt  }
0x3f: {  	_ =	shalt  }
0x40: {  	_ =	shalt  }
0x41: {  	_ =	shalt  }
0x42: {  	_ =	shalt  }
0x43: {  	_ =	shalt  }
0x44: {  	_ =	shalt  }
0x45: {  	_ =	shalt  }
0x46: {  	_ =	shalt  }
0x47: {  	_ =	shalt  }
0x48: {  	_ =	shalt  }
0x49: {  	_ =	shalt  }
0x4a: {  	_ =	shalt  }
0x4b: {  	_ =	shalt  }
0x4c: {  	_ =	shalt  }
0x4d: {  	_ =	shalt  }
0x4e: {  	_ =	shalt  }
0x4f: {  	_ =	shalt  }
0x50: {  	_ =	shalt  }
0x51: {  	_ =	shalt  }
0x52: {  	_ =	shalt  }
0x53: {  	_ =	shalt  }
0x54: {  	_ =	shalt  }
0x55: {  	_ =	shalt  }
0x56: {  	_ =	shalt  }
0x57: {  	_ =	shalt  }
0x58: {  	_ =	shalt  }
0x59: {  	_ =	shalt  }
0x5a: {  	_ =	shalt  }
0x5b: {  	_ =	shalt  }
0x5c: {  	_ =	shalt  }
0x5d: {  	_ =	shalt  }
0x5e: {  	_ =	shalt  }
0x5f: {  	_ =	shalt  }
0x60: {  	_ =	shalt  }
0x61: {  	_ =	shalt  }
0x62: {  	_ =	shalt  }
0x63: {  	_ =	shalt  }
0x64: {  	_ =	shalt  }
0x65: {  	_ =	shalt  }
0x66: {  	_ =	shalt  }
0x67: {  	_ =	shalt  }
0x68: {  	_ =	shalt  }
0x69: {  	_ =	shalt  }
0x6a: {  	_ =	shalt  }
0x6b: {  	_ =	shalt  }
0x6c: {  	_ =	shalt  }
0x6d: {  	_ =	shalt  }
0x6e: {  	_ =	shalt  }
0x6f: {  	_ =	shalt  }
0x70: {  	_ =	shalt  }
0x71: {  	_ =	shalt  }
0x72: {  	_ =	shalt  }
0x73: {  	_ =	shalt  }
0x74: {  	_ =	shalt  }
0x75: {  	_ =	shalt  }
0x76: {  	_ =	shalt  }
0x77: {  	_ =	shalt  }
0x78: {  	_ =	shalt  }
0x79: {  	_ =	shalt  }
0x7a: {  	_ =	shalt  }
0x7b: {  	_ =	shalt  }
0x7c: {  	_ =	shalt  }
0x7d: {  	_ =	shalt  }
0x7e: {  	_ =	shalt  }
0x7f: {  	_ =	shalt  }
0x80: {  	_ =	shalt  }
0x81: {  	_ =	shalt  }
0x82: {  	_ =	shalt  }
0x83: {  	_ =	shalt  }
0x84: {  	_ =	shalt  }
0x85: {  	_ =	shalt  }
0x86: {  	_ =	shalt  }
0x87: {  	_ =	shalt  }
.Lfunc_end0:
.L_simem_size_0:
called_computation.4_lowered:
.L_overlay_start_0:
0x88: {  	s2 =	sld [smem:$0x3FD9]  }
0x89: {  	s3 =	sld [smem:$0x3FFE];
	_ =	sdelay $0x1  }
0x8a: {  	s1 =	srdreg.scid  }
0x8b: {  	s0 =	sand.u32 $0x1, s1  }
0x8c: {  	s17 =	sshll.u32 s0, $0xA;
	s2 =	sadd.s32 s3, s2  }
0x8d: {  	s2 =	sadd.s32 s2, s17  }
0x8e: {  	[smem:$0x3FB4] =	sst s2  }
0x8f: {  	_ = 	snop  }
0x90: {  	s18 =	sld [smem:$0x3FD0];
	(tm) =	ssettm $0x1  }
0x91: {  	s19 =	sld [smem:$0x3FFB];
	_ =	sdelay $0x3  }
0x92: {  	_ =	strace s19  }
0x93: {  	s2 =	sld [smem:$0x3FFC];
	_ =	sdelay $0x3  }
0x94: {  	_ =	strace s2  }
0x95: {  	s2 =	sld [smem:$0x3FFD];
	_ =	sdelay $0x3  }
0x96: {  	_ =	strace s2  }
0x97: {  	_ =	strace $0x8FFFFFFF  }
0x98: {  	s20 =	sld [smem:$0x3FDB];
	_ =	sdelay $0x1  }
0x99: {  	s4 =	simm.s32 $_scs_section_size  }
0x9a: {  	s5 =	simm.s32 $_size__tile_overlayer_lowered;
	s6 =	simm.s32 $_tile_overlayer_lowered  }
0x9b: {  	s7 =	simm.s32 $0x1BFF;
	s21 =	sshll.u32 s6, $0x1;
	s4 =	sadd.s32 s4, s20  }
0x9c: {  	s22 =	simm.s32 $0x0;
	s5 =	sshll.u32 s5, $0x1;
	s6 =	sadd.s32 s21, s4  }
0x9d: {  	[timem:s22], [sflag:s7] =	dma.local [hbm:s6], s5  }
0x9e: {  	_ =	swait.ge [sflag:s7], s5  }
0x9f: {  	s5 =	ssub.s32 $0x0, s5;
	[sflag:s7] =	ssyncset.done $0x0  }
0xa0: {  	[sflag:s7] =	ssyncadd.s32 s5;
	_ =	sdelay $0x1  }
0xa1: {  	s23 =	simm.s32 $0x1B8B  }
0xa2: {  	_ =	swait.ge [sflag:s23], $0x1  }
0xa3: {  	[sflag:s23] =	ssyncset.done $0x0  }
0xa4: {  	[sflag:s23] =	ssyncadd.s32 $0xFFFFFFFF  }
0xa5: {  	s5 =	sld [smem:$0x0]  }
0xa6: {  	s6 =	sand.u32 $0xFFFFFFFE, s1  }
0xa7: {  	p0 =	sne.s32 s1, s6  }
0xa8: {  	s6 =	sshll.u32 @p0 s6, $0xE  }
0xa9: {  	s6 =	sadd.s32 @p0 $0x11B8D, s6;
	s7 =	sshll.u32 @p0 s5, $0x11  }
0xaa: {  	s6 =	sor.u32 @p0 s7, s6  }
0xab: {  	[sflag:s6] =	ssyncadd.remote.s32 @p0 $0x1;
	_ =	sdelay $0x1  }
0xac: {  	s6 =	simm.s32 @p0 $0x1B8D  }
0xad: {  	_ =	swait.eq @p0 [sflag:s6], $0x1  }
0xae: {  	[sflag:s6] =	ssyncadd.s32 @p0 $0xFFFFFFFF  }
0xaf: {  	s7 =	sshll.u32 @!p0 s1, $0xE  }
0xb0: {  	s7 =	sor.u32 @!p0 $0x4000, s7;
	s6 =	simm.s32 @!p0 $0x1B8D  }
0xb1: {  	s5 =	sshll.u32 @!p0 s5, $0x11;
	s7 =	sadd.s32 @!p0 $0x11B8D, s7;
	_ =	swait.eq @!p0 [sflag:s6], $0x1  }
0xb2: {  	s5 =	sor.u32 @!p0 s5, s7;
	[sflag:s6] =	ssyncadd.s32 @!p0 $0xFFFFFFFF  }
0xb3: {  	s25 =	simm.s32 $0x1B8E;
	s24 =	sld [smem:$0x3FFE];
	[sflag:s5] =	ssyncadd.remote.s32 @!p0 $0x1  }
0xb4: {  	s26 =	simm.s32 $execute0_lowered;
	[smem:$0x3FD2] =	sst s25  }
0xb5: {  	s6 =	sshll.u32 s26, $0x1;
	_ =	strace $0x80000052;
	[dreg:$0x1] =	wrdreg $0xFFFFFFFF  }
0xb6: {  	s28 =	simm.s32 $_size_execute0_lowered;
	s4 =	sadd.s32 s4, s6;
	[dreg:$0x0] =	wrdreg $0x0  }
0xb7: {  	s6 =	sshll.u32 s28, $0x1;
	[dreg:$0x2] =	wrdreg s4  }
0xb8: {  	[dreg:$0x3] =	wrdreg s6  }
0xb9: {  	[dreg:$0x4] =	wrdreg $0xC0  }
0xba: {  	_ =	task [dreg:s22], $0x5FFFF  }
0xbb: {  	[dreg:$0x1] =	wrdreg $0xFFFFFFFF  }
0xbc: {  	[dreg:$0x0] =	wrdreg $0x60  }
0xbd: {  	[dreg:$0x2] =	wrdreg s24  }
0xbe: {  	[dreg:$0x3] =	wrdreg s18  }
0xbf: {  	[dreg:$0x4] =	wrdreg $0x54000  }
0xc0: {  	[dreg:$0x5] =	wrdreg $0xB  }
0xc1: {  	_ =	task.clear_ibuf [dreg:s22], $0x6FFFF;
	_ =	strace $0x90000052  }
0xc2: {  	s29 =	simm.s32 $0xB;
	_ =	strace $0x80000054  }
0xc3: {  	_ =	swait.ge [sflag:s29], $0x1  }
0xc4: {  	[sflag:s29] =	ssyncadd.s32 $0xFFFFFFFF  }
0xc5: {  	_ =	strace $0x90000054  }
0xc6: {  	_ =	sfence  }
0xc7: {  	s30 =	sld [smem:$0x0];
	_ =	sdelay $0x2  }
0xc8: {  	s31 =	sshll.u32 s1, $0xD;
	s1 =	sshrl.u32 s1, $0x2  }
0xc9: {  	s4 =	sand.u32 $0x4000, s31;
	s1 =	sadd.s32 s1, s30  }
0xca: {  	s0 =	sor.u32 s4, s0;
	s1 =	sshll.u32 s1, $0x11  }
0xcb: {  	s0 =	sor.u32 s1, s0  }
0xcc: {  	s0 =	sadd.s32 $0x8F2B, s0  }
0xcd: {  	[sflag:s0] =	ssyncadd.remote.s32 $0x1  }
0xce: {  	_ =	sfence.sel $0xFFFF  }
0xcf: {  	[dreg:$0x0] =	wrdreg $0xFFFFFFFF;
	(pc) =	sbr.abs _section_cstart, $3  }
0xd0: {  	[dreg:$0x1] =	wrdreg $0xFFFFFFFF  }
0xd1: {  	_ =	task.clear_ibuf [dreg:s22], $0x2FFFF;
	_ =	strace $0x9FFFFFFF  }
0xd2: {  	(tm) =	ssettm $0x7FFFFFFF  }
0xd3: {  	_ =	shalt  }
tec
execute0_lowered:
.L_overlay_start_1:
0x0: {  	(tag) =	ssettag $0x1  }
0x1: {  	s4 =	rddreg [dreg:$0x0]  }
0x2: {  	s1 =	rddreg [dreg:$0x1]  }
0x3: {  	s2 =	rddreg [dreg:$0x2]  }
0x4: {  	s0 =	rddreg [dreg:$0x3];
	s3 =	simm.s32 $0x0  }
0x5: {  	s5 =	srdreg.scid;
	s8 =	stileid.u32;
	s12 =	simm.s32 $0x28  }
0x6: {  	s13 =	simm.s32 $0x0;
	[smem:$0x7FF] =	sst s3;
	s6 =	sand.u32 $0x1, s5  }
0x7: {  	s28 =	smul.u32 $0x27100, s8;
	s7 =	sshll.u32 s8, $0xC;
	p0 =	sne.s32 s8, $0x0  }
0x8: {  	s9 =	sshll.u32 s6, $0xB;
	_ =	strace $0x80000053;
	s11 =	smul.u32 $0x13880, s6  }
0x9: {  	s31 =	ssub.s32 $0x2, s6;
	s6 =	smul.u32 $0x138800, s6;
	s7 =	sor.u32 s9, s7  }
0xa: {  	s29 =	sadd.s32 s28, s4;
	s10 =	sshrl.u32 s31, $0x1;
	s30 =	sadd.s32 s7, s4  }
0xb: {  	s4 =	sadd.s32 $0x4E6000, s4;
	s7 =	ssub.s32 s31, s10;
	s9 =	sadd.s32 s11, s29  }
0xc: {  	s10 =	simm.s32 $0x1;
	s11 =	simm.s32 $0x4000;
	s5 =	sadd.s32 $0x3D5B400, s30  }
0xd: {  	s7 =	smax.u32 s7, $0x1;
	s8 =	sadd.s32 $0x64EB400, s9;
	s9 =	sshrl.u32 @!p0 s2, $0x3  }
.LBB2_1:
0xe: {  	s14 =	smov.u32 s8;
	s15 =	simm.s32 $0x0  }
.LBB2_2:
0xf: {  	s16 =	simm.s32 @!p0 $0x1C01  }
0x10: {  	[spmem:s9], [sflag:s16] =	dma.local @!p0 [hbm:s1], $0x27100  }
0x11: {  	s16 =	simm.s32 @!p0 $0x1  }
0x12: {  	_ =	swait.ge @!p0 [sflag:s16], $0x27100  }
0x13: {  	[sflag:s16] =	ssyncset.done @!p0 $0x0  }
0x14: {  	s30 =	sshll.u32 s15, $0x10;
	[sflag:s16] =	ssyncadd.s32 @!p0 $0xFFFD8F00  }
0x15: {  	s17 =	simm.s32 $0x0;
	s16 =	sadd.s32 s30, s5;
	[bflag:$0x0] =	sbarrier.arrive $0xFFFF  }
0x16: {  	[tilespmem:s17], [sflag:$0x1] =	stream.linear.gather [hbm4b:s16+s17], $0x3E80, $0x38;
	[tilespmem:$0x18C80] =	vst v63  }
0x17: {  	_ =	swait.ge [sflag:s10], $0x3E80  }
0x18: {  	[sflag:s10] =	ssyncset.done $0x0  }
0x19: {  	[sflag:s10] =	ssyncadd.s32 $0xFFFFC180  }
0x1a: {  	[tilespmem:s11], [sflag:$0x1] =	stream.linear.gather [hbm4b:s14+s3], $0x1400, $0x38;
	[tilespmem:$0x18C80] =	vst v63  }
0x1b: {  	_ =	swait.ge [sflag:s10], $0x1400  }
0x1c: {  	[sflag:s10] =	ssyncset.done $0x0  }
0x1d: {  	s31 =	simm.s32 $0x0;
	[sflag:s10] =	ssyncadd.s32 $0xFFFFEC00  }
0x1e: {  	[spmem:s2] =	stream.indirect.scatter.add.f32 [tilespmem:s11], [sflag:$0x1], $0x80, s31, s12, $0xb8;
	[tilespmem:$0x18C80] =	vst v63  }
0x1f: {  	_ =	swait.ge [sflag:s10], $0x1400  }
0x20: {  	s16 =	simm.s32 $0x200;
	s17 =	smov.u32 s14;
	[sflag:s10] =	ssyncset.done $0x0  }
.LBB2_3:
0x21: {  	p1 =	sne.s32 s16, $0xF800;
	[sflag:s10] =	ssyncadd.s32 $0xFFFFEC00;
	s17 =	sadd.s32 $0x280, s17  }
0x22: {  	[tilespmem:s11], [sflag:$0x1] =	stream.linear.gather [hbm4b:s17+s3], $0x1400, $0x38;
	[tilespmem:$0x18C80] =	vst v63  }
0x23: {  	s18 =	smov.u32 s16;
	s16 =	sadd.s32 $0x200, s16;
	_ =	swait.ge [sflag:s10], $0x1400  }
.Ltmp0:
0x24: {  	[sflag:s10] =	ssyncset.done $0x0;
	(pc) =	sbr.rel @p1 .LBB2_3-.Ltmp0, $4  }
0x25: {  	s18 =	sshra.s32 s18, $0x2;
	[sflag:s10] =	ssyncadd.s32 $0xFFFFEC00  }
0x26: {  	[spmem:s2] =	stream.indirect.scatter.add.f32 [tilespmem:s11], [sflag:$0x1], $0x80, s18, s12, $0xb8;
	[tilespmem:$0x18C80] =	vst v63  }
0x27: {  	_ =	swait.ge [sflag:s10], $0x1400  }
0x28: {  	[sflag:s10] =	ssyncset.done $0x0  }
0x29: {  	s16 =	smul.u32 @!p0 $0x271000, s15;
	_ =	sdelay $0x1  }
0x2a: {  	s16 =	sadd.s32 @!p0 s6, s16  }
0x2b: {  	[sflag:s10] =	ssyncadd.s32 $0xFFFFEC00;
	s17 =	simm.s32 @!p0 $0x1C01;
	s16 =	sshrl.u32 @!p0 s16, $0x3  }
0x2c: {  	s15 =	sadd.s32 $0x1, s15;
	[bflag:$0x0] =	sbarrier.arrive $0xFFFF;
	s16 =	sadd.s32 @!p0 s4, s16  }
0x2d: {  	[hbm:s16], [sflag:s17] =	dma.local @!p0 [spmem:s9], $0x27100  }
0x2e: {  	p1 =	sne.s32 s15, $0x8;
	s16 =	simm.s32 @!p0 $0x1  }
.Ltmp1:
0x2f: {  	_ =	swait.ge @!p0 [sflag:s16], $0x27100;
	(pc) =	sbr.rel @p1 .LBB2_2-.Ltmp1, $4  }
0x30: {  	[sflag:s16] =	ssyncset.done @!p0 $0x0  }
0x31: {  	[sflag:s16] =	ssyncadd.s32 @!p0 $0xFFFD8F00  }
0x32: {  	[bflag:$0x0] =	sbarrier.arrive $0xFFFF  }
0x33: {  	s14 =	sadd.s32 $0x271000, s14  }
0x34: {  	s13 =	sadd.s32 $0x1, s13  }
0x35: {  	p1 =	sne.s32 s13, s7  }
.Ltmp2:
0x36: {  	_ = 	snop;
	(pc) =	sbr.rel @p1 .LBB2_1-.Ltmp2, $1  }
0x37: {  	_ =	sdelay $0x3  }
0x38: {  	_ =	sfence.sel $0x180000  }
0x39: {  	[bflag:$0x0] =	sbarrier.arrive $0xFFFF  }
0x3a: {  	_ =	strace $0x90000053  }
0x3b: {  	s0 =	sadd.s32 @!p0 $0x100000, s0;
	[bflag:$0x2] =	sbarrier.arrive $0xFFFF  }
0x3c: {  	[sflag:s0] =	ssyncadd.tile.s32 @!p0 $0x1;
	_ =	shalt  }
.Lfunc_end2:
_tile_overlayer_lowered:
.L_overlay_start_2:
0x3d: {  	(tag) =	ssettag $0x2  }
0x3e: {  	s0 =	rddreg [dreg:$0x0];
	s2 =	stileid.u32  }
0x3f: {  	s1 =	rddreg [dreg:$0x1];
	p0 =	sne.s32 s2, $0x0  }
0x40: {  	s3 =	rddreg [dreg:$0x2];
	[bflag:$0x3] =	sbarrier.arrive $0xFFFF;
	s2 =	simm.s32 @!p0 $0x1C01  }
0x41: {  	[timem:s3], [sflag:s2] =	dma.local @!p0 [hbm:s0], s1  }
0x42: {  	s0 =	simm.s32 @!p0 $0x1  }
0x43: {  	_ =	swait.ge @!p0 [sflag:s0], s1  }
0x44: {  	s1 =	ssub.s32 @!p0 $0x0, s1;
	[sflag:s0] =	ssyncset.done @!p0 $0x0  }
0x45: {  	[sflag:s0] =	ssyncadd.s32 @!p0 s1  }
0x46: {  	[bflag:$0x3] =	sbarrier.arrive $0xFFFF  }
0x47: {  	_ =	shalt  }

</sc_bundles>
